<compile_context>
chip_gen: v7x
topology: tpu7x:2x2x1
jax: 0.10.2.dev20260603
libtpu: 0.0.44.dev20260713+nightly
codegen_flags: <defaults>
</compile_context>

<pallas_src>
import functools

import jax
import jax.numpy as jnp
from jax import lax
from jax.experimental import pallas as pl
from jax.experimental.pallas import tpu as pltpu
from jax.experimental.pallas import tpu_sc as plsc

N = 10000
E = 320000
NFEAT = 128
NHID = 128
NCLASS = 40
EPS = 1e-5

NC = 2
NS = 16
NW = NC * NS
EPT = E // NW
CHUNK = 128
NCH = -(-EPT // CHUNK)
EPT_PAD = NCH * CHUNK
ROWS_PER_TILE = 640
N_PAD = NS * ROWS_PER_TILE
DUMP_ROW = N

_BN_SCALE = 1.0 / (1.0 + EPS) ** 0.5


def _sc_seg_sum_body(C, support_hbm, srcp_hbm, dstp_hbm, out_hbm,
                     src_v, dst_v, rows_v, agg_sh, sem):
    cid = lax.axis_index("c")
    sid = lax.axis_index("s")
    wid = cid * NS + sid

    pltpu.sync_copy(srcp_hbm.at[wid], src_v)
    pltpu.sync_copy(dstp_hbm.at[wid], dst_v)

    zeros16 = jnp.zeros((16,), jnp.float32)

    def _zero_row(r, _):
        for j in range(C // 16):
            rows_v[0, r, pl.ds(j * 16, 16)] = zeros16
        return 0

    lax.fori_loop(0, CHUNK, _zero_row, 0)
    base = sid * ROWS_PER_TILE
    for k in range(ROWS_PER_TILE // CHUNK):
        pltpu.sync_copy(rows_v.at[0],
                        agg_sh.at[pl.ds(base + k * CHUNK, CHUNK)])
    plsc.subcore_barrier()

    def _chunk(j, _):
        pltpu.async_copy(support_hbm.at[src_v.at[j]], rows_v.at[0],
                         sem).wait()
        pltpu.sync_copy(rows_v.at[0], agg_sh.at[dst_v.at[j]], add=True)
        return 0

    lax.fori_loop(0, NCH, _chunk, 0)
    plsc.subcore_barrier()

    pltpu.sync_copy(agg_sh.at[pl.ds(sid * ROWS_PER_TILE, ROWS_PER_TILE)],
                    out_hbm.at[cid, pl.ds(sid * ROWS_PER_TILE, ROWS_PER_TILE)])


@functools.lru_cache(maxsize=None)
def _make_sc_seg_sum(C):
    mesh = plsc.VectorSubcoreMesh(core_axis_name="c", subcore_axis_name="s",
                                  num_cores=NC, num_subcores=NS)
    return functools.partial(
        pl.kernel,
        out_type=jax.ShapeDtypeStruct((NC, N_PAD, C), jnp.float32),
        mesh=mesh,
        scratch_types=[
            pltpu.VMEM((NCH, CHUNK), jnp.int32),
            pltpu.VMEM((NCH, CHUNK), jnp.int32),
            pltpu.VMEM((1, CHUNK, C), jnp.float32),
            pltpu.VMEM_SHARED((N_PAD, C), jnp.float32),
            pltpu.SemaphoreType.DMA,
        ],
    )(functools.partial(_sc_seg_sum_body, C))


def _sc_seg_sum_128(sup, srcp, dstp):
    return _make_sc_seg_sum(128)(sup, srcp, dstp)





_BR = 2000


def _tc_in_body(x_ref, w_ref, s_ref, b_ref, sup_ref, aux_ref):
    x = x_ref[...]
    sup_ref[...] = jnp.dot(x, w_ref[...], preferred_element_type=jnp.float32)
    aux_ref[...] = (jnp.dot(x, s_ref[...], preferred_element_type=jnp.float32)
                    + b_ref[...])


def _tc_mid_body(part_ref, aux_ref, g_ref, be_ref, w_ref, s_ref, b_ref,
                 x_ref, sup_ref, aux2_ref):
    agg = part_ref[0] + part_ref[1]
    x = (agg + aux_ref[...]) * (g_ref[...] * _BN_SCALE) + be_ref[...]
    x_ref[...] = x
    sup_ref[...] = jnp.dot(x, w_ref[...], preferred_element_type=jnp.float32)
    aux2_ref[...] = (jnp.dot(x, s_ref[...], preferred_element_type=jnp.float32)
                     + b_ref[...])


def _tc_res_body(part_ref, aux_ref, g_ref, be_ref, x1_ref, w_ref, s_ref, b_ref,
                 sup_ref, aux2_ref):
    agg = part_ref[0] + part_ref[1]
    h2 = (agg + aux_ref[...]) * (g_ref[...] * _BN_SCALE) + be_ref[...]
    x2 = h2 + x1_ref[...]
    sup_ref[...] = jnp.dot(x2, w_ref[...], preferred_element_type=jnp.float32)
    aux2_ref[...] = (jnp.dot(x2, s_ref[...], preferred_element_type=jnp.float32)
                     + b_ref[...])


def _tc_out_body(part_ref, aux_ref, g_ref, be_ref, out_ref):
    agg = part_ref[0] + part_ref[1]
    xo = (agg + aux_ref[...]) * (g_ref[...] * _BN_SCALE) + be_ref[...]
    col = lax.broadcasted_iota(jnp.int32, xo.shape, 1)
    valid = col < NCLASS
    z = jnp.where(valid, xo, -jnp.inf)
    m = jnp.max(z, axis=1, keepdims=True)
    e = jnp.where(valid, jnp.exp(z - m), 0.0)
    lse = jnp.log(jnp.sum(e, axis=1, keepdims=True)) + m
    out_ref[...] = (z - lse)[:, :NCLASS]


def _row_spec(c):
    return pl.BlockSpec((_BR, c), lambda i: (i, 0))


def _part_spec(c):
    return pl.BlockSpec((NC, _BR, c), lambda i: (0, i, 0))


def _full_spec(r, c):
    return pl.BlockSpec((r, c), lambda i: (0, 0))


def _vec_spec(c):
    return pl.BlockSpec((1, c), lambda i: (0, 0))


_GRID = N // _BR


def _tc_in(x, w, s, b):
    return pl.pallas_call(
        _tc_in_body,
        grid=(_GRID,),
        in_specs=[_row_spec(128), _full_spec(128, 128), _full_spec(128, 128),
                  _vec_spec(128)],
        out_specs=[_row_spec(128), _row_spec(128)],
        out_shape=[jax.ShapeDtypeStruct((N, 128), jnp.float32)] * 2,
    )(x, w, s, b)


def _tc_mid(part, aux, g, be, w, s, b):
    return pl.pallas_call(
        _tc_mid_body,
        grid=(_GRID,),
        in_specs=[_part_spec(128), _row_spec(128), _vec_spec(128),
                  _vec_spec(128), _full_spec(128, 128), _full_spec(128, 128),
                  _vec_spec(128)],
        out_specs=[_row_spec(128)] * 3,
        out_shape=[jax.ShapeDtypeStruct((N, 128), jnp.float32)] * 3,
    )(part, aux, g, be, w, s, b)


def _tc_res(part, aux, g, be, x1, w, s, b):
    return pl.pallas_call(
        _tc_res_body,
        grid=(_GRID,),
        in_specs=[_part_spec(128), _row_spec(128), _vec_spec(128),
                  _vec_spec(128), _row_spec(128), _full_spec(128, 128),
                  _full_spec(128, 128), _vec_spec(128)],
        out_specs=[_row_spec(128)] * 2,
        out_shape=[jax.ShapeDtypeStruct((N, 128), jnp.float32)] * 2,
    )(part, aux, g, be, x1, w, s, b)


def _tc_out(part, aux, g, be):
    return pl.pallas_call(
        _tc_out_body,
        grid=(_GRID,),
        in_specs=[_part_spec(128), _row_spec(128), _vec_spec(128),
                  _vec_spec(128)],
        out_specs=_row_spec(NCLASS),
        out_shape=jax.ShapeDtypeStruct((N, NCLASS), jnp.float32),
    )(part, aux, g, be)


def kernel(fea, edge_index, W_in, S_in, b_in, g_in, be_in,
           W1, S1, b1, g1, be1, W2, S2, b2, g2, be2,
           W_out, S_out, b_out, g_out, be_out):
    src = edge_index[0].reshape(NW, EPT)
    dst = edge_index[1].reshape(NW, EPT)
    pad = ((0, 0), (0, EPT_PAD - EPT))
    srcp = jnp.pad(src, pad).reshape(NW, NCH, CHUNK)
    dump = (DUMP_ROW + jnp.arange(NW, dtype=jnp.int32))[:, None]
    dstp = jnp.concatenate(
        [dst, jnp.broadcast_to(dump, (NW, EPT_PAD - EPT))],
        axis=1).reshape(NW, NCH, CHUNK)

    def v(a, c=128):
        return jnp.pad(a, (0, c - a.shape[0])).reshape(1, c)

    Wop = jnp.pad(W_out, ((0, 0), (0, 128 - NCLASS)))
    Sop = jnp.pad(S_out, ((0, 0), (0, 128 - NCLASS)))

    sup_in, aux_in = _tc_in(fea, W_in, S_in, v(b_in))
    part1 = _sc_seg_sum_128(sup_in, srcp, dstp)
    x1, sup1, aux1 = _tc_mid(part1, aux_in, v(g_in), v(be_in), W1, S1, v(b1))
    part2 = _sc_seg_sum_128(sup1, srcp, dstp)
    h1, sup2, aux2 = _tc_mid(part2, aux1, v(g1), v(be1), W2, S2, v(b2))
    del h1
    part3 = _sc_seg_sum_128(sup2, srcp, dstp)
    sup_o, aux_o = _tc_res(part3, aux2, v(g2), v(be2), x1, Wop, Sop, v(b_out))
    part4 = _sc_seg_sum_128(sup_o, srcp, dstp)
    return _tc_out(part4, aux_o, v(g_out), v(be_out))

# --- scband reference (transcript-rebuilt; emitter-appended) ---
"""Pipeline reference for scband-gcnmodel-85864986181815 (READ-ONLY COPY).

The authoritative reference and input builder live on the scoring server;
editing this copy changes nothing except your own understanding.
"""

import jax, jax.numpy as jnp
import numpy as np

N = 10000
E = 320000
NFEAT = 128
NHID = 128
NCLASS = 40
EPS = 1e-5


def _glorot(key, fan_in, fan_out):
    stdv = 1.0 / np.sqrt(fan_out)
    return jax.random.uniform(key, (fan_in, fan_out), dtype=jnp.float32, minval=-stdv, maxval=stdv)


def setup_inputs(seed: int = 0) -> dict:
    key = jax.random.key(seed)
    ks = jax.random.split(key, 32)
    fea = jax.random.normal(ks[0], (N, NFEAT), dtype=jnp.float32)
    edge_index = jax.random.randint(ks[1], (2, E), 0, N, dtype=jnp.int32)
    inp = {"fea": fea, "edge_index": edge_index}
    # input GCN layer (nfeat -> nhid)
    inp["W_in"] = _glorot(ks[2], NFEAT, NHID)
    inp["S_in"] = _glorot(ks[3], NFEAT, NHID)
    inp["b_in"] = jnp.zeros((NHID,), dtype=jnp.float32)
    inp["g_in"] = jnp.ones((NHID,), dtype=jnp.float32)
    inp["be_in"] = jnp.zeros((NHID,), dtype=jnp.float32)
    # ResGCN block: 2 base layers (nhid -> nhid)
    inp["W1"] = _glorot(ks[4], NHID, NHID)
    inp["S1"] = _glorot(ks[5], NHID, NHID)
    inp["b1"] = jnp.zeros((NHID,), dtype=jnp.float32)
    inp["g1"] = jnp.ones((NHID,), dtype=jnp.float32)
    inp["be1"] = jnp.zeros((NHID,), dtype=jnp.float32)
    inp["W2"] = _glorot(ks[6], NHID, NHID)
    inp["S2"] = _glorot(ks[7], NHID, NHID)
    inp["b2"] = jnp.zeros((NHID,), dtype=jnp.float32)
    inp["g2"] = jnp.ones((NHID,), dtype=jnp.float32)
    inp["be2"] = jnp.zeros((NHID,), dtype=jnp.float32)
    # output GCN layer (nhid -> nclass)
    inp["W_out"] = _glorot(ks[8], NHID, NCLASS)
    inp["S_out"] = _glorot(ks[9], NHID, NCLASS)
    inp["b_out"] = jnp.zeros((NCLASS,), dtype=jnp.float32)
    inp["g_out"] = jnp.ones((NCLASS,), dtype=jnp.float32)
    inp["be_out"] = jnp.zeros((NCLASS,), dtype=jnp.float32)
    return inp


def reference(fea, edge_index, W_in, S_in, b_in, g_in, be_in, W1, S1, b1, g1, be1, W2, S2, b2, g2, be2, W_out, S_out, b_out, g_out, be_out):
    src = edge_index[0]
    dst = edge_index[1]

    def gcn_bs(x, W, S, b, g, be):
        # GraphConvolutionBS: spmm(adj, x @ W) + x @ S + b, then BatchNorm1d (eval: running stats 0/1), identity activation
        support = x @ W
        agg = jax.ops.segment_sum(jnp.take(support, src, axis=0), dst, num_segments=N)
        out = agg + x @ S + b
        out = (out / jnp.sqrt(1.0 + EPS)) * g + be
        return out

    # input layer (dropout is no-op in eval)
    x = gcn_bs(fea, W_in, S_in, b_in, g_in, be_in)
    # ResGCN block: two GCN layers with additive residual (aggrmethod='add', dense=False)
    h = gcn_bs(x, W1, S1, b1, g1, be1)
    h = gcn_bs(h, W2, S2, b2, g2, be2)
    x = h + x
    # output layer + log_softmax
    out = gcn_bs(x, W_out, S_out, b_out, g_out, be_out)
    return jax.nn.log_softmax(out, axis=1)

if __name__ == "__main__":
    import jax
    _d = setup_inputs()
    print(jax.jit(kernel)(*tuple(_d.values())))

</pallas_src>

<mosaic_0001>
#map = affine_map<(d0, d1) -> (0, 0)>
#map1 = affine_map<(d0, d1) -> (0, 0, 0)>
module attributes {stable_mosaic.version = 14 : i64} {
  func.func @_sc_seg_sum_body(%arg0: i32, %arg1: i32, %arg2: memref<10000x128xf32, #tpu.memory_space<hbm>>, %arg3: memref<32x79x128xi32, #tpu.memory_space<hbm>>, %arg4: memref<32x79x128xi32, #tpu.memory_space<hbm>>, %arg5: memref<2x10240x128xf32, #tpu.memory_space<hbm>>, %arg6: memref<79x128xi32, #tpu.memory_space<vmem>>, %arg7: memref<79x128xi32, #tpu.memory_space<vmem>>, %arg8: memref<1x128x128xf32, #tpu.memory_space<vmem>>, %arg9: memref<10240x128xf32, #tpu.memory_space<vmem_shared>>, %arg10: memref<!tpu.dma_semaphore, #tpu.memory_space<semaphore_mem>>) attributes {dimension_semantics = [#tpu.dimension_semantics<core_parallel>, #tpu.dimension_semantics<subcore_parallel>], iteration_bounds = array<i64: 2, 16>, scalar_prefetch = 0 : i64, scratch_operands = 5 : i64, tpu.core_type = #tpu.core_type<sc_vector_subcore>, window_params = [{transform_indices = #map}, {transform_indices = #map1}, {transform_indices = #map1}, {transform_indices = #map1}]} {
    %mul3A = arith.constant 16 : i32
    %mul3A_0 = arith.muli %arg0, %mul3A : i32
    %add3A = arith.addi %mul3A_0, %arg1 : i32
    "tpu.region"() ({
      %run_scoped3A_36 = tpu.sem_alloc : memref<!tpu.dma_semaphore, #tpu.memory_space<semaphore_mem>>
      %dma_start3A = arith.constant 0 : i32
      %dma_start3A_37 = arith.constant 0 : i32
      %dma_start3A_38 = tpu.memref_slice %arg3[%add3A, %dma_start3A, %dma_start3A_37] : memref<32x79x128xi32, #tpu.memory_space<hbm>> -> memref<1x79x128xi32, #tpu.memory_space<hbm>>
      %dma_start3A_39 = tpu.memref_squeeze %dma_start3A_38 : memref<1x79x128xi32, #tpu.memory_space<hbm>> -> memref<79x128xi32, #tpu.memory_space<hbm>>
      %dma_start3A_40 = arith.constant 0 : i32
      %dma_start3A_41 = arith.constant 0 : i32
      %dma_start3A_42 = tpu.memref_slice %arg3[%add3A, %dma_start3A_40, %dma_start3A_41] : memref<32x79x128xi32, #tpu.memory_space<hbm>> -> memref<1x79x128xi32, #tpu.memory_space<hbm>>
      %dma_start3A_43 = tpu.memref_squeeze %dma_start3A_42 : memref<1x79x128xi32, #tpu.memory_space<hbm>> -> memref<79x128xi32, #tpu.memory_space<hbm>>
      tpu.enqueue_dma source(%dma_start3A_43 : memref<79x128xi32, #tpu.memory_space<hbm>>) target(%arg6 : memref<79x128xi32, #tpu.memory_space<vmem>>) target_semaphore(%run_scoped3A_36 : memref<!tpu.dma_semaphore, #tpu.memory_space<semaphore_mem>>)
      %dma_wait3A = arith.constant 0 : i32
      %dma_wait3A_44 = arith.constant 0 : i32
      %dma_wait3A_45 = tpu.memref_slice %arg3[%add3A, %dma_wait3A, %dma_wait3A_44] : memref<32x79x128xi32, #tpu.memory_space<hbm>> -> memref<1x79x128xi32, #tpu.memory_space<hbm>>
      %dma_wait3A_46 = tpu.memref_squeeze %dma_wait3A_45 : memref<1x79x128xi32, #tpu.memory_space<hbm>> -> memref<79x128xi32, #tpu.memory_space<hbm>>
      %dma_wait3A_47 = arith.constant 0 : i32
      %dma_wait3A_48 = arith.constant 0 : i32
      %dma_wait3A_49 = tpu.memref_slice %arg3[%add3A, %dma_wait3A_47, %dma_wait3A_48] : memref<32x79x128xi32, #tpu.memory_space<hbm>> -> memref<1x79x128xi32, #tpu.memory_space<hbm>>
      %dma_wait3A_50 = tpu.memref_squeeze %dma_wait3A_49 : memref<1x79x128xi32, #tpu.memory_space<hbm>> -> memref<79x128xi32, #tpu.memory_space<hbm>>
      tpu.wait_dma2 semaphore(%run_scoped3A_36 : memref<!tpu.dma_semaphore, #tpu.memory_space<semaphore_mem>>) src(%dma_wait3A_50 : memref<79x128xi32, #tpu.memory_space<hbm>>) dst(%arg6 : memref<79x128xi32, #tpu.memory_space<vmem>>)
      tpu.yield
    }) : () -> ()
    "tpu.region"() ({
      %run_scoped3A_36 = tpu.sem_alloc : memref<!tpu.dma_semaphore, #tpu.memory_space<semaphore_mem>>
      %dma_start3A = arith.constant 0 : i32
      %dma_start3A_37 = arith.constant 0 : i32
      %dma_start3A_38 = tpu.memref_slice %arg4[%add3A, %dma_start3A, %dma_start3A_37] : memref<32x79x128xi32, #tpu.memory_space<hbm>> -> memref<1x79x128xi32, #tpu.memory_space<hbm>>
      %dma_start3A_39 = tpu.memref_squeeze %dma_start3A_38 : memref<1x79x128xi32, #tpu.memory_space<hbm>> -> memref<79x128xi32, #tpu.memory_space<hbm>>
      %dma_start3A_40 = arith.constant 0 : i32
      %dma_start3A_41 = arith.constant 0 : i32
      %dma_start3A_42 = tpu.memref_slice %arg4[%add3A, %dma_start3A_40, %dma_start3A_41] : memref<32x79x128xi32, #tpu.memory_space<hbm>> -> memref<1x79x128xi32, #tpu.memory_space<hbm>>
      %dma_start3A_43 = tpu.memref_squeeze %dma_start3A_42 : memref<1x79x128xi32, #tpu.memory_space<hbm>> -> memref<79x128xi32, #tpu.memory_space<hbm>>
      tpu.enqueue_dma source(%dma_start3A_43 : memref<79x128xi32, #tpu.memory_space<hbm>>) target(%arg7 : memref<79x128xi32, #tpu.memory_space<vmem>>) target_semaphore(%run_scoped3A_36 : memref<!tpu.dma_semaphore, #tpu.memory_space<semaphore_mem>>)
      %dma_wait3A = arith.constant 0 : i32
      %dma_wait3A_44 = arith.constant 0 : i32
      %dma_wait3A_45 = tpu.memref_slice %arg4[%add3A, %dma_wait3A, %dma_wait3A_44] : memref<32x79x128xi32, #tpu.memory_space<hbm>> -> memref<1x79x128xi32, #tpu.memory_space<hbm>>
      %dma_wait3A_46 = tpu.memref_squeeze %dma_wait3A_45 : memref<1x79x128xi32, #tpu.memory_space<hbm>> -> memref<79x128xi32, #tpu.memory_space<hbm>>
      %dma_wait3A_47 = arith.constant 0 : i32
      %dma_wait3A_48 = arith.constant 0 : i32
      %dma_wait3A_49 = tpu.memref_slice %arg4[%add3A, %dma_wait3A_47, %dma_wait3A_48] : memref<32x79x128xi32, #tpu.memory_space<hbm>> -> memref<1x79x128xi32, #tpu.memory_space<hbm>>
      %dma_wait3A_50 = tpu.memref_squeeze %dma_wait3A_49 : memref<1x79x128xi32, #tpu.memory_space<hbm>> -> memref<79x128xi32, #tpu.memory_space<hbm>>
      tpu.wait_dma2 semaphore(%run_scoped3A_36 : memref<!tpu.dma_semaphore, #tpu.memory_space<semaphore_mem>>) src(%dma_wait3A_50 : memref<79x128xi32, #tpu.memory_space<hbm>>) dst(%arg7 : memref<79x128xi32, #tpu.memory_space<vmem>>)
      tpu.yield
    }) : () -> ()
    %broadcast_in_dim3A = arith.constant 0.000000e+00 : f32
    %broadcast_in_dim3A_1 = vector.broadcast %broadcast_in_dim3A : f32 to vector<16xf32>
    %scan3A = arith.constant 0 : i32
    %scan3A_2 = arith.constant 0 : i32
    %scan3A_3 = arith.constant 128 : i32
    %scan3A_4 = arith.addi %scan3A_2, %scan3A_3 : i32
    %scan3A_5 = arith.constant 1 : i32
    %scan3A_6 = scf.for %scan3A_36 = %scan3A_2 to %scan3A_4 step %scan3A_5 iter_args(%scan3A_37 = %scan3A) -> (i32)  : i32 {
      %swap3A = arith.constant 0 : i32
      %swap3A_38 = arith.index_cast %swap3A : i32 to index
      %swap3A_39 = arith.index_cast %scan3A_36 : i32 to index
      %swap3A_40 = arith.constant 0 : index
      %swap3A_41 = tpu.vector_load %arg8[%swap3A_38, %swap3A_39, %swap3A_40] {strides = array<i32>} : memref<1x128x128xf32, #tpu.memory_space<vmem>>, vector<1x1x16xf32>,
      %swap3A_42 = vector.shape_cast %swap3A_41 : vector<1x1x16xf32> to vector<16xf32>
      %swap3A_43 = vector.shape_cast %broadcast_in_dim3A_1 : vector<16xf32> to vector<1x1x16xf32>
      tpu.vector_store %arg8[%swap3A_38, %swap3A_39, %swap3A_40], %swap3A_43 {strides = array<i32>} : memref<1x128x128xf32, #tpu.memory_space<vmem>>, vector<1x1x16xf32>,
      %swap3A_44 = arith.constant 0 : i32
      %swap3A_45 = arith.index_cast %swap3A_44 : i32 to index
      %swap3A_46 = arith.index_cast %scan3A_36 : i32 to index
      %swap3A_47 = arith.constant 16 : index
      %swap3A_48 = tpu.vector_load %arg8[%swap3A_45, %swap3A_46, %swap3A_47] {strides = array<i32>} : memref<1x128x128xf32, #tpu.memory_space<vmem>>, vector<1x1x16xf32>,
      %swap3A_49 = vector.shape_cast %swap3A_48 : vector<1x1x16xf32> to vector<16xf32>
      %swap3A_50 = vector.shape_cast %broadcast_in_dim3A_1 : vector<16xf32> to vector<1x1x16xf32>
      tpu.vector_store %arg8[%swap3A_45, %swap3A_46, %swap3A_47], %swap3A_50 {strides = array<i32>} : memref<1x128x128xf32, #tpu.memory_space<vmem>>, vector<1x1x16xf32>,
      %swap3A_51 = arith.constant 0 : i32
      %swap3A_52 = arith.index_cast %swap3A_51 : i32 to index
      %swap3A_53 = arith.index_cast %scan3A_36 : i32 to index
      %swap3A_54 = arith.constant 32 : index
      %swap3A_55 = tpu.vector_load %arg8[%swap3A_52, %swap3A_53, %swap3A_54] {strides = array<i32>} : memref<1x128x128xf32, #tpu.memory_space<vmem>>, vector<1x1x16xf32>,
      %swap3A_56 = vector.shape_cast %swap3A_55 : vector<1x1x16xf32> to vector<16xf32>
      %swap3A_57 = vector.shape_cast %broadcast_in_dim3A_1 : vector<16xf32> to vector<1x1x16xf32>
      tpu.vector_store %arg8[%swap3A_52, %swap3A_53, %swap3A_54], %swap3A_57 {strides = array<i32>} : memref<1x128x128xf32, #tpu.memory_space<vmem>>, vector<1x1x16xf32>,
      %swap3A_58 = arith.constant 0 : i32
      %swap3A_59 = arith.index_cast %swap3A_58 : i32 to index
      %swap3A_60 = arith.index_cast %scan3A_36 : i32 to index
      %swap3A_61 = arith.constant 48 : index
      %swap3A_62 = tpu.vector_load %arg8[%swap3A_59, %swap3A_60, %swap3A_61] {strides = array<i32>} : memref<1x128x128xf32, #tpu.memory_space<vmem>>, vector<1x1x16xf32>,
      %swap3A_63 = vector.shape_cast %swap3A_62 : vector<1x1x16xf32> to vector<16xf32>
      %swap3A_64 = vector.shape_cast %broadcast_in_dim3A_1 : vector<16xf32> to vector<1x1x16xf32>
      tpu.vector_store %arg8[%swap3A_59, %swap3A_60, %swap3A_61], %swap3A_64 {strides = array<i32>} : memref<1x128x128xf32, #tpu.memory_space<vmem>>, vector<1x1x16xf32>,
      %swap3A_65 = arith.constant 0 : i32
      %swap3A_66 = arith.index_cast %swap3A_65 : i32 to index
      %swap3A_67 = arith.index_cast %scan3A_36 : i32 to index
      %swap3A_68 = arith.constant 64 : index
      %swap3A_69 = tpu.vector_load %arg8[%swap3A_66, %swap3A_67, %swap3A_68] {strides = array<i32>} : memref<1x128x128xf32, #tpu.memory_space<vmem>>, vector<1x1x16xf32>,
      %swap3A_70 = vector.shape_cast %swap3A_69 : vector<1x1x16xf32> to vector<16xf32>
      %swap3A_71 = vector.shape_cast %broadcast_in_dim3A_1 : vector<16xf32> to vector<1x1x16xf32>
      tpu.vector_store %arg8[%swap3A_66, %swap3A_67, %swap3A_68], %swap3A_71 {strides = array<i32>} : memref<1x128x128xf32, #tpu.memory_space<vmem>>, vector<1x1x16xf32>,
      %swap3A_72 = arith.constant 0 : i32
      %swap3A_73 = arith.index_cast %swap3A_72 : i32 to index
      %swap3A_74 = arith.index_cast %scan3A_36 : i32 to index
      %swap3A_75 = arith.constant 80 : index
      %swap3A_76 = tpu.vector_load %arg8[%swap3A_73, %swap3A_74, %swap3A_75] {strides = array<i32>} : memref<1x128x128xf32, #tpu.memory_space<vmem>>, vector<1x1x16xf32>,
      %swap3A_77 = vector.shape_cast %swap3A_76 : vector<1x1x16xf32> to vector<16xf32>
      %swap3A_78 = vector.shape_cast %broadcast_in_dim3A_1 : vector<16xf32> to vector<1x1x16xf32>
      tpu.vector_store %arg8[%swap3A_73, %swap3A_74, %swap3A_75], %swap3A_78 {strides = array<i32>} : memref<1x128x128xf32, #tpu.memory_space<vmem>>, vector<1x1x16xf32>,
      %swap3A_79 = arith.constant 0 : i32
      %swap3A_80 = arith.index_cast %swap3A_79 : i32 to index
      %swap3A_81 = arith.index_cast %scan3A_36 : i32 to index
      %swap3A_82 = arith.constant 96 : index
      %swap3A_83 = tpu.vector_load %arg8[%swap3A_80, %swap3A_81, %swap3A_82] {strides = array<i32>} : memref<1x128x128xf32, #tpu.memory_space<vmem>>, vector<1x1x16xf32>,
      %swap3A_84 = vector.shape_cast %swap3A_83 : vector<1x1x16xf32> to vector<16xf32>
      %swap3A_85 = vector.shape_cast %broadcast_in_dim3A_1 : vector<16xf32> to vector<1x1x16xf32>
      tpu.vector_store %arg8[%swap3A_80, %swap3A_81, %swap3A_82], %swap3A_85 {strides = array<i32>} : memref<1x128x128xf32, #tpu.memory_space<vmem>>, vector<1x1x16xf32>,
      %swap3A_86 = arith.constant 0 : i32
      %swap3A_87 = arith.index_cast %swap3A_86 : i32 to index
      %swap3A_88 = arith.index_cast %scan3A_36 : i32 to index
      %swap3A_89 = arith.constant 112 : index
      %swap3A_90 = tpu.vector_load %arg8[%swap3A_87, %swap3A_88, %swap3A_89] {strides = array<i32>} : memref<1x128x128xf32, #tpu.memory_space<vmem>>, vector<1x1x16xf32>,
      %swap3A_91 = vector.shape_cast %swap3A_90 : vector<1x1x16xf32> to vector<16xf32>
      %swap3A_92 = vector.shape_cast %broadcast_in_dim3A_1 : vector<16xf32> to vector<1x1x16xf32>
      tpu.vector_store %arg8[%swap3A_87, %swap3A_88, %swap3A_89], %swap3A_92 {strides = array<i32>} : memref<1x128x128xf32, #tpu.memory_space<vmem>>, vector<1x1x16xf32>,
      %scan3A_93 = arith.constant 0 : i32
      scf.yield %scan3A_93 : i32
    }
    %scan3A_7 = arith.constant 128 : i32
    %mul3A_8 = arith.constant 640 : i32
    %mul3A_9 = arith.muli %arg1, %mul3A_8 : i32
    %add3A_10 = arith.constant 0 : i32
    %add3A_11 = arith.addi %mul3A_9, %add3A_10 : i32
    %run_scoped3A = arith.constant 0 : i32
    "tpu.region"() ({
      %run_scoped3A_36 = tpu.sem_alloc : memref<!tpu.dma_semaphore, #tpu.memory_space<semaphore_mem>>
      %dma_start3A = arith.constant 0 : i32
      %dma_start3A_37 = arith.constant 0 : i32
      %dma_start3A_38 = tpu.memref_slice %arg8[%run_scoped3A, %dma_start3A, %dma_start3A_37] : memref<1x128x128xf32, #tpu.memory_space<vmem>> -> memref<1x128x128xf32, #tpu.memory_space<vmem>>
      %dma_start3A_39 = tpu.memref_squeeze %dma_start3A_38 : memref<1x128x128xf32, #tpu.memory_space<vmem>> -> memref<128x128xf32, #tpu.memory_space<vmem>>
      %dma_start3A_40 = arith.constant 0 : i32
      %dma_start3A_41 = tpu.memref_slice %arg9[%add3A_11, %dma_start3A_40] : memref<10240x128xf32, #tpu.memory_space<vmem_shared>> -> memref<128x128xf32, #tpu.memory_space<vmem_shared>>
      %dma_start3A_42 = arith.constant 0 : i32
      %dma_start3A_43 = tpu.memref_slice %arg9[%add3A_11, %dma_start3A_42] : memref<10240x128xf32, #tpu.memory_space<vmem_shared>> -> memref<128x128xf32, #tpu.memory_space<vmem_shared>>
      %dma_start3A_44 = arith.constant 0 : i32
      %dma_start3A_45 = arith.constant 0 : i32
      %dma_start3A_46 = tpu.memref_slice %arg8[%run_scoped3A, %dma_start3A_44, %dma_start3A_45] : memref<1x128x128xf32, #tpu.memory_space<vmem>> -> memref<1x128x128xf32, #tpu.memory_space<vmem>>
      %dma_start3A_47 = tpu.memref_squeeze %dma_start3A_46 : memref<1x128x128xf32, #tpu.memory_space<vmem>> -> memref<128x128xf32, #tpu.memory_space<vmem>>
      tpu.enqueue_dma source(%dma_start3A_47 : memref<128x128xf32, #tpu.memory_space<vmem>>) target(%dma_start3A_43 : memref<128x128xf32, #tpu.memory_space<vmem_shared>>) target_semaphore(%run_scoped3A_36 : memref<!tpu.dma_semaphore, #tpu.memory_space<semaphore_mem>>)
      %dma_wait3A = arith.constant 0 : i32
      %dma_wait3A_48 = arith.constant 0 : i32
      %dma_wait3A_49 = tpu.memref_slice %arg8[%run_scoped3A, %dma_wait3A, %dma_wait3A_48] : memref<1x128x128xf32, #tpu.memory_space<vmem>> -> memref<1x128x128xf32, #tpu.memory_space<vmem>>
      %dma_wait3A_50 = tpu.memref_squeeze %dma_wait3A_49 : memref<1x128x128xf32, #tpu.memory_space<vmem>> -> memref<128x128xf32, #tpu.memory_space<vmem>>
      %dma_wait3A_51 = arith.constant 0 : i32
      %dma_wait3A_52 = tpu.memref_slice %arg9[%add3A_11, %dma_wait3A_51] : memref<10240x128xf32, #tpu.memory_space<vmem_shared>> -> memref<128x128xf32, #tpu.memory_space<vmem_shared>>
      %dma_wait3A_53 = arith.constant 0 : i32
      %dma_wait3A_54 = tpu.memref_slice %arg9[%add3A_11, %dma_wait3A_53] : memref<10240x128xf32, #tpu.memory_space<vmem_shared>> -> memref<128x128xf32, #tpu.memory_space<vmem_shared>>
      %dma_wait3A_55 = arith.constant 0 : i32
      %dma_wait3A_56 = arith.constant 0 : i32
      %dma_wait3A_57 = tpu.memref_slice %arg8[%run_scoped3A, %dma_wait3A_55, %dma_wait3A_56] : memref<1x128x128xf32, #tpu.memory_space<vmem>> -> memref<1x128x128xf32, #tpu.memory_space<vmem>>
      %dma_wait3A_58 = tpu.memref_squeeze %dma_wait3A_57 : memref<1x128x128xf32, #tpu.memory_space<vmem>> -> memref<128x128xf32, #tpu.memory_space<vmem>>
      tpu.wait_dma2 semaphore(%run_scoped3A_36 : memref<!tpu.dma_semaphore, #tpu.memory_space<semaphore_mem>>) src(%dma_wait3A_58 : memref<128x128xf32, #tpu.memory_space<vmem>>) dst(%dma_wait3A_54 : memref<128x128xf32, #tpu.memory_space<vmem_shared>>)
      tpu.yield
    }) : () -> ()
    %add3A_12 = arith.constant 128 : i32
    %add3A_13 = arith.addi %mul3A_9, %add3A_12 : i32
    %run_scoped3A_14 = arith.constant 0 : i32
    "tpu.region"() ({
      %run_scoped3A_36 = tpu.sem_alloc : memref<!tpu.dma_semaphore, #tpu.memory_space<semaphore_mem>>
      %dma_start3A = arith.constant 0 : i32
      %dma_start3A_37 = arith.constant 0 : i32
      %dma_start3A_38 = tpu.memref_slice %arg8[%run_scoped3A_14, %dma_start3A, %dma_start3A_37] : memref<1x128x128xf32, #tpu.memory_space<vmem>> -> memref<1x128x128xf32, #tpu.memory_space<vmem>>
      %dma_start3A_39 = tpu.memref_squeeze %dma_start3A_38 : memref<1x128x128xf32, #tpu.memory_space<vmem>> -> memref<128x128xf32, #tpu.memory_space<vmem>>
      %dma_start3A_40 = arith.constant 0 : i32
      %dma_start3A_41 = tpu.memref_slice %arg9[%add3A_13, %dma_start3A_40] : memref<10240x128xf32, #tpu.memory_space<vmem_shared>> -> memref<128x128xf32, #tpu.memory_space<vmem_shared>>
      %dma_start3A_42 = arith.constant 0 : i32
      %dma_start3A_43 = tpu.memref_slice %arg9[%add3A_13, %dma_start3A_42] : memref<10240x128xf32, #tpu.memory_space<vmem_shared>> -> memref<128x128xf32, #tpu.memory_space<vmem_shared>>
      %dma_start3A_44 = arith.constant 0 : i32
      %dma_start3A_45 = arith.constant 0 : i32
      %dma_start3A_46 = tpu.memref_slice %arg8[%run_scoped3A_14, %dma_start3A_44, %dma_start3A_45] : memref<1x128x128xf32, #tpu.memory_space<vmem>> -> memref<1x128x128xf32, #tpu.memory_space<vmem>>
      %dma_start3A_47 = tpu.memref_squeeze %dma_start3A_46 : memref<1x128x128xf32, #tpu.memory_space<vmem>> -> memref<128x128xf32, #tpu.memory_space<vmem>>
      tpu.enqueue_dma source(%dma_start3A_47 : memref<128x128xf32, #tpu.memory_space<vmem>>) target(%dma_start3A_43 : memref<128x128xf32, #tpu.memory_space<vmem_shared>>) target_semaphore(%run_scoped3A_36 : memref<!tpu.dma_semaphore, #tpu.memory_space<semaphore_mem>>)
      %dma_wait3A = arith.constant 0 : i32
      %dma_wait3A_48 = arith.constant 0 : i32
      %dma_wait3A_49 = tpu.memref_slice %arg8[%run_scoped3A_14, %dma_wait3A, %dma_wait3A_48] : memref<1x128x128xf32, #tpu.memory_space<vmem>> -> memref<1x128x128xf32, #tpu.memory_space<vmem>>
      %dma_wait3A_50 = tpu.memref_squeeze %dma_wait3A_49 : memref<1x128x128xf32, #tpu.memory_space<vmem>> -> memref<128x128xf32, #tpu.memory_space<vmem>>
      %dma_wait3A_51 = arith.constant 0 : i32
      %dma_wait3A_52 = tpu.memref_slice %arg9[%add3A_13, %dma_wait3A_51] : memref<10240x128xf32, #tpu.memory_space<vmem_shared>> -> memref<128x128xf32, #tpu.memory_space<vmem_shared>>
      %dma_wait3A_53 = arith.constant 0 : i32
      %dma_wait3A_54 = tpu.memref_slice %arg9[%add3A_13, %dma_wait3A_53] : memref<10240x128xf32, #tpu.memory_space<vmem_shared>> -> memref<128x128xf32, #tpu.memory_space<vmem_shared>>
      %dma_wait3A_55 = arith.constant 0 : i32
      %dma_wait3A_56 = arith.constant 0 : i32
      %dma_wait3A_57 = tpu.memref_slice %arg8[%run_scoped3A_14, %dma_wait3A_55, %dma_wait3A_56] : memref<1x128x128xf32, #tpu.memory_space<vmem>> -> memref<1x128x128xf32, #tpu.memory_space<vmem>>
      %dma_wait3A_58 = tpu.memref_squeeze %dma_wait3A_57 : memref<1x128x128xf32, #tpu.memory_space<vmem>> -> memref<128x128xf32, #tpu.memory_space<vmem>>
      tpu.wait_dma2 semaphore(%run_scoped3A_36 : memref<!tpu.dma_semaphore, #tpu.memory_space<semaphore_mem>>) src(%dma_wait3A_58 : memref<128x128xf32, #tpu.memory_space<vmem>>) dst(%dma_wait3A_54 : memref<128x128xf32, #tpu.memory_space<vmem_shared>>)
      tpu.yield
    }) : () -> ()
    %add3A_15 = arith.constant 256 : i32
    %add3A_16 = arith.addi %mul3A_9, %add3A_15 : i32
    %run_scoped3A_17 = arith.constant 0 : i32
    "tpu.region"() ({
      %run_scoped3A_36 = tpu.sem_alloc : memref<!tpu.dma_semaphore, #tpu.memory_space<semaphore_mem>>
      %dma_start3A = arith.constant 0 : i32
      %dma_start3A_37 = arith.constant 0 : i32
      %dma_start3A_38 = tpu.memref_slice %arg8[%run_scoped3A_17, %dma_start3A, %dma_start3A_37] : memref<1x128x128xf32, #tpu.memory_space<vmem>> -> memref<1x128x128xf32, #tpu.memory_space<vmem>>
      %dma_start3A_39 = tpu.memref_squeeze %dma_start3A_38 : memref<1x128x128xf32, #tpu.memory_space<vmem>> -> memref<128x128xf32, #tpu.memory_space<vmem>>
      %dma_start3A_40 = arith.constant 0 : i32
      %dma_start3A_41 = tpu.memref_slice %arg9[%add3A_16, %dma_start3A_40] : memref<10240x128xf32, #tpu.memory_space<vmem_shared>> -> memref<128x128xf32, #tpu.memory_space<vmem_shared>>
      %dma_start3A_42 = arith.constant 0 : i32
      %dma_start3A_43 = tpu.memref_slice %arg9[%add3A_16, %dma_start3A_42] : memref<10240x128xf32, #tpu.memory_space<vmem_shared>> -> memref<128x128xf32, #tpu.memory_space<vmem_shared>>
      %dma_start3A_44 = arith.constant 0 : i32
      %dma_start3A_45 = arith.constant 0 : i32
      %dma_start3A_46 = tpu.memref_slice %arg8[%run_scoped3A_17, %dma_start3A_44, %dma_start3A_45] : memref<1x128x128xf32, #tpu.memory_space<vmem>> -> memref<1x128x128xf32, #tpu.memory_space<vmem>>
      %dma_start3A_47 = tpu.memref_squeeze %dma_start3A_46 : memref<1x128x128xf32, #tpu.memory_space<vmem>> -> memref<128x128xf32, #tpu.memory_space<vmem>>
      tpu.enqueue_dma source(%dma_start3A_47 : memref<128x128xf32, #tpu.memory_space<vmem>>) target(%dma_start3A_43 : memref<128x128xf32, #tpu.memory_space<vmem_shared>>) target_semaphore(%run_scoped3A_36 : memref<!tpu.dma_semaphore, #tpu.memory_space<semaphore_mem>>)
      %dma_wait3A = arith.constant 0 : i32
      %dma_wait3A_48 = arith.constant 0 : i32
      %dma_wait3A_49 = tpu.memref_slice %arg8[%run_scoped3A_17, %dma_wait3A, %dma_wait3A_48] : memref<1x128x128xf32, #tpu.memory_space<vmem>> -> memref<1x128x128xf32, #tpu.memory_space<vmem>>
      %dma_wait3A_50 = tpu.memref_squeeze %dma_wait3A_49 : memref<1x128x128xf32, #tpu.memory_space<vmem>> -> memref<128x128xf32, #tpu.memory_space<vmem>>
      %dma_wait3A_51 = arith.constant 0 : i32
      %dma_wait3A_52 = tpu.memref_slice %arg9[%add3A_16, %dma_wait3A_51] : memref<10240x128xf32, #tpu.memory_space<vmem_shared>> -> memref<128x128xf32, #tpu.memory_space<vmem_shared>>
      %dma_wait3A_53 = arith.constant 0 : i32
      %dma_wait3A_54 = tpu.memref_slice %arg9[%add3A_16, %dma_wait3A_53] : memref<10240x128xf32, #tpu.memory_space<vmem_shared>> -> memref<128x128xf32, #tpu.memory_space<vmem_shared>>
      %dma_wait3A_55 = arith.constant 0 : i32
      %dma_wait3A_56 = arith.constant 0 : i32
      %dma_wait3A_57 = tpu.memref_slice %arg8[%run_scoped3A_17, %dma_wait3A_55, %dma_wait3A_56] : memref<1x128x128xf32, #tpu.memory_space<vmem>> -> memref<1x128x128xf32, #tpu.memory_space<vmem>>
      %dma_wait3A_58 = tpu.memref_squeeze %dma_wait3A_57 : memref<1x128x128xf32, #tpu.memory_space<vmem>> -> memref<128x128xf32, #tpu.memory_space<vmem>>
      tpu.wait_dma2 semaphore(%run_scoped3A_36 : memref<!tpu.dma_semaphore, #tpu.memory_space<semaphore_mem>>) src(%dma_wait3A_58 : memref<128x128xf32, #tpu.memory_space<vmem>>) dst(%dma_wait3A_54 : memref<128x128xf32, #tpu.memory_space<vmem_shared>>)
      tpu.yield
    }) : () -> ()
    %add3A_18 = arith.constant 384 : i32
    %add3A_19 = arith.addi %mul3A_9, %add3A_18 : i32
    %run_scoped3A_20 = arith.constant 0 : i32
    "tpu.region"() ({
      %run_scoped3A_36 = tpu.sem_alloc : memref<!tpu.dma_semaphore, #tpu.memory_space<semaphore_mem>>
      %dma_start3A = arith.constant 0 : i32
      %dma_start3A_37 = arith.constant 0 : i32
      %dma_start3A_38 = tpu.memref_slice %arg8[%run_scoped3A_20, %dma_start3A, %dma_start3A_37] : memref<1x128x128xf32, #tpu.memory_space<vmem>> -> memref<1x128x128xf32, #tpu.memory_space<vmem>>
      %dma_start3A_39 = tpu.memref_squeeze %dma_start3A_38 : memref<1x128x128xf32, #tpu.memory_space<vmem>> -> memref<128x128xf32, #tpu.memory_space<vmem>>
      %dma_start3A_40 = arith.constant 0 : i32
      %dma_start3A_41 = tpu.memref_slice %arg9[%add3A_19, %dma_start3A_40] : memref<10240x128xf32, #tpu.memory_space<vmem_shared>> -> memref<128x128xf32, #tpu.memory_space<vmem_shared>>
      %dma_start3A_42 = arith.constant 0 : i32
      %dma_start3A_43 = tpu.memref_slice %arg9[%add3A_19, %dma_start3A_42] : memref<10240x128xf32, #tpu.memory_space<vmem_shared>> -> memref<128x128xf32, #tpu.memory_space<vmem_shared>>
      %dma_start3A_44 = arith.constant 0 : i32
      %dma_start3A_45 = arith.constant 0 : i32
      %dma_start3A_46 = tpu.memref_slice %arg8[%run_scoped3A_20, %dma_start3A_44, %dma_start3A_45] : memref<1x128x128xf32, #tpu.memory_space<vmem>> -> memref<1x128x128xf32, #tpu.memory_space<vmem>>
      %dma_start3A_47 = tpu.memref_squeeze %dma_start3A_46 : memref<1x128x128xf32, #tpu.memory_space<vmem>> -> memref<128x128xf32, #tpu.memory_space<vmem>>
      tpu.enqueue_dma source(%dma_start3A_47 : memref<128x128xf32, #tpu.memory_space<vmem>>) target(%dma_start3A_43 : memref<128x128xf32, #tpu.memory_space<vmem_shared>>) target_semaphore(%run_scoped3A_36 : memref<!tpu.dma_semaphore, #tpu.memory_space<semaphore_mem>>)
      %dma_wait3A = arith.constant 0 : i32
      %dma_wait3A_48 = arith.constant 0 : i32
      %dma_wait3A_49 = tpu.memref_slice %arg8[%run_scoped3A_20, %dma_wait3A, %dma_wait3A_48] : memref<1x128x128xf32, #tpu.memory_space<vmem>> -> memref<1x128x128xf32, #tpu.memory_space<vmem>>
      %dma_wait3A_50 = tpu.memref_squeeze %dma_wait3A_49 : memref<1x128x128xf32, #tpu.memory_space<vmem>> -> memref<128x128xf32, #tpu.memory_space<vmem>>
      %dma_wait3A_51 = arith.constant 0 : i32
      %dma_wait3A_52 = tpu.memref_slice %arg9[%add3A_19, %dma_wait3A_51] : memref<10240x128xf32, #tpu.memory_space<vmem_shared>> -> memref<128x128xf32, #tpu.memory_space<vmem_shared>>
      %dma_wait3A_53 = arith.constant 0 : i32
      %dma_wait3A_54 = tpu.memref_slice %arg9[%add3A_19, %dma_wait3A_53] : memref<10240x128xf32, #tpu.memory_space<vmem_shared>> -> memref<128x128xf32, #tpu.memory_space<vmem_shared>>
      %dma_wait3A_55 = arith.constant 0 : i32
      %dma_wait3A_56 = arith.constant 0 : i32
      %dma_wait3A_57 = tpu.memref_slice %arg8[%run_scoped3A_20, %dma_wait3A_55, %dma_wait3A_56] : memref<1x128x128xf32, #tpu.memory_space<vmem>> -> memref<1x128x128xf32, #tpu.memory_space<vmem>>
      %dma_wait3A_58 = tpu.memref_squeeze %dma_wait3A_57 : memref<1x128x128xf32, #tpu.memory_space<vmem>> -> memref<128x128xf32, #tpu.memory_space<vmem>>
      tpu.wait_dma2 semaphore(%run_scoped3A_36 : memref<!tpu.dma_semaphore, #tpu.memory_space<semaphore_mem>>) src(%dma_wait3A_58 : memref<128x128xf32, #tpu.memory_space<vmem>>) dst(%dma_wait3A_54 : memref<128x128xf32, #tpu.memory_space<vmem_shared>>)
      tpu.yield
    }) : () -> ()
    %add3A_21 = arith.constant 512 : i32
    %add3A_22 = arith.addi %mul3A_9, %add3A_21 : i32
    %run_scoped3A_23 = arith.constant 0 : i32
    "tpu.region"() ({
      %run_scoped3A_36 = tpu.sem_alloc : memref<!tpu.dma_semaphore, #tpu.memory_space<semaphore_mem>>
      %dma_start3A = arith.constant 0 : i32
      %dma_start3A_37 = arith.constant 0 : i32
      %dma_start3A_38 = tpu.memref_slice %arg8[%run_scoped3A_23, %dma_start3A, %dma_start3A_37] : memref<1x128x128xf32, #tpu.memory_space<vmem>> -> memref<1x128x128xf32, #tpu.memory_space<vmem>>
      %dma_start3A_39 = tpu.memref_squeeze %dma_start3A_38 : memref<1x128x128xf32, #tpu.memory_space<vmem>> -> memref<128x128xf32, #tpu.memory_space<vmem>>
      %dma_start3A_40 = arith.constant 0 : i32
      %dma_start3A_41 = tpu.memref_slice %arg9[%add3A_22, %dma_start3A_40] : memref<10240x128xf32, #tpu.memory_space<vmem_shared>> -> memref<128x128xf32, #tpu.memory_space<vmem_shared>>
      %dma_start3A_42 = arith.constant 0 : i32
      %dma_start3A_43 = tpu.memref_slice %arg9[%add3A_22, %dma_start3A_42] : memref<10240x128xf32, #tpu.memory_space<vmem_shared>> -> memref<128x128xf32, #tpu.memory_space<vmem_shared>>
      %dma_start3A_44 = arith.constant 0 : i32
      %dma_start3A_45 = arith.constant 0 : i32
      %dma_start3A_46 = tpu.memref_slice %arg8[%run_scoped3A_23, %dma_start3A_44, %dma_start3A_45] : memref<1x128x128xf32, #tpu.memory_space<vmem>> -> memref<1x128x128xf32, #tpu.memory_space<vmem>>
      %dma_start3A_47 = tpu.memref_squeeze %dma_start3A_46 : memref<1x128x128xf32, #tpu.memory_space<vmem>> -> memref<128x128xf32, #tpu.memory_space<vmem>>
      tpu.enqueue_dma source(%dma_start3A_47 : memref<128x128xf32, #tpu.memory_space<vmem>>) target(%dma_start3A_43 : memref<128x128xf32, #tpu.memory_space<vmem_shared>>) target_semaphore(%run_scoped3A_36 : memref<!tpu.dma_semaphore, #tpu.memory_space<semaphore_mem>>)
      %dma_wait3A = arith.constant 0 : i32
      %dma_wait3A_48 = arith.constant 0 : i32
      %dma_wait3A_49 = tpu.memref_slice %arg8[%run_scoped3A_23, %dma_wait3A, %dma_wait3A_48] : memref<1x128x128xf32, #tpu.memory_space<vmem>> -> memref<1x128x128xf32, #tpu.memory_space<vmem>>
      %dma_wait3A_50 = tpu.memref_squeeze %dma_wait3A_49 : memref<1x128x128xf32, #tpu.memory_space<vmem>> -> memref<128x128xf32, #tpu.memory_space<vmem>>
      %dma_wait3A_51 = arith.constant 0 : i32
      %dma_wait3A_52 = tpu.memref_slice %arg9[%add3A_22, %dma_wait3A_51] : memref<10240x128xf32, #tpu.memory_space<vmem_shared>> -> memref<128x128xf32, #tpu.memory_space<vmem_shared>>
      %dma_wait3A_53 = arith.constant 0 : i32
      %dma_wait3A_54 = tpu.memref_slice %arg9[%add3A_22, %dma_wait3A_53] : memref<10240x128xf32, #tpu.memory_space<vmem_shared>> -> memref<128x128xf32, #tpu.memory_space<vmem_shared>>
      %dma_wait3A_55 = arith.constant 0 : i32
      %dma_wait3A_56 = arith.constant 0 : i32
      %dma_wait3A_57 = tpu.memref_slice %arg8[%run_scoped3A_23, %dma_wait3A_55, %dma_wait3A_56] : memref<1x128x128xf32, #tpu.memory_space<vmem>> -> memref<1x128x128xf32, #tpu.memory_space<vmem>>
      %dma_wait3A_58 = tpu.memref_squeeze %dma_wait3A_57 : memref<1x128x128xf32, #tpu.memory_space<vmem>> -> memref<128x128xf32, #tpu.memory_space<vmem>>
      tpu.wait_dma2 semaphore(%run_scoped3A_36 : memref<!tpu.dma_semaphore, #tpu.memory_space<semaphore_mem>>) src(%dma_wait3A_58 : memref<128x128xf32, #tpu.memory_space<vmem>>) dst(%dma_wait3A_54 : memref<128x128xf32, #tpu.memory_space<vmem_shared>>)
      tpu.yield
    }) : () -> ()
    %barrier3A = arith.constant 0 : index
    tpu.barrier barrier_id(%barrier3A)
    %scan3A_24 = arith.constant 0 : i32
    %scan3A_25 = arith.constant 0 : i32
    %scan3A_26 = arith.constant 79 : i32
    %scan3A_27 = arith.addi %scan3A_25, %scan3A_26 : i32
    %scan3A_28 = arith.constant 1 : i32
    %scan3A_29 = scf.for %scan3A_36 = %scan3A_25 to %scan3A_27 step %scan3A_28 iter_args(%scan3A_37 = %scan3A_24) -> (i32)  : i32 {
      %dma_start3A = arith.constant 0 : i32
      %dma_start3A_38 = arith.constant 0 : i32
      %dma_start3A_39 = arith.constant 0 : i32
      %dma_start3A_40 = tpu.memref_slice %arg8[%dma_start3A, %dma_start3A_38, %dma_start3A_39] : memref<1x128x128xf32, #tpu.memory_space<vmem>> -> memref<1x128x128xf32, #tpu.memory_space<vmem>>
      %dma_start3A_41 = tpu.memref_squeeze %dma_start3A_40 : memref<1x128x128xf32, #tpu.memory_space<vmem>> -> memref<128x128xf32, #tpu.memory_space<vmem>>
      %dma_start3A_42 = arith.constant 0 : i32
      %dma_start3A_43 = tpu.memref_slice %arg6[%scan3A_36, %dma_start3A_42] : memref<79x128xi32, #tpu.memory_space<vmem>> -> memref<1x128xi32, #tpu.memory_space<vmem>>
      %dma_start3A_44 = tpu.memref_squeeze %dma_start3A_43 : memref<1x128xi32, #tpu.memory_space<vmem>> -> memref<128xi32, #tpu.memory_space<vmem>>
      %dma_start3A_45 = arith.constant 0 : i32
      %dma_start3A_46 = arith.constant 0 : i32
      %dma_start3A_47 = tpu.memref_slice %arg2[%dma_start3A_45, %dma_start3A_46] : memref<10000x128xf32, #tpu.memory_space<hbm>> -> memref<10000x128xf32, #tpu.memory_space<hbm>>
      tpu.enqueue_indirect_dma source(%dma_start3A_47 : memref<10000x128xf32, #tpu.memory_space<hbm>>) target(%dma_start3A_41 : memref<128x128xf32, #tpu.memory_space<vmem>>) offsets(%dma_start3A_44 : memref<128xi32, #tpu.memory_space<vmem>>) semaphore(%arg10 : memref<!tpu.dma_semaphore, #tpu.memory_space<semaphore_mem>>)
      %dma_wait3A = arith.constant 0 : i32
      %dma_wait3A_48 = arith.constant 0 : i32
      %dma_wait3A_49 = arith.constant 0 : i32
      %dma_wait3A_50 = tpu.memref_slice %arg8[%dma_wait3A, %dma_wait3A_48, %dma_wait3A_49] : memref<1x128x128xf32, #tpu.memory_space<vmem>> -> memref<1x128x128xf32, #tpu.memory_space<vmem>>
      %dma_wait3A_51 = tpu.memref_squeeze %dma_wait3A_50 : memref<1x128x128xf32, #tpu.memory_space<vmem>> -> memref<128x128xf32, #tpu.memory_space<vmem>>
      %dma_wait3A_52 = arith.constant 0 : i32
      %dma_wait3A_53 = tpu.memref_slice %arg6[%scan3A_36, %dma_wait3A_52] : memref<79x128xi32, #tpu.memory_space<vmem>> -> memref<1x128xi32, #tpu.memory_space<vmem>>
      %dma_wait3A_54 = tpu.memref_squeeze %dma_wait3A_53 : memref<1x128xi32, #tpu.memory_space<vmem>> -> memref<128xi32, #tpu.memory_space<vmem>>
      %dma_wait3A_55 = arith.constant 0 : i32
      %dma_wait3A_56 = arith.constant 0 : i32
      %dma_wait3A_57 = tpu.memref_slice %arg2[%dma_wait3A_55, %dma_wait3A_56] : memref<10000x128xf32, #tpu.memory_space<hbm>> -> memref<10000x128xf32, #tpu.memory_space<hbm>>
      tpu.wait_indirect_dma semaphore(%arg10 : memref<!tpu.dma_semaphore, #tpu.memory_space<semaphore_mem>>) src(%dma_wait3A_57 : memref<10000x128xf32, #tpu.memory_space<hbm>>) dst(%dma_wait3A_51 : memref<128x128xf32, #tpu.memory_space<vmem>>)
      %run_scoped3A_58 = arith.constant 0 : i32
      "tpu.region"() ({
        %run_scoped3A_60 = tpu.sem_alloc : memref<!tpu.dma_semaphore, #tpu.memory_space<semaphore_mem>>
        %dma_start3A_61 = arith.constant 0 : i32
        %dma_start3A_62 = arith.constant 0 : i32
        %dma_start3A_63 = tpu.memref_slice %arg8[%run_scoped3A_58, %dma_start3A_61, %dma_start3A_62] : memref<1x128x128xf32, #tpu.memory_space<vmem>> -> memref<1x128x128xf32, #tpu.memory_space<vmem>>
        %dma_start3A_64 = tpu.memref_squeeze %dma_start3A_63 : memref<1x128x128xf32, #tpu.memory_space<vmem>> -> memref<128x128xf32, #tpu.memory_space<vmem>>
        %dma_start3A_65 = arith.constant 0 : i32
        %dma_start3A_66 = tpu.memref_slice %arg7[%scan3A_36, %dma_start3A_65] : memref<79x128xi32, #tpu.memory_space<vmem>> -> memref<1x128xi32, #tpu.memory_space<vmem>>
        %dma_start3A_67 = tpu.memref_squeeze %dma_start3A_66 : memref<1x128xi32, #tpu.memory_space<vmem>> -> memref<128xi32, #tpu.memory_space<vmem>>
        %dma_start3A_68 = arith.constant 0 : i32
        %dma_start3A_69 = arith.constant 0 : i32
        %dma_start3A_70 = tpu.memref_slice %arg9[%dma_start3A_68, %dma_start3A_69] : memref<10240x128xf32, #tpu.memory_space<vmem_shared>> -> memref<10240x128xf32, #tpu.memory_space<vmem_shared>>
        tpu.enqueue_indirect_dma source(%dma_start3A_64 : memref<128x128xf32, #tpu.memory_space<vmem>>) target(%dma_start3A_70 : memref<10240x128xf32, #tpu.memory_space<vmem_shared>>) offsets(%dma_start3A_67 : memref<128xi32, #tpu.memory_space<vmem>>) semaphore(%run_scoped3A_60 : memref<!tpu.dma_semaphore, #tpu.memory_space<semaphore_mem>>) {add = true}
        %dma_wait3A_71 = arith.constant 0 : i32
        %dma_wait3A_72 = arith.constant 0 : i32
        %dma_wait3A_73 = tpu.memref_slice %arg8[%run_scoped3A_58, %dma_wait3A_71, %dma_wait3A_72] : memref<1x128x128xf32, #tpu.memory_space<vmem>> -> memref<1x128x128xf32, #tpu.memory_space<vmem>>
        %dma_wait3A_74 = tpu.memref_squeeze %dma_wait3A_73 : memref<1x128x128xf32, #tpu.memory_space<vmem>> -> memref<128x128xf32, #tpu.memory_space<vmem>>
        %dma_wait3A_75 = arith.constant 0 : i32
        %dma_wait3A_76 = tpu.memref_slice %arg7[%scan3A_36, %dma_wait3A_75] : memref<79x128xi32, #tpu.memory_space<vmem>> -> memref<1x128xi32, #tpu.memory_space<vmem>>
        %dma_wait3A_77 = tpu.memref_squeeze %dma_wait3A_76 : memref<1x128xi32, #tpu.memory_space<vmem>> -> memref<128xi32, #tpu.memory_space<vmem>>
        %dma_wait3A_78 = arith.constant 0 : i32
        %dma_wait3A_79 = arith.constant 0 : i32
        %dma_wait3A_80 = tpu.memref_slice %arg9[%dma_wait3A_78, %dma_wait3A_79] : memref<10240x128xf32, #tpu.memory_space<vmem_shared>> -> memref<10240x128xf32, #tpu.memory_space<vmem_shared>>
        tpu.wait_indirect_dma semaphore(%run_scoped3A_60 : memref<!tpu.dma_semaphore, #tpu.memory_space<semaphore_mem>>) src(%dma_wait3A_74 : memref<128x128xf32, #tpu.memory_space<vmem>>) dst(%dma_wait3A_80 : memref<10240x128xf32, #tpu.memory_space<vmem_shared>>)
        tpu.yield
      }) : () -> ()
      %scan3A_59 = arith.constant 0 : i32
      scf.yield %scan3A_59 : i32
    }
    %scan3A_30 = arith.constant 79 : i32
    %barrier3A_31 = arith.constant 0 : index
    tpu.barrier barrier_id(%barrier3A_31)
    %mul3A_32 = arith.constant 640 : i32
    %mul3A_33 = arith.muli %arg1, %mul3A_32 : i32
    %mul3A_34 = arith.constant 640 : i32
    %mul3A_35 = arith.muli %arg1, %mul3A_34 : i32
    "tpu.region"() ({
      %run_scoped3A_36 = tpu.sem_alloc : memref<!tpu.dma_semaphore, #tpu.memory_space<semaphore_mem>>
      %dma_start3A = arith.constant 0 : i32
      %dma_start3A_37 = tpu.memref_slice %arg5[%arg0, %mul3A_35, %dma_start3A] : memref<2x10240x128xf32, #tpu.memory_space<hbm>> -> memref<1x640x128xf32, #tpu.memory_space<hbm>>
      %dma_start3A_38 = tpu.memref_squeeze %dma_start3A_37 : memref<1x640x128xf32, #tpu.memory_space<hbm>> -> memref<640x128xf32, #tpu.memory_space<hbm>>
      %dma_start3A_39 = arith.constant 0 : i32
      %dma_start3A_40 = tpu.memref_slice %arg9[%mul3A_33, %dma_start3A_39] : memref<10240x128xf32, #tpu.memory_space<vmem_shared>> -> memref<640x128xf32, #tpu.memory_space<vmem_shared>>
      tpu.enqueue_dma source(%dma_start3A_40 : memref<640x128xf32, #tpu.memory_space<vmem_shared>>) target(%dma_start3A_38 : memref<640x128xf32, #tpu.memory_space<hbm>>) target_semaphore(%run_scoped3A_36 : memref<!tpu.dma_semaphore, #tpu.memory_space<semaphore_mem>>)
      %dma_wait3A = arith.constant 0 : i32
      %dma_wait3A_41 = tpu.memref_slice %arg5[%arg0, %mul3A_35, %dma_wait3A] : memref<2x10240x128xf32, #tpu.memory_space<hbm>> -> memref<1x640x128xf32, #tpu.memory_space<hbm>>
      %dma_wait3A_42 = tpu.memref_squeeze %dma_wait3A_41 : memref<1x640x128xf32, #tpu.memory_space<hbm>> -> memref<640x128xf32, #tpu.memory_space<hbm>>
      %dma_wait3A_43 = arith.constant 0 : i32
      %dma_wait3A_44 = tpu.memref_slice %arg9[%mul3A_33, %dma_wait3A_43] : memref<10240x128xf32, #tpu.memory_space<vmem_shared>> -> memref<640x128xf32, #tpu.memory_space<vmem_shared>>
      tpu.wait_dma2 semaphore(%run_scoped3A_36 : memref<!tpu.dma_semaphore, #tpu.memory_space<semaphore_mem>>) src(%dma_wait3A_44 : memref<640x128xf32, #tpu.memory_space<vmem_shared>>) dst(%dma_wait3A_42 : memref<640x128xf32, #tpu.memory_space<hbm>>)
      tpu.yield
    }) : () -> ()
    return
  }
}

#map = affine_map<(d0, d1) -> (0, 0)>
#map1 = affine_map<(d0, d1) -> (0, 0, 0)>
module attributes {stable_mosaic.version = 14 : i64} {
  func.func @_sc_seg_sum_body(%arg0: i32, %arg1: i32, %arg2: memref<10000x128xf32, #tpu.memory_space<hbm>>, %arg3: memref<32x79x128xi32, #tpu.memory_space<hbm>>, %arg4: memref<32x79x128xi32, #tpu.memory_space<hbm>>, %arg5: memref<2x10240x128xf32, #tpu.memory_space<hbm>>, %arg6: memref<79x128xi32, #tpu.memory_space<vmem>>, %arg7: memref<79x128xi32, #tpu.memory_space<vmem>>, %arg8: memref<1x128x128xf32, #tpu.memory_space<vmem>>, %arg9: memref<10240x128xf32, #tpu.memory_space<vmem_shared>>, %arg10: memref<!tpu.dma_semaphore, #tpu.memory_space<semaphore_mem>>) attributes {dimension_semantics = [#tpu.dimension_semantics<core_parallel>, #tpu.dimension_semantics<subcore_parallel>], iteration_bounds = array<i64: 2, 16>, scalar_prefetch = 0 : i64, scratch_operands = 5 : i64, tpu.core_type = #tpu.core_type<sc_vector_subcore>, window_params = [{transform_indices = #map}, {transform_indices = #map1}, {transform_indices = #map1}, {transform_indices = #map1}]} {
    %mul3A = arith.constant 16 : i32
    %mul3A_0 = arith.muli %arg0, %mul3A : i32
    %add3A = arith.addi %mul3A_0, %arg1 : i32
    "tpu.region"() ({
      %run_scoped3A_36 = tpu.sem_alloc : memref<!tpu.dma_semaphore, #tpu.memory_space<semaphore_mem>>
      %dma_start3A = arith.constant 0 : i32
      %dma_start3A_37 = arith.constant 0 : i32
      %dma_start3A_38 = tpu.memref_slice %arg3[%add3A, %dma_start3A, %dma_start3A_37] : memref<32x79x128xi32, #tpu.memory_space<hbm>> -> memref<1x79x128xi32, #tpu.memory_space<hbm>>
      %dma_start3A_39 = tpu.memref_squeeze %dma_start3A_38 : memref<1x79x128xi32, #tpu.memory_space<hbm>> -> memref<79x128xi32, #tpu.memory_space<hbm>>
      %dma_start3A_40 = arith.constant 0 : i32
      %dma_start3A_41 = arith.constant 0 : i32
      %dma_start3A_42 = tpu.memref_slice %arg3[%add3A, %dma_start3A_40, %dma_start3A_41] : memref<32x79x128xi32, #tpu.memory_space<hbm>> -> memref<1x79x128xi32, #tpu.memory_space<hbm>>
      %dma_start3A_43 = tpu.memref_squeeze %dma_start3A_42 : memref<1x79x128xi32, #tpu.memory_space<hbm>> -> memref<79x128xi32, #tpu.memory_space<hbm>>
      tpu.enqueue_dma source(%dma_start3A_43 : memref<79x128xi32, #tpu.memory_space<hbm>>) target(%arg6 : memref<79x128xi32, #tpu.memory_space<vmem>>) target_semaphore(%run_scoped3A_36 : memref<!tpu.dma_semaphore, #tpu.memory_space<semaphore_mem>>)
      %dma_wait3A = arith.constant 0 : i32
      %dma_wait3A_44 = arith.constant 0 : i32
      %dma_wait3A_45 = tpu.memref_slice %arg3[%add3A, %dma_wait3A, %dma_wait3A_44] : memref<32x79x128xi32, #tpu.memory_space<hbm>> -> memref<1x79x128xi32, #tpu.memory_space<hbm>>
      %dma_wait3A_46 = tpu.memref_squeeze %dma_wait3A_45 : memref<1x79x128xi32, #tpu.memory_space<hbm>> -> memref<79x128xi32, #tpu.memory_space<hbm>>
      %dma_wait3A_47 = arith.constant 0 : i32
      %dma_wait3A_48 = arith.constant 0 : i32
      %dma_wait3A_49 = tpu.memref_slice %arg3[%add3A, %dma_wait3A_47, %dma_wait3A_48] : memref<32x79x128xi32, #tpu.memory_space<hbm>> -> memref<1x79x128xi32, #tpu.memory_space<hbm>>
      %dma_wait3A_50 = tpu.memref_squeeze %dma_wait3A_49 : memref<1x79x128xi32, #tpu.memory_space<hbm>> -> memref<79x128xi32, #tpu.memory_space<hbm>>
      tpu.wait_dma2 semaphore(%run_scoped3A_36 : memref<!tpu.dma_semaphore, #tpu.memory_space<semaphore_mem>>) src(%dma_wait3A_50 : memref<79x128xi32, #tpu.memory_space<hbm>>) dst(%arg6 : memref<79x128xi32, #tpu.memory_space<vmem>>)
      tpu.yield
    }) : () -> ()
    "tpu.region"() ({
      %run_scoped3A_36 = tpu.sem_alloc : memref<!tpu.dma_semaphore, #tpu.memory_space<semaphore_mem>>
      %dma_start3A = arith.constant 0 : i32
      %dma_start3A_37 = arith.constant 0 : i32
      %dma_start3A_38 = tpu.memref_slice %arg4[%add3A, %dma_start3A, %dma_start3A_37] : memref<32x79x128xi32, #tpu.memory_space<hbm>> -> memref<1x79x128xi32, #tpu.memory_space<hbm>>
      %dma_start3A_39 = tpu.memref_squeeze %dma_start3A_38 : memref<1x79x128xi32, #tpu.memory_space<hbm>> -> memref<79x128xi32, #tpu.memory_space<hbm>>
      %dma_start3A_40 = arith.constant 0 : i32
      %dma_start3A_41 = arith.constant 0 : i32
      %dma_start3A_42 = tpu.memref_slice %arg4[%add3A, %dma_start3A_40, %dma_start3A_41] : memref<32x79x128xi32, #tpu.memory_space<hbm>> -> memref<1x79x128xi32, #tpu.memory_space<hbm>>
      %dma_start3A_43 = tpu.memref_squeeze %dma_start3A_42 : memref<1x79x128xi32, #tpu.memory_space<hbm>> -> memref<79x128xi32, #tpu.memory_space<hbm>>
      tpu.enqueue_dma source(%dma_start3A_43 : memref<79x128xi32, #tpu.memory_space<hbm>>) target(%arg7 : memref<79x128xi32, #tpu.memory_space<vmem>>) target_semaphore(%run_scoped3A_36 : memref<!tpu.dma_semaphore, #tpu.memory_space<semaphore_mem>>)
      %dma_wait3A = arith.constant 0 : i32
      %dma_wait3A_44 = arith.constant 0 : i32
      %dma_wait3A_45 = tpu.memref_slice %arg4[%add3A, %dma_wait3A, %dma_wait3A_44] : memref<32x79x128xi32, #tpu.memory_space<hbm>> -> memref<1x79x128xi32, #tpu.memory_space<hbm>>
      %dma_wait3A_46 = tpu.memref_squeeze %dma_wait3A_45 : memref<1x79x128xi32, #tpu.memory_space<hbm>> -> memref<79x128xi32, #tpu.memory_space<hbm>>
      %dma_wait3A_47 = arith.constant 0 : i32
      %dma_wait3A_48 = arith.constant 0 : i32
      %dma_wait3A_49 = tpu.memref_slice %arg4[%add3A, %dma_wait3A_47, %dma_wait3A_48] : memref<32x79x128xi32, #tpu.memory_space<hbm>> -> memref<1x79x128xi32, #tpu.memory_space<hbm>>
      %dma_wait3A_50 = tpu.memref_squeeze %dma_wait3A_49 : memref<1x79x128xi32, #tpu.memory_space<hbm>> -> memref<79x128xi32, #tpu.memory_space<hbm>>
      tpu.wait_dma2 semaphore(%run_scoped3A_36 : memref<!tpu.dma_semaphore, #tpu.memory_space<semaphore_mem>>) src(%dma_wait3A_50 : memref<79x128xi32, #tpu.memory_space<hbm>>) dst(%arg7 : memref<79x128xi32, #tpu.memory_space<vmem>>)
      tpu.yield
    }) : () -> ()
    %broadcast_in_dim3A = arith.constant 0.000000e+00 : f32
    %broadcast_in_dim3A_1 = vector.broadcast %broadcast_in_dim3A : f32 to vector<16xf32>
    %scan3A = arith.constant 0 : i32
    %scan3A_2 = arith.constant 0 : i32
    %scan3A_3 = arith.constant 128 : i32
    %scan3A_4 = arith.addi %scan3A_2, %scan3A_3 : i32
    %scan3A_5 = arith.constant 1 : i32
    %scan3A_6 = scf.for %scan3A_36 = %scan3A_2 to %scan3A_4 step %scan3A_5 iter_args(%scan3A_37 = %scan3A) -> (i32)  : i32 {
      %swap3A = arith.constant 0 : i32
      %swap3A_38 = arith.index_cast %swap3A : i32 to index
      %swap3A_39 = arith.index_cast %scan3A_36 : i32 to index
      %swap3A_40 = arith.constant 0 : index
      %swap3A_41 = tpu.vector_load %arg8[%swap3A_38, %swap3A_39, %swap3A_40] {strides = array<i32>} : memref<1x128x128xf32, #tpu.memory_space<vmem>>, vector<1x1x16xf32>,
      %swap3A_42 = vector.shape_cast %swap3A_41 : vector<1x1x16xf32> to vector<16xf32>
      %swap3A_43 = vector.shape_cast %broadcast_in_dim3A_1 : vector<16xf32> to vector<1x1x16xf32>
      tpu.vector_store %arg8[%swap3A_38, %swap3A_39, %swap3A_40], %swap3A_43 {strides = array<i32>} : memref<1x128x128xf32, #tpu.memory_space<vmem>>, vector<1x1x16xf32>,
      %swap3A_44 = arith.constant 0 : i32
      %swap3A_45 = arith.index_cast %swap3A_44 : i32 to index
      %swap3A_46 = arith.index_cast %scan3A_36 : i32 to index
      %swap3A_47 = arith.constant 16 : index
      %swap3A_48 = tpu.vector_load %arg8[%swap3A_45, %swap3A_46, %swap3A_47] {strides = array<i32>} : memref<1x128x128xf32, #tpu.memory_space<vmem>>, vector<1x1x16xf32>,
      %swap3A_49 = vector.shape_cast %swap3A_48 : vector<1x1x16xf32> to vector<16xf32>
      %swap3A_50 = vector.shape_cast %broadcast_in_dim3A_1 : vector<16xf32> to vector<1x1x16xf32>
      tpu.vector_store %arg8[%swap3A_45, %swap3A_46, %swap3A_47], %swap3A_50 {strides = array<i32>} : memref<1x128x128xf32, #tpu.memory_space<vmem>>, vector<1x1x16xf32>,
      %swap3A_51 = arith.constant 0 : i32
      %swap3A_52 = arith.index_cast %swap3A_51 : i32 to index
      %swap3A_53 = arith.index_cast %scan3A_36 : i32 to index
      %swap3A_54 = arith.constant 32 : index
      %swap3A_55 = tpu.vector_load %arg8[%swap3A_52, %swap3A_53, %swap3A_54] {strides = array<i32>} : memref<1x128x128xf32, #tpu.memory_space<vmem>>, vector<1x1x16xf32>,
      %swap3A_56 = vector.shape_cast %swap3A_55 : vector<1x1x16xf32> to vector<16xf32>
      %swap3A_57 = vector.shape_cast %broadcast_in_dim3A_1 : vector<16xf32> to vector<1x1x16xf32>
      tpu.vector_store %arg8[%swap3A_52, %swap3A_53, %swap3A_54], %swap3A_57 {strides = array<i32>} : memref<1x128x128xf32, #tpu.memory_space<vmem>>, vector<1x1x16xf32>,
      %swap3A_58 = arith.constant 0 : i32
      %swap3A_59 = arith.index_cast %swap3A_58 : i32 to index
      %swap3A_60 = arith.index_cast %scan3A_36 : i32 to index
      %swap3A_61 = arith.constant 48 : index
      %swap3A_62 = tpu.vector_load %arg8[%swap3A_59, %swap3A_60, %swap3A_61] {strides = array<i32>} : memref<1x128x128xf32, #tpu.memory_space<vmem>>, vector<1x1x16xf32>,
      %swap3A_63 = vector.shape_cast %swap3A_62 : vector<1x1x16xf32> to vector<16xf32>
      %swap3A_64 = vector.shape_cast %broadcast_in_dim3A_1 : vector<16xf32> to vector<1x1x16xf32>
      tpu.vector_store %arg8[%swap3A_59, %swap3A_60, %swap3A_61], %swap3A_64 {strides = array<i32>} : memref<1x128x128xf32, #tpu.memory_space<vmem>>, vector<1x1x16xf32>,
      %swap3A_65 = arith.constant 0 : i32
      %swap3A_66 = arith.index_cast %swap3A_65 : i32 to index
      %swap3A_67 = arith.index_cast %scan3A_36 : i32 to index
      %swap3A_68 = arith.constant 64 : index
      %swap3A_69 = tpu.vector_load %arg8[%swap3A_66, %swap3A_67, %swap3A_68] {strides = array<i32>} : memref<1x128x128xf32, #tpu.memory_space<vmem>>, vector<1x1x16xf32>,
      %swap3A_70 = vector.shape_cast %swap3A_69 : vector<1x1x16xf32> to vector<16xf32>
      %swap3A_71 = vector.shape_cast %broadcast_in_dim3A_1 : vector<16xf32> to vector<1x1x16xf32>
      tpu.vector_store %arg8[%swap3A_66, %swap3A_67, %swap3A_68], %swap3A_71 {strides = array<i32>} : memref<1x128x128xf32, #tpu.memory_space<vmem>>, vector<1x1x16xf32>,
      %swap3A_72 = arith.constant 0 : i32
      %swap3A_73 = arith.index_cast %swap3A_72 : i32 to index
      %swap3A_74 = arith.index_cast %scan3A_36 : i32 to index
      %swap3A_75 = arith.constant 80 : index
      %swap3A_76 = tpu.vector_load %arg8[%swap3A_73, %swap3A_74, %swap3A_75] {strides = array<i32>} : memref<1x128x128xf32, #tpu.memory_space<vmem>>, vector<1x1x16xf32>,
      %swap3A_77 = vector.shape_cast %swap3A_76 : vector<1x1x16xf32> to vector<16xf32>
      %swap3A_78 = vector.shape_cast %broadcast_in_dim3A_1 : vector<16xf32> to vector<1x1x16xf32>
      tpu.vector_store %arg8[%swap3A_73, %swap3A_74, %swap3A_75], %swap3A_78 {strides = array<i32>} : memref<1x128x128xf32, #tpu.memory_space<vmem>>, vector<1x1x16xf32>,
      %swap3A_79 = arith.constant 0 : i32
      %swap3A_80 = arith.index_cast %swap3A_79 : i32 to index
      %swap3A_81 = arith.index_cast %scan3A_36 : i32 to index
      %swap3A_82 = arith.constant 96 : index
      %swap3A_83 = tpu.vector_load %arg8[%swap3A_80, %swap3A_81, %swap3A_82] {strides = array<i32>} : memref<1x128x128xf32, #tpu.memory_space<vmem>>, vector<1x1x16xf32>,
      %swap3A_84 = vector.shape_cast %swap3A_83 : vector<1x1x16xf32> to vector<16xf32>
      %swap3A_85 = vector.shape_cast %broadcast_in_dim3A_1 : vector<16xf32> to vector<1x1x16xf32>
      tpu.vector_store %arg8[%swap3A_80, %swap3A_81, %swap3A_82], %swap3A_85 {strides = array<i32>} : memref<1x128x128xf32, #tpu.memory_space<vmem>>, vector<1x1x16xf32>,
      %swap3A_86 = arith.constant 0 : i32
      %swap3A_87 = arith.index_cast %swap3A_86 : i32 to index
      %swap3A_88 = arith.index_cast %scan3A_36 : i32 to index
      %swap3A_89 = arith.constant 112 : index
      %swap3A_90 = tpu.vector_load %arg8[%swap3A_87, %swap3A_88, %swap3A_89] {strides = array<i32>} : memref<1x128x128xf32, #tpu.memory_space<vmem>>, vector<1x1x16xf32>,
      %swap3A_91 = vector.shape_cast %swap3A_90 : vector<1x1x16xf32> to vector<16xf32>
      %swap3A_92 = vector.shape_cast %broadcast_in_dim3A_1 : vector<16xf32> to vector<1x1x16xf32>
      tpu.vector_store %arg8[%swap3A_87, %swap3A_88, %swap3A_89], %swap3A_92 {strides = array<i32>} : memref<1x128x128xf32, #tpu.memory_space<vmem>>, vector<1x1x16xf32>,
      %scan3A_93 = arith.constant 0 : i32
      scf.yield %scan3A_93 : i32
    }
    %scan3A_7 = arith.constant 128 : i32
    %mul3A_8 = arith.constant 640 : i32
    %mul3A_9 = arith.muli %arg1, %mul3A_8 : i32
    %add3A_10 = arith.constant 0 : i32
    %add3A_11 = arith.addi %mul3A_9, %add3A_10 : i32
    %run_scoped3A = arith.constant 0 : i32
    "tpu.region"() ({
      %run_scoped3A_36 = tpu.sem_alloc : memref<!tpu.dma_semaphore, #tpu.memory_space<semaphore_mem>>
      %dma_start3A = arith.constant 0 : i32
      %dma_start3A_37 = arith.constant 0 : i32
      %dma_start3A_38 = tpu.memref_slice %arg8[%run_scoped3A, %dma_start3A, %dma_start3A_37] : memref<1x128x128xf32, #tpu.memory_space<vmem>> -> memref<1x128x128xf32, #tpu.memory_space<vmem>>
      %dma_start3A_39 = tpu.memref_squeeze %dma_start3A_38 : memref<1x128x128xf32, #tpu.memory_space<vmem>> -> memref<128x128xf32, #tpu.memory_space<vmem>>
      %dma_start3A_40 = arith.constant 0 : i32
      %dma_start3A_41 = tpu.memref_slice %arg9[%add3A_11, %dma_start3A_40] : memref<10240x128xf32, #tpu.memory_space<vmem_shared>> -> memref<128x128xf32, #tpu.memory_space<vmem_shared>>
      %dma_start3A_42 = arith.constant 0 : i32
      %dma_start3A_43 = tpu.memref_slice %arg9[%add3A_11, %dma_start3A_42] : memref<10240x128xf32, #tpu.memory_space<vmem_shared>> -> memref<128x128xf32, #tpu.memory_space<vmem_shared>>
      %dma_start3A_44 = arith.constant 0 : i32
      %dma_start3A_45 = arith.constant 0 : i32
      %dma_start3A_46 = tpu.memref_slice %arg8[%run_scoped3A, %dma_start3A_44, %dma_start3A_45] : memref<1x128x128xf32, #tpu.memory_space<vmem>> -> memref<1x128x128xf32, #tpu.memory_space<vmem>>
      %dma_start3A_47 = tpu.memref_squeeze %dma_start3A_46 : memref<1x128x128xf32, #tpu.memory_space<vmem>> -> memref<128x128xf32, #tpu.memory_space<vmem>>
      tpu.enqueue_dma source(%dma_start3A_47 : memref<128x128xf32, #tpu.memory_space<vmem>>) target(%dma_start3A_43 : memref<128x128xf32, #tpu.memory_space<vmem_shared>>) target_semaphore(%run_scoped3A_36 : memref<!tpu.dma_semaphore, #tpu.memory_space<semaphore_mem>>)
      %dma_wait3A = arith.constant 0 : i32
      %dma_wait3A_48 = arith.constant 0 : i32
      %dma_wait3A_49 = tpu.memref_slice %arg8[%run_scoped3A, %dma_wait3A, %dma_wait3A_48] : memref<1x128x128xf32, #tpu.memory_space<vmem>> -> memref<1x128x128xf32, #tpu.memory_space<vmem>>
      %dma_wait3A_50 = tpu.memref_squeeze %dma_wait3A_49 : memref<1x128x128xf32, #tpu.memory_space<vmem>> -> memref<128x128xf32, #tpu.memory_space<vmem>>
      %dma_wait3A_51 = arith.constant 0 : i32
      %dma_wait3A_52 = tpu.memref_slice %arg9[%add3A_11, %dma_wait3A_51] : memref<10240x128xf32, #tpu.memory_space<vmem_shared>> -> memref<128x128xf32, #tpu.memory_space<vmem_shared>>
      %dma_wait3A_53 = arith.constant 0 : i32
      %dma_wait3A_54 = tpu.memref_slice %arg9[%add3A_11, %dma_wait3A_53] : memref<10240x128xf32, #tpu.memory_space<vmem_shared>> -> memref<128x128xf32, #tpu.memory_space<vmem_shared>>
      %dma_wait3A_55 = arith.constant 0 : i32
      %dma_wait3A_56 = arith.constant 0 : i32
      %dma_wait3A_57 = tpu.memref_slice %arg8[%run_scoped3A, %dma_wait3A_55, %dma_wait3A_56] : memref<1x128x128xf32, #tpu.memory_space<vmem>> -> memref<1x128x128xf32, #tpu.memory_space<vmem>>
      %dma_wait3A_58 = tpu.memref_squeeze %dma_wait3A_57 : memref<1x128x128xf32, #tpu.memory_space<vmem>> -> memref<128x128xf32, #tpu.memory_space<vmem>>
      tpu.wait_dma2 semaphore(%run_scoped3A_36 : memref<!tpu.dma_semaphore, #tpu.memory_space<semaphore_mem>>) src(%dma_wait3A_58 : memref<128x128xf32, #tpu.memory_space<vmem>>) dst(%dma_wait3A_54 : memref<128x128xf32, #tpu.memory_space<vmem_shared>>)
      tpu.yield
    }) : () -> ()
    %add3A_12 = arith.constant 128 : i32
    %add3A_13 = arith.addi %mul3A_9, %add3A_12 : i32
    %run_scoped3A_14 = arith.constant 0 : i32
    "tpu.region"() ({
      %run_scoped3A_36 = tpu.sem_alloc : memref<!tpu.dma_semaphore, #tpu.memory_space<semaphore_mem>>
      %dma_start3A = arith.constant 0 : i32
      %dma_start3A_37 = arith.constant 0 : i32
      %dma_start3A_38 = tpu.memref_slice %arg8[%run_scoped3A_14, %dma_start3A, %dma_start3A_37] : memref<1x128x128xf32, #tpu.memory_space<vmem>> -> memref<1x128x128xf32, #tpu.memory_space<vmem>>
      %dma_start3A_39 = tpu.memref_squeeze %dma_start3A_38 : memref<1x128x128xf32, #tpu.memory_space<vmem>> -> memref<128x128xf32, #tpu.memory_space<vmem>>
      %dma_start3A_40 = arith.constant 0 : i32
      %dma_start3A_41 = tpu.memref_slice %arg9[%add3A_13, %dma_start3A_40] : memref<10240x128xf32, #tpu.memory_space<vmem_shared>> -> memref<128x128xf32, #tpu.memory_space<vmem_shared>>
      %dma_start3A_42 = arith.constant 0 : i32
      %dma_start3A_43 = tpu.memref_slice %arg9[%add3A_13, %dma_start3A_42] : memref<10240x128xf32, #tpu.memory_space<vmem_shared>> -> memref<128x128xf32, #tpu.memory_space<vmem_shared>>
      %dma_start3A_44 = arith.constant 0 : i32
      %dma_start3A_45 = arith.constant 0 : i32
      %dma_start3A_46 = tpu.memref_slice %arg8[%run_scoped3A_14, %dma_start3A_44, %dma_start3A_45] : memref<1x128x128xf32, #tpu.memory_space<vmem>> -> memref<1x128x128xf32, #tpu.memory_space<vmem>>
      %dma_start3A_47 = tpu.memref_squeeze %dma_start3A_46 : memref<1x128x128xf32, #tpu.memory_space<vmem>> -> memref<128x128xf32, #tpu.memory_space<vmem>>
      tpu.enqueue_dma source(%dma_start3A_47 : memref<128x128xf32, #tpu.memory_space<vmem>>) target(%dma_start3A_43 : memref<128x128xf32, #tpu.memory_space<vmem_shared>>) target_semaphore(%run_scoped3A_36 : memref<!tpu.dma_semaphore, #tpu.memory_space<semaphore_mem>>)
      %dma_wait3A = arith.constant 0 : i32
      %dma_wait3A_48 = arith.constant 0 : i32
      %dma_wait3A_49 = tpu.memref_slice %arg8[%run_scoped3A_14, %dma_wait3A, %dma_wait3A_48] : memref<1x128x128xf32, #tpu.memory_space<vmem>> -> memref<1x128x128xf32, #tpu.memory_space<vmem>>
      %dma_wait3A_50 = tpu.memref_squeeze %dma_wait3A_49 : memref<1x128x128xf32, #tpu.memory_space<vmem>> -> memref<128x128xf32, #tpu.memory_space<vmem>>
      %dma_wait3A_51 = arith.constant 0 : i32
      %dma_wait3A_52 = tpu.memref_slice %arg9[%add3A_13, %dma_wait3A_51] : memref<10240x128xf32, #tpu.memory_space<vmem_shared>> -> memref<128x128xf32, #tpu.memory_space<vmem_shared>>
      %dma_wait3A_53 = arith.constant 0 : i32
      %dma_wait3A_54 = tpu.memref_slice %arg9[%add3A_13, %dma_wait3A_53] : memref<10240x128xf32, #tpu.memory_space<vmem_shared>> -> memref<128x128xf32, #tpu.memory_space<vmem_shared>>
      %dma_wait3A_55 = arith.constant 0 : i32
      %dma_wait3A_56 = arith.constant 0 : i32
      %dma_wait3A_57 = tpu.memref_slice %arg8[%run_scoped3A_14, %dma_wait3A_55, %dma_wait3A_56] : memref<1x128x128xf32, #tpu.memory_space<vmem>> -> memref<1x128x128xf32, #tpu.memory_space<vmem>>
      %dma_wait3A_58 = tpu.memref_squeeze %dma_wait3A_57 : memref<1x128x128xf32, #tpu.memory_space<vmem>> -> memref<128x128xf32, #tpu.memory_space<vmem>>
      tpu.wait_dma2 semaphore(%run_scoped3A_36 : memref<!tpu.dma_semaphore, #tpu.memory_space<semaphore_mem>>) src(%dma_wait3A_58 : memref<128x128xf32, #tpu.memory_space<vmem>>) dst(%dma_wait3A_54 : memref<128x128xf32, #tpu.memory_space<vmem_shared>>)
      tpu.yield
    }) : () -> ()
    %add3A_15 = arith.constant 256 : i32
    %add3A_16 = arith.addi %mul3A_9, %add3A_15 : i32
    %run_scoped3A_17 = arith.constant 0 : i32
    "tpu.region"() ({
      %run_scoped3A_36 = tpu.sem_alloc : memref<!tpu.dma_semaphore, #tpu.memory_space<semaphore_mem>>
      %dma_start3A = arith.constant 0 : i32
      %dma_start3A_37 = arith.constant 0 : i32
      %dma_start3A_38 = tpu.memref_slice %arg8[%run_scoped3A_17, %dma_start3A, %dma_start3A_37] : memref<1x128x128xf32, #tpu.memory_space<vmem>> -> memref<1x128x128xf32, #tpu.memory_space<vmem>>
      %dma_start3A_39 = tpu.memref_squeeze %dma_start3A_38 : memref<1x128x128xf32, #tpu.memory_space<vmem>> -> memref<128x128xf32, #tpu.memory_space<vmem>>
      %dma_start3A_40 = arith.constant 0 : i32
      %dma_start3A_41 = tpu.memref_slice %arg9[%add3A_16, %dma_start3A_40] : memref<10240x128xf32, #tpu.memory_space<vmem_shared>> -> memref<128x128xf32, #tpu.memory_space<vmem_shared>>
      %dma_start3A_42 = arith.constant 0 : i32
      %dma_start3A_43 = tpu.memref_slice %arg9[%add3A_16, %dma_start3A_42] : memref<10240x128xf32, #tpu.memory_space<vmem_shared>> -> memref<128x128xf32, #tpu.memory_space<vmem_shared>>
      %dma_start3A_44 = arith.constant 0 : i32
      %dma_start3A_45 = arith.constant 0 : i32
      %dma_start3A_46 = tpu.memref_slice %arg8[%run_scoped3A_17, %dma_start3A_44, %dma_start3A_45] : memref<1x128x128xf32, #tpu.memory_space<vmem>> -> memref<1x128x128xf32, #tpu.memory_space<vmem>>
      %dma_start3A_47 = tpu.memref_squeeze %dma_start3A_46 : memref<1x128x128xf32, #tpu.memory_space<vmem>> -> memref<128x128xf32, #tpu.memory_space<vmem>>
      tpu.enqueue_dma source(%dma_start3A_47 : memref<128x128xf32, #tpu.memory_space<vmem>>) target(%dma_start3A_43 : memref<128x128xf32, #tpu.memory_space<vmem_shared>>) target_semaphore(%run_scoped3A_36 : memref<!tpu.dma_semaphore, #tpu.memory_space<semaphore_mem>>)
      %dma_wait3A = arith.constant 0 : i32
      %dma_wait3A_48 = arith.constant 0 : i32
      %dma_wait3A_49 = tpu.memref_slice %arg8[%run_scoped3A_17, %dma_wait3A, %dma_wait3A_48] : memref<1x128x128xf32, #tpu.memory_space<vmem>> -> memref<1x128x128xf32, #tpu.memory_space<vmem>>
      %dma_wait3A_50 = tpu.memref_squeeze %dma_wait3A_49 : memref<1x128x128xf32, #tpu.memory_space<vmem>> -> memref<128x128xf32, #tpu.memory_space<vmem>>
      %dma_wait3A_51 = arith.constant 0 : i32
      %dma_wait3A_52 = tpu.memref_slice %arg9[%add3A_16, %dma_wait3A_51] : memref<10240x128xf32, #tpu.memory_space<vmem_shared>> -> memref<128x128xf32, #tpu.memory_space<vmem_shared>>
      %dma_wait3A_53 = arith.constant 0 : i32
      %dma_wait3A_54 = tpu.memref_slice %arg9[%add3A_16, %dma_wait3A_53] : memref<10240x128xf32, #tpu.memory_space<vmem_shared>> -> memref<128x128xf32, #tpu.memory_space<vmem_shared>>
      %dma_wait3A_55 = arith.constant 0 : i32
      %dma_wait3A_56 = arith.constant 0 : i32
      %dma_wait3A_57 = tpu.memref_slice %arg8[%run_scoped3A_17, %dma_wait3A_55, %dma_wait3A_56] : memref<1x128x128xf32, #tpu.memory_space<vmem>> -> memref<1x128x128xf32, #tpu.memory_space<vmem>>
      %dma_wait3A_58 = tpu.memref_squeeze %dma_wait3A_57 : memref<1x128x128xf32, #tpu.memory_space<vmem>> -> memref<128x128xf32, #tpu.memory_space<vmem>>
      tpu.wait_dma2 semaphore(%run_scoped3A_36 : memref<!tpu.dma_semaphore, #tpu.memory_space<semaphore_mem>>) src(%dma_wait3A_58 : memref<128x128xf32, #tpu.memory_space<vmem>>) dst(%dma_wait3A_54 : memref<128x128xf32, #tpu.memory_space<vmem_shared>>)
      tpu.yield
    }) : () -> ()
    %add3A_18 = arith.constant 384 : i32
    %add3A_19 = arith.addi %mul3A_9, %add3A_18 : i32
    %run_scoped3A_20 = arith.constant 0 : i32
    "tpu.region"() ({
      %run_scoped3A_36 = tpu.sem_alloc : memref<!tpu.dma_semaphore, #tpu.memory_space<semaphore_mem>>
      %dma_start3A = arith.constant 0 : i32
      %dma_start3A_37 = arith.constant 0 : i32
      %dma_start3A_38 = tpu.memref_slice %arg8[%run_scoped3A_20, %dma_start3A, %dma_start3A_37] : memref<1x128x128xf32, #tpu.memory_space<vmem>> -> memref<1x128x128xf32, #tpu.memory_space<vmem>>
      %dma_start3A_39 = tpu.memref_squeeze %dma_start3A_38 : memref<1x128x128xf32, #tpu.memory_space<vmem>> -> memref<128x128xf32, #tpu.memory_space<vmem>>
      %dma_start3A_40 = arith.constant 0 : i32
      %dma_start3A_41 = tpu.memref_slice %arg9[%add3A_19, %dma_start3A_40] : memref<10240x128xf32, #tpu.memory_space<vmem_shared>> -> memref<128x128xf32, #tpu.memory_space<vmem_shared>>
      %dma_start3A_42 = arith.constant 0 : i32
      %dma_start3A_43 = tpu.memref_slice %arg9[%add3A_19, %dma_start3A_42] : memref<10240x128xf32, #tpu.memory_space<vmem_shared>> -> memref<128x128xf32, #tpu.memory_space<vmem_shared>>
      %dma_start3A_44 = arith.constant 0 : i32
      %dma_start3A_45 = arith.constant 0 : i32
      %dma_start3A_46 = tpu.memref_slice %arg8[%run_scoped3A_20, %dma_start3A_44, %dma_start3A_45] : memref<1x128x128xf32, #tpu.memory_space<vmem>> -> memref<1x128x128xf32, #tpu.memory_space<vmem>>
      %dma_start3A_47 = tpu.memref_squeeze %dma_start3A_46 : memref<1x128x128xf32, #tpu.memory_space<vmem>> -> memref<128x128xf32, #tpu.memory_space<vmem>>
      tpu.enqueue_dma source(%dma_start3A_47 : memref<128x128xf32, #tpu.memory_space<vmem>>) target(%dma_start3A_43 : memref<128x128xf32, #tpu.memory_space<vmem_shared>>) target_semaphore(%run_scoped3A_36 : memref<!tpu.dma_semaphore, #tpu.memory_space<semaphore_mem>>)
      %dma_wait3A = arith.constant 0 : i32
      %dma_wait3A_48 = arith.constant 0 : i32
      %dma_wait3A_49 = tpu.memref_slice %arg8[%run_scoped3A_20, %dma_wait3A, %dma_wait3A_48] : memref<1x128x128xf32, #tpu.memory_space<vmem>> -> memref<1x128x128xf32, #tpu.memory_space<vmem>>
      %dma_wait3A_50 = tpu.memref_squeeze %dma_wait3A_49 : memref<1x128x128xf32, #tpu.memory_space<vmem>> -> memref<128x128xf32, #tpu.memory_space<vmem>>
      %dma_wait3A_51 = arith.constant 0 : i32
      %dma_wait3A_52 = tpu.memref_slice %arg9[%add3A_19, %dma_wait3A_51] : memref<10240x128xf32, #tpu.memory_space<vmem_shared>> -> memref<128x128xf32, #tpu.memory_space<vmem_shared>>
      %dma_wait3A_53 = arith.constant 0 : i32
      %dma_wait3A_54 = tpu.memref_slice %arg9[%add3A_19, %dma_wait3A_53] : memref<10240x128xf32, #tpu.memory_space<vmem_shared>> -> memref<128x128xf32, #tpu.memory_space<vmem_shared>>
      %dma_wait3A_55 = arith.constant 0 : i32
      %dma_wait3A_56 = arith.constant 0 : i32
      %dma_wait3A_57 = tpu.memref_slice %arg8[%run_scoped3A_20, %dma_wait3A_55, %dma_wait3A_56] : memref<1x128x128xf32, #tpu.memory_space<vmem>> -> memref<1x128x128xf32, #tpu.memory_space<vmem>>
      %dma_wait3A_58 = tpu.memref_squeeze %dma_wait3A_57 : memref<1x128x128xf32, #tpu.memory_space<vmem>> -> memref<128x128xf32, #tpu.memory_space<vmem>>
      tpu.wait_dma2 semaphore(%run_scoped3A_36 : memref<!tpu.dma_semaphore, #tpu.memory_space<semaphore_mem>>) src(%dma_wait3A_58 : memref<128x128xf32, #tpu.memory_space<vmem>>) dst(%dma_wait3A_54 : memref<128x128xf32, #tpu.memory_space<vmem_shared>>)
      tpu.yield
    }) : () -> ()
    %add3A_21 = arith.constant 512 : i32
    %add3A_22 = arith.addi %mul3A_9, %add3A_21 : i32
    %run_scoped3A_23 = arith.constant 0 : i32
    "tpu.region"() ({
      %run_scoped3A_36 = tpu.sem_alloc : memref<!tpu.dma_semaphore, #tpu.memory_space<semaphore_mem>>
      %dma_start3A = arith.constant 0 : i32
      %dma_start3A_37 = arith.constant 0 : i32
      %dma_start3A_38 = tpu.memref_slice %arg8[%run_scoped3A_23, %dma_start3A, %dma_start3A_37] : memref<1x128x128xf32, #tpu.memory_space<vmem>> -> memref<1x128x128xf32, #tpu.memory_space<vmem>>
      %dma_start3A_39 = tpu.memref_squeeze %dma_start3A_38 : memref<1x128x128xf32, #tpu.memory_space<vmem>> -> memref<128x128xf32, #tpu.memory_space<vmem>>
      %dma_start3A_40 = arith.constant 0 : i32
      %dma_start3A_41 = tpu.memref_slice %arg9[%add3A_22, %dma_start3A_40] : memref<10240x128xf32, #tpu.memory_space<vmem_shared>> -> memref<128x128xf32, #tpu.memory_space<vmem_shared>>
      %dma_start3A_42 = arith.constant 0 : i32
      %dma_start3A_43 = tpu.memref_slice %arg9[%add3A_22, %dma_start3A_42] : memref<10240x128xf32, #tpu.memory_space<vmem_shared>> -> memref<128x128xf32, #tpu.memory_space<vmem_shared>>
      %dma_start3A_44 = arith.constant 0 : i32
      %dma_start3A_45 = arith.constant 0 : i32
      %dma_start3A_46 = tpu.memref_slice %arg8[%run_scoped3A_23, %dma_start3A_44, %dma_start3A_45] : memref<1x128x128xf32, #tpu.memory_space<vmem>> -> memref<1x128x128xf32, #tpu.memory_space<vmem>>
      %dma_start3A_47 = tpu.memref_squeeze %dma_start3A_46 : memref<1x128x128xf32, #tpu.memory_space<vmem>> -> memref<128x128xf32, #tpu.memory_space<vmem>>
      tpu.enqueue_dma source(%dma_start3A_47 : memref<128x128xf32, #tpu.memory_space<vmem>>) target(%dma_start3A_43 : memref<128x128xf32, #tpu.memory_space<vmem_shared>>) target_semaphore(%run_scoped3A_36 : memref<!tpu.dma_semaphore, #tpu.memory_space<semaphore_mem>>)
      %dma_wait3A = arith.constant 0 : i32
      %dma_wait3A_48 = arith.constant 0 : i32
      %dma_wait3A_49 = tpu.memref_slice %arg8[%run_scoped3A_23, %dma_wait3A, %dma_wait3A_48] : memref<1x128x128xf32, #tpu.memory_space<vmem>> -> memref<1x128x128xf32, #tpu.memory_space<vmem>>
      %dma_wait3A_50 = tpu.memref_squeeze %dma_wait3A_49 : memref<1x128x128xf32, #tpu.memory_space<vmem>> -> memref<128x128xf32, #tpu.memory_space<vmem>>
      %dma_wait3A_51 = arith.constant 0 : i32
      %dma_wait3A_52 = tpu.memref_slice %arg9[%add3A_22, %dma_wait3A_51] : memref<10240x128xf32, #tpu.memory_space<vmem_shared>> -> memref<128x128xf32, #tpu.memory_space<vmem_shared>>
      %dma_wait3A_53 = arith.constant 0 : i32
      %dma_wait3A_54 = tpu.memref_slice %arg9[%add3A_22, %dma_wait3A_53] : memref<10240x128xf32, #tpu.memory_space<vmem_shared>> -> memref<128x128xf32, #tpu.memory_space<vmem_shared>>
      %dma_wait3A_55 = arith.constant 0 : i32
      %dma_wait3A_56 = arith.constant 0 : i32
      %dma_wait3A_57 = tpu.memref_slice %arg8[%run_scoped3A_23, %dma_wait3A_55, %dma_wait3A_56] : memref<1x128x128xf32, #tpu.memory_space<vmem>> -> memref<1x128x128xf32, #tpu.memory_space<vmem>>
      %dma_wait3A_58 = tpu.memref_squeeze %dma_wait3A_57 : memref<1x128x128xf32, #tpu.memory_space<vmem>> -> memref<128x128xf32, #tpu.memory_space<vmem>>
      tpu.wait_dma2 semaphore(%run_scoped3A_36 : memref<!tpu.dma_semaphore, #tpu.memory_space<semaphore_mem>>) src(%dma_wait3A_58 : memref<128x128xf32, #tpu.memory_space<vmem>>) dst(%dma_wait3A_54 : memref<128x128xf32, #tpu.memory_space<vmem_shared>>)
      tpu.yield
    }) : () -> ()
    %barrier3A = arith.constant 0 : index
    tpu.barrier barrier_id(%barrier3A)
    %scan3A_24 = arith.constant 0 : i32
    %scan3A_25 = arith.constant 0 : i32
    %scan3A_26 = arith.constant 79 : i32
    %scan3A_27 = arith.addi %scan3A_25, %scan3A_26 : i32
    %scan3A_28 = arith.constant 1 : i32
    %scan3A_29 = scf.for %scan3A_36 = %scan3A_25 to %scan3A_27 step %scan3A_28 iter_args(%scan3A_37 = %scan3A_24) -> (i32)  : i32 {
      %dma_start3A = arith.constant 0 : i32
      %dma_start3A_38 = arith.constant 0 : i32
      %dma_start3A_39 = arith.constant 0 : i32
      %dma_start3A_40 = tpu.memref_slice %arg8[%dma_start3A, %dma_start3A_38, %dma_start3A_39] : memref<1x128x128xf32, #tpu.memory_space<vmem>> -> memref<1x128x128xf32, #tpu.memory_space<vmem>>
      %dma_start3A_41 = tpu.memref_squeeze %dma_start3A_40 : memref<1x128x128xf32, #tpu.memory_space<vmem>> -> memref<128x128xf32, #tpu.memory_space<vmem>>
      %dma_start3A_42 = arith.constant 0 : i32
      %dma_start3A_43 = tpu.memref_slice %arg6[%scan3A_36, %dma_start3A_42] : memref<79x128xi32, #tpu.memory_space<vmem>> -> memref<1x128xi32, #tpu.memory_space<vmem>>
      %dma_start3A_44 = tpu.memref_squeeze %dma_start3A_43 : memref<1x128xi32, #tpu.memory_space<vmem>> -> memref<128xi32, #tpu.memory_space<vmem>>
      %dma_start3A_45 = arith.constant 0 : i32
      %dma_start3A_46 = arith.constant 0 : i32
      %dma_start3A_47 = tpu.memref_slice %arg2[%dma_start3A_45, %dma_start3A_46] : memref<10000x128xf32, #tpu.memory_space<hbm>> -> memref<10000x128xf32, #tpu.memory_space<hbm>>
      tpu.enqueue_indirect_dma source(%dma_start3A_47 : memref<10000x128xf32, #tpu.memory_space<hbm>>) target(%dma_start3A_41 : memref<128x128xf32, #tpu.memory_space<vmem>>) offsets(%dma_start3A_44 : memref<128xi32, #tpu.memory_space<vmem>>) semaphore(%arg10 : memref<!tpu.dma_semaphore, #tpu.memory_space<semaphore_mem>>)
      %dma_wait3A = arith.constant 0 : i32
      %dma_wait3A_48 = arith.constant 0 : i32
      %dma_wait3A_49 = arith.constant 0 : i32
      %dma_wait3A_50 = tpu.memref_slice %arg8[%dma_wait3A, %dma_wait3A_48, %dma_wait3A_49] : memref<1x128x128xf32, #tpu.memory_space<vmem>> -> memref<1x128x128xf32, #tpu.memory_space<vmem>>
      %dma_wait3A_51 = tpu.memref_squeeze %dma_wait3A_50 : memref<1x128x128xf32, #tpu.memory_space<vmem>> -> memref<128x128xf32, #tpu.memory_space<vmem>>
      %dma_wait3A_52 = arith.constant 0 : i32
      %dma_wait3A_53 = tpu.memref_slice %arg6[%scan3A_36, %dma_wait3A_52] : memref<79x128xi32, #tpu.memory_space<vmem>> -> memref<1x128xi32, #tpu.memory_space<vmem>>
      %dma_wait3A_54 = tpu.memref_squeeze %dma_wait3A_53 : memref<1x128xi32, #tpu.memory_space<vmem>> -> memref<128xi32, #tpu.memory_space<vmem>>
      %dma_wait3A_55 = arith.constant 0 : i32
      %dma_wait3A_56 = arith.constant 0 : i32
      %dma_wait3A_57 = tpu.memref_slice %arg2[%dma_wait3A_55, %dma_wait3A_56] : memref<10000x128xf32, #tpu.memory_space<hbm>> -> memref<10000x128xf32, #tpu.memory_space<hbm>>
      tpu.wait_indirect_dma semaphore(%arg10 : memref<!tpu.dma_semaphore, #tpu.memory_space<semaphore_mem>>) src(%dma_wait3A_57 : memref<10000x128xf32, #tpu.memory_space<hbm>>) dst(%dma_wait3A_51 : memref<128x128xf32, #tpu.memory_space<vmem>>)
      %run_scoped3A_58 = arith.constant 0 : i32
      "tpu.region"() ({
        %run_scoped3A_60 = tpu.sem_alloc : memref<!tpu.dma_semaphore, #tpu.memory_space<semaphore_mem>>
        %dma_start3A_61 = arith.constant 0 : i32
        %dma_start3A_62 = arith.constant 0 : i32
        %dma_start3A_63 = tpu.memref_slice %arg8[%run_scoped3A_58, %dma_start3A_61, %dma_start3A_62] : memref<1x128x128xf32, #tpu.memory_space<vmem>> -> memref<1x128x128xf32, #tpu.memory_space<vmem>>
        %dma_start3A_64 = tpu.memref_squeeze %dma_start3A_63 : memref<1x128x128xf32, #tpu.memory_space<vmem>> -> memref<128x128xf32, #tpu.memory_space<vmem>>
        %dma_start3A_65 = arith.constant 0 : i32
        %dma_start3A_66 = tpu.memref_slice %arg7[%scan3A_36, %dma_start3A_65] : memref<79x128xi32, #tpu.memory_space<vmem>> -> memref<1x128xi32, #tpu.memory_space<vmem>>
        %dma_start3A_67 = tpu.memref_squeeze %dma_start3A_66 : memref<1x128xi32, #tpu.memory_space<vmem>> -> memref<128xi32, #tpu.memory_space<vmem>>
        %dma_start3A_68 = arith.constant 0 : i32
        %dma_start3A_69 = arith.constant 0 : i32
        %dma_start3A_70 = tpu.memref_slice %arg9[%dma_start3A_68, %dma_start3A_69] : memref<10240x128xf32, #tpu.memory_space<vmem_shared>> -> memref<10240x128xf32, #tpu.memory_space<vmem_shared>>
        tpu.enqueue_indirect_dma source(%dma_start3A_64 : memref<128x128xf32, #tpu.memory_space<vmem>>) target(%dma_start3A_70 : memref<10240x128xf32, #tpu.memory_space<vmem_shared>>) offsets(%dma_start3A_67 : memref<128xi32, #tpu.memory_space<vmem>>) semaphore(%run_scoped3A_60 : memref<!tpu.dma_semaphore, #tpu.memory_space<semaphore_mem>>) {add = true}
        %dma_wait3A_71 = arith.constant 0 : i32
        %dma_wait3A_72 = arith.constant 0 : i32
        %dma_wait3A_73 = tpu.memref_slice %arg8[%run_scoped3A_58, %dma_wait3A_71, %dma_wait3A_72] : memref<1x128x128xf32, #tpu.memory_space<vmem>> -> memref<1x128x128xf32, #tpu.memory_space<vmem>>
        %dma_wait3A_74 = tpu.memref_squeeze %dma_wait3A_73 : memref<1x128x128xf32, #tpu.memory_space<vmem>> -> memref<128x128xf32, #tpu.memory_space<vmem>>
        %dma_wait3A_75 = arith.constant 0 : i32
        %dma_wait3A_76 = tpu.memref_slice %arg7[%scan3A_36, %dma_wait3A_75] : memref<79x128xi32, #tpu.memory_space<vmem>> -> memref<1x128xi32, #tpu.memory_space<vmem>>
        %dma_wait3A_77 = tpu.memref_squeeze %dma_wait3A_76 : memref<1x128xi32, #tpu.memory_space<vmem>> -> memref<128xi32, #tpu.memory_space<vmem>>
        %dma_wait3A_78 = arith.constant 0 : i32
        %dma_wait3A_79 = arith.constant 0 : i32
        %dma_wait3A_80 = tpu.memref_slice %arg9[%dma_wait3A_78, %dma_wait3A_79] : memref<10240x128xf32, #tpu.memory_space<vmem_shared>> -> memref<10240x128xf32, #tpu.memory_space<vmem_shared>>
        tpu.wait_indirect_dma semaphore(%run_scoped3A_60 : memref<!tpu.dma_semaphore, #tpu.memory_space<semaphore_mem>>) src(%dma_wait3A_74 : memref<128x128xf32, #tpu.memory_space<vmem>>) dst(%dma_wait3A_80 : memref<10240x128xf32, #tpu.memory_space<vmem_shared>>)
        tpu.yield
      }) : () -> ()
      %scan3A_59 = arith.constant 0 : i32
      scf.yield %scan3A_59 : i32
    }
    %scan3A_30 = arith.constant 79 : i32
    %barrier3A_31 = arith.constant 0 : index
    tpu.barrier barrier_id(%barrier3A_31)
    %mul3A_32 = arith.constant 640 : i32
    %mul3A_33 = arith.muli %arg1, %mul3A_32 : i32
    %mul3A_34 = arith.constant 640 : i32
    %mul3A_35 = arith.muli %arg1, %mul3A_34 : i32
    "tpu.region"() ({
      %run_scoped3A_36 = tpu.sem_alloc : memref<!tpu.dma_semaphore, #tpu.memory_space<semaphore_mem>>
      %dma_start3A = arith.constant 0 : i32
      %dma_start3A_37 = tpu.memref_slice %arg5[%arg0, %mul3A_35, %dma_start3A] : memref<2x10240x128xf32, #tpu.memory_space<hbm>> -> memref<1x640x128xf32, #tpu.memory_space<hbm>>
      %dma_start3A_38 = tpu.memref_squeeze %dma_start3A_37 : memref<1x640x128xf32, #tpu.memory_space<hbm>> -> memref<640x128xf32, #tpu.memory_space<hbm>>
      %dma_start3A_39 = arith.constant 0 : i32
      %dma_start3A_40 = tpu.memref_slice %arg9[%mul3A_33, %dma_start3A_39] : memref<10240x128xf32, #tpu.memory_space<vmem_shared>> -> memref<640x128xf32, #tpu.memory_space<vmem_shared>>
      tpu.enqueue_dma source(%dma_start3A_40 : memref<640x128xf32, #tpu.memory_space<vmem_shared>>) target(%dma_start3A_38 : memref<640x128xf32, #tpu.memory_space<hbm>>) target_semaphore(%run_scoped3A_36 : memref<!tpu.dma_semaphore, #tpu.memory_space<semaphore_mem>>)
      %dma_wait3A = arith.constant 0 : i32
      %dma_wait3A_41 = tpu.memref_slice %arg5[%arg0, %mul3A_35, %dma_wait3A] : memref<2x10240x128xf32, #tpu.memory_space<hbm>> -> memref<1x640x128xf32, #tpu.memory_space<hbm>>
      %dma_wait3A_42 = tpu.memref_squeeze %dma_wait3A_41 : memref<1x640x128xf32, #tpu.memory_space<hbm>> -> memref<640x128xf32, #tpu.memory_space<hbm>>
      %dma_wait3A_43 = arith.constant 0 : i32
      %dma_wait3A_44 = tpu.memref_slice %arg9[%mul3A_33, %dma_wait3A_43] : memref<10240x128xf32, #tpu.memory_space<vmem_shared>> -> memref<640x128xf32, #tpu.memory_space<vmem_shared>>
      tpu.wait_dma2 semaphore(%run_scoped3A_36 : memref<!tpu.dma_semaphore, #tpu.memory_space<semaphore_mem>>) src(%dma_wait3A_44 : memref<640x128xf32, #tpu.memory_space<vmem_shared>>) dst(%dma_wait3A_42 : memref<640x128xf32, #tpu.memory_space<hbm>>)
      tpu.yield
    }) : () -> ()
    return
  }
}

#map = affine_map<(d0, d1) -> (0, 0)>
#map1 = affine_map<(d0, d1) -> (0, 0, 0)>
module attributes {stable_mosaic.version = 14 : i64} {
  func.func @_sc_seg_sum_body(%arg0: i32, %arg1: i32, %arg2: memref<10000x128xf32, #tpu.memory_space<hbm>>, %arg3: memref<32x79x128xi32, #tpu.memory_space<hbm>>, %arg4: memref<32x79x128xi32, #tpu.memory_space<hbm>>, %arg5: memref<2x10240x128xf32, #tpu.memory_space<hbm>>, %arg6: memref<79x128xi32, #tpu.memory_space<vmem>>, %arg7: memref<79x128xi32, #tpu.memory_space<vmem>>, %arg8: memref<1x128x128xf32, #tpu.memory_space<vmem>>, %arg9: memref<10240x128xf32, #tpu.memory_space<vmem_shared>>, %arg10: memref<!tpu.dma_semaphore, #tpu.memory_space<semaphore_mem>>) attributes {dimension_semantics = [#tpu.dimension_semantics<core_parallel>, #tpu.dimension_semantics<subcore_parallel>], iteration_bounds = array<i64: 2, 16>, scalar_prefetch = 0 : i64, scratch_operands = 5 : i64, tpu.core_type = #tpu.core_type<sc_vector_subcore>, window_params = [{transform_indices = #map}, {transform_indices = #map1}, {transform_indices = #map1}, {transform_indices = #map1}]} {
    %mul3A = arith.constant 16 : i32
    %mul3A_0 = arith.muli %arg0, %mul3A : i32
    %add3A = arith.addi %mul3A_0, %arg1 : i32
    "tpu.region"() ({
      %run_scoped3A_36 = tpu.sem_alloc : memref<!tpu.dma_semaphore, #tpu.memory_space<semaphore_mem>>
      %dma_start3A = arith.constant 0 : i32
      %dma_start3A_37 = arith.constant 0 : i32
      %dma_start3A_38 = tpu.memref_slice %arg3[%add3A, %dma_start3A, %dma_start3A_37] : memref<32x79x128xi32, #tpu.memory_space<hbm>> -> memref<1x79x128xi32, #tpu.memory_space<hbm>>
      %dma_start3A_39 = tpu.memref_squeeze %dma_start3A_38 : memref<1x79x128xi32, #tpu.memory_space<hbm>> -> memref<79x128xi32, #tpu.memory_space<hbm>>
      %dma_start3A_40 = arith.constant 0 : i32
      %dma_start3A_41 = arith.constant 0 : i32
      %dma_start3A_42 = tpu.memref_slice %arg3[%add3A, %dma_start3A_40, %dma_start3A_41] : memref<32x79x128xi32, #tpu.memory_space<hbm>> -> memref<1x79x128xi32, #tpu.memory_space<hbm>>
      %dma_start3A_43 = tpu.memref_squeeze %dma_start3A_42 : memref<1x79x128xi32, #tpu.memory_space<hbm>> -> memref<79x128xi32, #tpu.memory_space<hbm>>
      tpu.enqueue_dma source(%dma_start3A_43 : memref<79x128xi32, #tpu.memory_space<hbm>>) target(%arg6 : memref<79x128xi32, #tpu.memory_space<vmem>>) target_semaphore(%run_scoped3A_36 : memref<!tpu.dma_semaphore, #tpu.memory_space<semaphore_mem>>)
      %dma_wait3A = arith.constant 0 : i32
      %dma_wait3A_44 = arith.constant 0 : i32
      %dma_wait3A_45 = tpu.memref_slice %arg3[%add3A, %dma_wait3A, %dma_wait3A_44] : memref<32x79x128xi32, #tpu.memory_space<hbm>> -> memref<1x79x128xi32, #tpu.memory_space<hbm>>
      %dma_wait3A_46 = tpu.memref_squeeze %dma_wait3A_45 : memref<1x79x128xi32, #tpu.memory_space<hbm>> -> memref<79x128xi32, #tpu.memory_space<hbm>>
      %dma_wait3A_47 = arith.constant 0 : i32
      %dma_wait3A_48 = arith.constant 0 : i32
      %dma_wait3A_49 = tpu.memref_slice %arg3[%add3A, %dma_wait3A_47, %dma_wait3A_48] : memref<32x79x128xi32, #tpu.memory_space<hbm>> -> memref<1x79x128xi32, #tpu.memory_space<hbm>>
      %dma_wait3A_50 = tpu.memref_squeeze %dma_wait3A_49 : memref<1x79x128xi32, #tpu.memory_space<hbm>> -> memref<79x128xi32, #tpu.memory_space<hbm>>
      tpu.wait_dma2 semaphore(%run_scoped3A_36 : memref<!tpu.dma_semaphore, #tpu.memory_space<semaphore_mem>>) src(%dma_wait3A_50 : memref<79x128xi32, #tpu.memory_space<hbm>>) dst(%arg6 : memref<79x128xi32, #tpu.memory_space<vmem>>)
      tpu.yield
    }) : () -> ()
    "tpu.region"() ({
      %run_scoped3A_36 = tpu.sem_alloc : memref<!tpu.dma_semaphore, #tpu.memory_space<semaphore_mem>>
      %dma_start3A = arith.constant 0 : i32
      %dma_start3A_37 = arith.constant 0 : i32
      %dma_start3A_38 = tpu.memref_slice %arg4[%add3A, %dma_start3A, %dma_start3A_37] : memref<32x79x128xi32, #tpu.memory_space<hbm>> -> memref<1x79x128xi32, #tpu.memory_space<hbm>>
      %dma_start3A_39 = tpu.memref_squeeze %dma_start3A_38 : memref<1x79x128xi32, #tpu.memory_space<hbm>> -> memref<79x128xi32, #tpu.memory_space<hbm>>
      %dma_start3A_40 = arith.constant 0 : i32
      %dma_start3A_41 = arith.constant 0 : i32
      %dma_start3A_42 = tpu.memref_slice %arg4[%add3A, %dma_start3A_40, %dma_start3A_41] : memref<32x79x128xi32, #tpu.memory_space<hbm>> -> memref<1x79x128xi32, #tpu.memory_space<hbm>>
      %dma_start3A_43 = tpu.memref_squeeze %dma_start3A_42 : memref<1x79x128xi32, #tpu.memory_space<hbm>> -> memref<79x128xi32, #tpu.memory_space<hbm>>
      tpu.enqueue_dma source(%dma_start3A_43 : memref<79x128xi32, #tpu.memory_space<hbm>>) target(%arg7 : memref<79x128xi32, #tpu.memory_space<vmem>>) target_semaphore(%run_scoped3A_36 : memref<!tpu.dma_semaphore, #tpu.memory_space<semaphore_mem>>)
      %dma_wait3A = arith.constant 0 : i32
      %dma_wait3A_44 = arith.constant 0 : i32
      %dma_wait3A_45 = tpu.memref_slice %arg4[%add3A, %dma_wait3A, %dma_wait3A_44] : memref<32x79x128xi32, #tpu.memory_space<hbm>> -> memref<1x79x128xi32, #tpu.memory_space<hbm>>
      %dma_wait3A_46 = tpu.memref_squeeze %dma_wait3A_45 : memref<1x79x128xi32, #tpu.memory_space<hbm>> -> memref<79x128xi32, #tpu.memory_space<hbm>>
      %dma_wait3A_47 = arith.constant 0 : i32
      %dma_wait3A_48 = arith.constant 0 : i32
      %dma_wait3A_49 = tpu.memref_slice %arg4[%add3A, %dma_wait3A_47, %dma_wait3A_48] : memref<32x79x128xi32, #tpu.memory_space<hbm>> -> memref<1x79x128xi32, #tpu.memory_space<hbm>>
      %dma_wait3A_50 = tpu.memref_squeeze %dma_wait3A_49 : memref<1x79x128xi32, #tpu.memory_space<hbm>> -> memref<79x128xi32, #tpu.memory_space<hbm>>
      tpu.wait_dma2 semaphore(%run_scoped3A_36 : memref<!tpu.dma_semaphore, #tpu.memory_space<semaphore_mem>>) src(%dma_wait3A_50 : memref<79x128xi32, #tpu.memory_space<hbm>>) dst(%arg7 : memref<79x128xi32, #tpu.memory_space<vmem>>)
      tpu.yield
    }) : () -> ()
    %broadcast_in_dim3A = arith.constant 0.000000e+00 : f32
    %broadcast_in_dim3A_1 = vector.broadcast %broadcast_in_dim3A : f32 to vector<16xf32>
    %scan3A = arith.constant 0 : i32
    %scan3A_2 = arith.constant 0 : i32
    %scan3A_3 = arith.constant 128 : i32
    %scan3A_4 = arith.addi %scan3A_2, %scan3A_3 : i32
    %scan3A_5 = arith.constant 1 : i32
    %scan3A_6 = scf.for %scan3A_36 = %scan3A_2 to %scan3A_4 step %scan3A_5 iter_args(%scan3A_37 = %scan3A) -> (i32)  : i32 {
      %swap3A = arith.constant 0 : i32
      %swap3A_38 = arith.index_cast %swap3A : i32 to index
      %swap3A_39 = arith.index_cast %scan3A_36 : i32 to index
      %swap3A_40 = arith.constant 0 : index
      %swap3A_41 = tpu.vector_load %arg8[%swap3A_38, %swap3A_39, %swap3A_40] {strides = array<i32>} : memref<1x128x128xf32, #tpu.memory_space<vmem>>, vector<1x1x16xf32>,
      %swap3A_42 = vector.shape_cast %swap3A_41 : vector<1x1x16xf32> to vector<16xf32>
      %swap3A_43 = vector.shape_cast %broadcast_in_dim3A_1 : vector<16xf32> to vector<1x1x16xf32>
      tpu.vector_store %arg8[%swap3A_38, %swap3A_39, %swap3A_40], %swap3A_43 {strides = array<i32>} : memref<1x128x128xf32, #tpu.memory_space<vmem>>, vector<1x1x16xf32>,
      %swap3A_44 = arith.constant 0 : i32
      %swap3A_45 = arith.index_cast %swap3A_44 : i32 to index
      %swap3A_46 = arith.index_cast %scan3A_36 : i32 to index
      %swap3A_47 = arith.constant 16 : index
      %swap3A_48 = tpu.vector_load %arg8[%swap3A_45, %swap3A_46, %swap3A_47] {strides = array<i32>} : memref<1x128x128xf32, #tpu.memory_space<vmem>>, vector<1x1x16xf32>,
      %swap3A_49 = vector.shape_cast %swap3A_48 : vector<1x1x16xf32> to vector<16xf32>
      %swap3A_50 = vector.shape_cast %broadcast_in_dim3A_1 : vector<16xf32> to vector<1x1x16xf32>
      tpu.vector_store %arg8[%swap3A_45, %swap3A_46, %swap3A_47], %swap3A_50 {strides = array<i32>} : memref<1x128x128xf32, #tpu.memory_space<vmem>>, vector<1x1x16xf32>,
      %swap3A_51 = arith.constant 0 : i32
      %swap3A_52 = arith.index_cast %swap3A_51 : i32 to index
      %swap3A_53 = arith.index_cast %scan3A_36 : i32 to index
      %swap3A_54 = arith.constant 32 : index
      %swap3A_55 = tpu.vector_load %arg8[%swap3A_52, %swap3A_53, %swap3A_54] {strides = array<i32>} : memref<1x128x128xf32, #tpu.memory_space<vmem>>, vector<1x1x16xf32>,
      %swap3A_56 = vector.shape_cast %swap3A_55 : vector<1x1x16xf32> to vector<16xf32>
      %swap3A_57 = vector.shape_cast %broadcast_in_dim3A_1 : vector<16xf32> to vector<1x1x16xf32>
      tpu.vector_store %arg8[%swap3A_52, %swap3A_53, %swap3A_54], %swap3A_57 {strides = array<i32>} : memref<1x128x128xf32, #tpu.memory_space<vmem>>, vector<1x1x16xf32>,
      %swap3A_58 = arith.constant 0 : i32
      %swap3A_59 = arith.index_cast %swap3A_58 : i32 to index
      %swap3A_60 = arith.index_cast %scan3A_36 : i32 to index
      %swap3A_61 = arith.constant 48 : index
      %swap3A_62 = tpu.vector_load %arg8[%swap3A_59, %swap3A_60, %swap3A_61] {strides = array<i32>} : memref<1x128x128xf32, #tpu.memory_space<vmem>>, vector<1x1x16xf32>,
      %swap3A_63 = vector.shape_cast %swap3A_62 : vector<1x1x16xf32> to vector<16xf32>
      %swap3A_64 = vector.shape_cast %broadcast_in_dim3A_1 : vector<16xf32> to vector<1x1x16xf32>
      tpu.vector_store %arg8[%swap3A_59, %swap3A_60, %swap3A_61], %swap3A_64 {strides = array<i32>} : memref<1x128x128xf32, #tpu.memory_space<vmem>>, vector<1x1x16xf32>,
      %swap3A_65 = arith.constant 0 : i32
      %swap3A_66 = arith.index_cast %swap3A_65 : i32 to index
      %swap3A_67 = arith.index_cast %scan3A_36 : i32 to index
      %swap3A_68 = arith.constant 64 : index
      %swap3A_69 = tpu.vector_load %arg8[%swap3A_66, %swap3A_67, %swap3A_68] {strides = array<i32>} : memref<1x128x128xf32, #tpu.memory_space<vmem>>, vector<1x1x16xf32>,
      %swap3A_70 = vector.shape_cast %swap3A_69 : vector<1x1x16xf32> to vector<16xf32>
      %swap3A_71 = vector.shape_cast %broadcast_in_dim3A_1 : vector<16xf32> to vector<1x1x16xf32>
      tpu.vector_store %arg8[%swap3A_66, %swap3A_67, %swap3A_68], %swap3A_71 {strides = array<i32>} : memref<1x128x128xf32, #tpu.memory_space<vmem>>, vector<1x1x16xf32>,
      %swap3A_72 = arith.constant 0 : i32
      %swap3A_73 = arith.index_cast %swap3A_72 : i32 to index
      %swap3A_74 = arith.index_cast %scan3A_36 : i32 to index
      %swap3A_75 = arith.constant 80 : index
      %swap3A_76 = tpu.vector_load %arg8[%swap3A_73, %swap3A_74, %swap3A_75] {strides = array<i32>} : memref<1x128x128xf32, #tpu.memory_space<vmem>>, vector<1x1x16xf32>,
      %swap3A_77 = vector.shape_cast %swap3A_76 : vector<1x1x16xf32> to vector<16xf32>
      %swap3A_78 = vector.shape_cast %broadcast_in_dim3A_1 : vector<16xf32> to vector<1x1x16xf32>
      tpu.vector_store %arg8[%swap3A_73, %swap3A_74, %swap3A_75], %swap3A_78 {strides = array<i32>} : memref<1x128x128xf32, #tpu.memory_space<vmem>>, vector<1x1x16xf32>,
      %swap3A_79 = arith.constant 0 : i32
      %swap3A_80 = arith.index_cast %swap3A_79 : i32 to index
      %swap3A_81 = arith.index_cast %scan3A_36 : i32 to index
      %swap3A_82 = arith.constant 96 : index
      %swap3A_83 = tpu.vector_load %arg8[%swap3A_80, %swap3A_81, %swap3A_82] {strides = array<i32>} : memref<1x128x128xf32, #tpu.memory_space<vmem>>, vector<1x1x16xf32>,
      %swap3A_84 = vector.shape_cast %swap3A_83 : vector<1x1x16xf32> to vector<16xf32>
      %swap3A_85 = vector.shape_cast %broadcast_in_dim3A_1 : vector<16xf32> to vector<1x1x16xf32>
      tpu.vector_store %arg8[%swap3A_80, %swap3A_81, %swap3A_82], %swap3A_85 {strides = array<i32>} : memref<1x128x128xf32, #tpu.memory_space<vmem>>, vector<1x1x16xf32>,
      %swap3A_86 = arith.constant 0 : i32
      %swap3A_87 = arith.index_cast %swap3A_86 : i32 to index
      %swap3A_88 = arith.index_cast %scan3A_36 : i32 to index
      %swap3A_89 = arith.constant 112 : index
      %swap3A_90 = tpu.vector_load %arg8[%swap3A_87, %swap3A_88, %swap3A_89] {strides = array<i32>} : memref<1x128x128xf32, #tpu.memory_space<vmem>>, vector<1x1x16xf32>,
      %swap3A_91 = vector.shape_cast %swap3A_90 : vector<1x1x16xf32> to vector<16xf32>
      %swap3A_92 = vector.shape_cast %broadcast_in_dim3A_1 : vector<16xf32> to vector<1x1x16xf32>
      tpu.vector_store %arg8[%swap3A_87, %swap3A_88, %swap3A_89], %swap3A_92 {strides = array<i32>} : memref<1x128x128xf32, #tpu.memory_space<vmem>>, vector<1x1x16xf32>,
      %scan3A_93 = arith.constant 0 : i32
      scf.yield %scan3A_93 : i32
    }
    %scan3A_7 = arith.constant 128 : i32
    %mul3A_8 = arith.constant 640 : i32
    %mul3A_9 = arith.muli %arg1, %mul3A_8 : i32
    %add3A_10 = arith.constant 0 : i32
    %add3A_11 = arith.addi %mul3A_9, %add3A_10 : i32
    %run_scoped3A = arith.constant 0 : i32
    "tpu.region"() ({
      %run_scoped3A_36 = tpu.sem_alloc : memref<!tpu.dma_semaphore, #tpu.memory_space<semaphore_mem>>
      %dma_start3A = arith.constant 0 : i32
      %dma_start3A_37 = arith.constant 0 : i32
      %dma_start3A_38 = tpu.memref_slice %arg8[%run_scoped3A, %dma_start3A, %dma_start3A_37] : memref<1x128x128xf32, #tpu.memory_space<vmem>> -> memref<1x128x128xf32, #tpu.memory_space<vmem>>
      %dma_start3A_39 = tpu.memref_squeeze %dma_start3A_38 : memref<1x128x128xf32, #tpu.memory_space<vmem>> -> memref<128x128xf32, #tpu.memory_space<vmem>>
      %dma_start3A_40 = arith.constant 0 : i32
      %dma_start3A_41 = tpu.memref_slice %arg9[%add3A_11, %dma_start3A_40] : memref<10240x128xf32, #tpu.memory_space<vmem_shared>> -> memref<128x128xf32, #tpu.memory_space<vmem_shared>>
      %dma_start3A_42 = arith.constant 0 : i32
      %dma_start3A_43 = tpu.memref_slice %arg9[%add3A_11, %dma_start3A_42] : memref<10240x128xf32, #tpu.memory_space<vmem_shared>> -> memref<128x128xf32, #tpu.memory_space<vmem_shared>>
      %dma_start3A_44 = arith.constant 0 : i32
      %dma_start3A_45 = arith.constant 0 : i32
      %dma_start3A_46 = tpu.memref_slice %arg8[%run_scoped3A, %dma_start3A_44, %dma_start3A_45] : memref<1x128x128xf32, #tpu.memory_space<vmem>> -> memref<1x128x128xf32, #tpu.memory_space<vmem>>
      %dma_start3A_47 = tpu.memref_squeeze %dma_start3A_46 : memref<1x128x128xf32, #tpu.memory_space<vmem>> -> memref<128x128xf32, #tpu.memory_space<vmem>>
      tpu.enqueue_dma source(%dma_start3A_47 : memref<128x128xf32, #tpu.memory_space<vmem>>) target(%dma_start3A_43 : memref<128x128xf32, #tpu.memory_space<vmem_shared>>) target_semaphore(%run_scoped3A_36 : memref<!tpu.dma_semaphore, #tpu.memory_space<semaphore_mem>>)
      %dma_wait3A = arith.constant 0 : i32
      %dma_wait3A_48 = arith.constant 0 : i32
      %dma_wait3A_49 = tpu.memref_slice %arg8[%run_scoped3A, %dma_wait3A, %dma_wait3A_48] : memref<1x128x128xf32, #tpu.memory_space<vmem>> -> memref<1x128x128xf32, #tpu.memory_space<vmem>>
      %dma_wait3A_50 = tpu.memref_squeeze %dma_wait3A_49 : memref<1x128x128xf32, #tpu.memory_space<vmem>> -> memref<128x128xf32, #tpu.memory_space<vmem>>
      %dma_wait3A_51 = arith.constant 0 : i32
      %dma_wait3A_52 = tpu.memref_slice %arg9[%add3A_11, %dma_wait3A_51] : memref<10240x128xf32, #tpu.memory_space<vmem_shared>> -> memref<128x128xf32, #tpu.memory_space<vmem_shared>>
      %dma_wait3A_53 = arith.constant 0 : i32
      %dma_wait3A_54 = tpu.memref_slice %arg9[%add3A_11, %dma_wait3A_53] : memref<10240x128xf32, #tpu.memory_space<vmem_shared>> -> memref<128x128xf32, #tpu.memory_space<vmem_shared>>
      %dma_wait3A_55 = arith.constant 0 : i32
      %dma_wait3A_56 = arith.constant 0 : i32
      %dma_wait3A_57 = tpu.memref_slice %arg8[%run_scoped3A, %dma_wait3A_55, %dma_wait3A_56] : memref<1x128x128xf32, #tpu.memory_space<vmem>> -> memref<1x128x128xf32, #tpu.memory_space<vmem>>
      %dma_wait3A_58 = tpu.memref_squeeze %dma_wait3A_57 : memref<1x128x128xf32, #tpu.memory_space<vmem>> -> memref<128x128xf32, #tpu.memory_space<vmem>>
      tpu.wait_dma2 semaphore(%run_scoped3A_36 : memref<!tpu.dma_semaphore, #tpu.memory_space<semaphore_mem>>) src(%dma_wait3A_58 : memref<128x128xf32, #tpu.memory_space<vmem>>) dst(%dma_wait3A_54 : memref<128x128xf32, #tpu.memory_space<vmem_shared>>)
      tpu.yield
    }) : () -> ()
    %add3A_12 = arith.constant 128 : i32
    %add3A_13 = arith.addi %mul3A_9, %add3A_12 : i32
    %run_scoped3A_14 = arith.constant 0 : i32
    "tpu.region"() ({
      %run_scoped3A_36 = tpu.sem_alloc : memref<!tpu.dma_semaphore, #tpu.memory_space<semaphore_mem>>
      %dma_start3A = arith.constant 0 : i32
      %dma_start3A_37 = arith.constant 0 : i32
      %dma_start3A_38 = tpu.memref_slice %arg8[%run_scoped3A_14, %dma_start3A, %dma_start3A_37] : memref<1x128x128xf32, #tpu.memory_space<vmem>> -> memref<1x128x128xf32, #tpu.memory_space<vmem>>
      %dma_start3A_39 = tpu.memref_squeeze %dma_start3A_38 : memref<1x128x128xf32, #tpu.memory_space<vmem>> -> memref<128x128xf32, #tpu.memory_space<vmem>>
      %dma_start3A_40 = arith.constant 0 : i32
      %dma_start3A_41 = tpu.memref_slice %arg9[%add3A_13, %dma_start3A_40] : memref<10240x128xf32, #tpu.memory_space<vmem_shared>> -> memref<128x128xf32, #tpu.memory_space<vmem_shared>>
      %dma_start3A_42 = arith.constant 0 : i32
      %dma_start3A_43 = tpu.memref_slice %arg9[%add3A_13, %dma_start3A_42] : memref<10240x128xf32, #tpu.memory_space<vmem_shared>> -> memref<128x128xf32, #tpu.memory_space<vmem_shared>>
      %dma_start3A_44 = arith.constant 0 : i32
      %dma_start3A_45 = arith.constant 0 : i32
      %dma_start3A_46 = tpu.memref_slice %arg8[%run_scoped3A_14, %dma_start3A_44, %dma_start3A_45] : memref<1x128x128xf32, #tpu.memory_space<vmem>> -> memref<1x128x128xf32, #tpu.memory_space<vmem>>
      %dma_start3A_47 = tpu.memref_squeeze %dma_start3A_46 : memref<1x128x128xf32, #tpu.memory_space<vmem>> -> memref<128x128xf32, #tpu.memory_space<vmem>>
      tpu.enqueue_dma source(%dma_start3A_47 : memref<128x128xf32, #tpu.memory_space<vmem>>) target(%dma_start3A_43 : memref<128x128xf32, #tpu.memory_space<vmem_shared>>) target_semaphore(%run_scoped3A_36 : memref<!tpu.dma_semaphore, #tpu.memory_space<semaphore_mem>>)
      %dma_wait3A = arith.constant 0 : i32
      %dma_wait3A_48 = arith.constant 0 : i32
      %dma_wait3A_49 = tpu.memref_slice %arg8[%run_scoped3A_14, %dma_wait3A, %dma_wait3A_48] : memref<1x128x128xf32, #tpu.memory_space<vmem>> -> memref<1x128x128xf32, #tpu.memory_space<vmem>>
      %dma_wait3A_50 = tpu.memref_squeeze %dma_wait3A_49 : memref<1x128x128xf32, #tpu.memory_space<vmem>> -> memref<128x128xf32, #tpu.memory_space<vmem>>
      %dma_wait3A_51 = arith.constant 0 : i32
      %dma_wait3A_52 = tpu.memref_slice %arg9[%add3A_13, %dma_wait3A_51] : memref<10240x128xf32, #tpu.memory_space<vmem_shared>> -> memref<128x128xf32, #tpu.memory_space<vmem_shared>>
      %dma_wait3A_53 = arith.constant 0 : i32
      %dma_wait3A_54 = tpu.memref_slice %arg9[%add3A_13, %dma_wait3A_53] : memref<10240x128xf32, #tpu.memory_space<vmem_shared>> -> memref<128x128xf32, #tpu.memory_space<vmem_shared>>
      %dma_wait3A_55 = arith.constant 0 : i32
      %dma_wait3A_56 = arith.constant 0 : i32
      %dma_wait3A_57 = tpu.memref_slice %arg8[%run_scoped3A_14, %dma_wait3A_55, %dma_wait3A_56] : memref<1x128x128xf32, #tpu.memory_space<vmem>> -> memref<1x128x128xf32, #tpu.memory_space<vmem>>
      %dma_wait3A_58 = tpu.memref_squeeze %dma_wait3A_57 : memref<1x128x128xf32, #tpu.memory_space<vmem>> -> memref<128x128xf32, #tpu.memory_space<vmem>>
      tpu.wait_dma2 semaphore(%run_scoped3A_36 : memref<!tpu.dma_semaphore, #tpu.memory_space<semaphore_mem>>) src(%dma_wait3A_58 : memref<128x128xf32, #tpu.memory_space<vmem>>) dst(%dma_wait3A_54 : memref<128x128xf32, #tpu.memory_space<vmem_shared>>)
      tpu.yield
    }) : () -> ()
    %add3A_15 = arith.constant 256 : i32
    %add3A_16 = arith.addi %mul3A_9, %add3A_15 : i32
    %run_scoped3A_17 = arith.constant 0 : i32
    "tpu.region"() ({
      %run_scoped3A_36 = tpu.sem_alloc : memref<!tpu.dma_semaphore, #tpu.memory_space<semaphore_mem>>
      %dma_start3A = arith.constant 0 : i32
      %dma_start3A_37 = arith.constant 0 : i32
      %dma_start3A_38 = tpu.memref_slice %arg8[%run_scoped3A_17, %dma_start3A, %dma_start3A_37] : memref<1x128x128xf32, #tpu.memory_space<vmem>> -> memref<1x128x128xf32, #tpu.memory_space<vmem>>
      %dma_start3A_39 = tpu.memref_squeeze %dma_start3A_38 : memref<1x128x128xf32, #tpu.memory_space<vmem>> -> memref<128x128xf32, #tpu.memory_space<vmem>>
      %dma_start3A_40 = arith.constant 0 : i32
      %dma_start3A_41 = tpu.memref_slice %arg9[%add3A_16, %dma_start3A_40] : memref<10240x128xf32, #tpu.memory_space<vmem_shared>> -> memref<128x128xf32, #tpu.memory_space<vmem_shared>>
      %dma_start3A_42 = arith.constant 0 : i32
      %dma_start3A_43 = tpu.memref_slice %arg9[%add3A_16, %dma_start3A_42] : memref<10240x128xf32, #tpu.memory_space<vmem_shared>> -> memref<128x128xf32, #tpu.memory_space<vmem_shared>>
      %dma_start3A_44 = arith.constant 0 : i32
      %dma_start3A_45 = arith.constant 0 : i32
      %dma_start3A_46 = tpu.memref_slice %arg8[%run_scoped3A_17, %dma_start3A_44, %dma_start3A_45] : memref<1x128x128xf32, #tpu.memory_space<vmem>> -> memref<1x128x128xf32, #tpu.memory_space<vmem>>
      %dma_start3A_47 = tpu.memref_squeeze %dma_start3A_46 : memref<1x128x128xf32, #tpu.memory_space<vmem>> -> memref<128x128xf32, #tpu.memory_space<vmem>>
      tpu.enqueue_dma source(%dma_start3A_47 : memref<128x128xf32, #tpu.memory_space<vmem>>) target(%dma_start3A_43 : memref<128x128xf32, #tpu.memory_space<vmem_shared>>) target_semaphore(%run_scoped3A_36 : memref<!tpu.dma_semaphore, #tpu.memory_space<semaphore_mem>>)
      %dma_wait3A = arith.constant 0 : i32
      %dma_wait3A_48 = arith.constant 0 : i32
      %dma_wait3A_49 = tpu.memref_slice %arg8[%run_scoped3A_17, %dma_wait3A, %dma_wait3A_48] : memref<1x128x128xf32, #tpu.memory_space<vmem>> -> memref<1x128x128xf32, #tpu.memory_space<vmem>>
      %dma_wait3A_50 = tpu.memref_squeeze %dma_wait3A_49 : memref<1x128x128xf32, #tpu.memory_space<vmem>> -> memref<128x128xf32, #tpu.memory_space<vmem>>
      %dma_wait3A_51 = arith.constant 0 : i32
      %dma_wait3A_52 = tpu.memref_slice %arg9[%add3A_16, %dma_wait3A_51] : memref<10240x128xf32, #tpu.memory_space<vmem_shared>> -> memref<128x128xf32, #tpu.memory_space<vmem_shared>>
      %dma_wait3A_53 = arith.constant 0 : i32
      %dma_wait3A_54 = tpu.memref_slice %arg9[%add3A_16, %dma_wait3A_53] : memref<10240x128xf32, #tpu.memory_space<vmem_shared>> -> memref<128x128xf32, #tpu.memory_space<vmem_shared>>
      %dma_wait3A_55 = arith.constant 0 : i32
      %dma_wait3A_56 = arith.constant 0 : i32
      %dma_wait3A_57 = tpu.memref_slice %arg8[%run_scoped3A_17, %dma_wait3A_55, %dma_wait3A_56] : memref<1x128x128xf32, #tpu.memory_space<vmem>> -> memref<1x128x128xf32, #tpu.memory_space<vmem>>
      %dma_wait3A_58 = tpu.memref_squeeze %dma_wait3A_57 : memref<1x128x128xf32, #tpu.memory_space<vmem>> -> memref<128x128xf32, #tpu.memory_space<vmem>>
      tpu.wait_dma2 semaphore(%run_scoped3A_36 : memref<!tpu.dma_semaphore, #tpu.memory_space<semaphore_mem>>) src(%dma_wait3A_58 : memref<128x128xf32, #tpu.memory_space<vmem>>) dst(%dma_wait3A_54 : memref<128x128xf32, #tpu.memory_space<vmem_shared>>)
      tpu.yield
    }) : () -> ()
    %add3A_18 = arith.constant 384 : i32
    %add3A_19 = arith.addi %mul3A_9, %add3A_18 : i32
    %run_scoped3A_20 = arith.constant 0 : i32
    "tpu.region"() ({
      %run_scoped3A_36 = tpu.sem_alloc : memref<!tpu.dma_semaphore, #tpu.memory_space<semaphore_mem>>
      %dma_start3A = arith.constant 0 : i32
      %dma_start3A_37 = arith.constant 0 : i32
      %dma_start3A_38 = tpu.memref_slice %arg8[%run_scoped3A_20, %dma_start3A, %dma_start3A_37] : memref<1x128x128xf32, #tpu.memory_space<vmem>> -> memref<1x128x128xf32, #tpu.memory_space<vmem>>
      %dma_start3A_39 = tpu.memref_squeeze %dma_start3A_38 : memref<1x128x128xf32, #tpu.memory_space<vmem>> -> memref<128x128xf32, #tpu.memory_space<vmem>>
      %dma_start3A_40 = arith.constant 0 : i32
      %dma_start3A_41 = tpu.memref_slice %arg9[%add3A_19, %dma_start3A_40] : memref<10240x128xf32, #tpu.memory_space<vmem_shared>> -> memref<128x128xf32, #tpu.memory_space<vmem_shared>>
      %dma_start3A_42 = arith.constant 0 : i32
      %dma_start3A_43 = tpu.memref_slice %arg9[%add3A_19, %dma_start3A_42] : memref<10240x128xf32, #tpu.memory_space<vmem_shared>> -> memref<128x128xf32, #tpu.memory_space<vmem_shared>>
      %dma_start3A_44 = arith.constant 0 : i32
      %dma_start3A_45 = arith.constant 0 : i32
      %dma_start3A_46 = tpu.memref_slice %arg8[%run_scoped3A_20, %dma_start3A_44, %dma_start3A_45] : memref<1x128x128xf32, #tpu.memory_space<vmem>> -> memref<1x128x128xf32, #tpu.memory_space<vmem>>
      %dma_start3A_47 = tpu.memref_squeeze %dma_start3A_46 : memref<1x128x128xf32, #tpu.memory_space<vmem>> -> memref<128x128xf32, #tpu.memory_space<vmem>>
      tpu.enqueue_dma source(%dma_start3A_47 : memref<128x128xf32, #tpu.memory_space<vmem>>) target(%dma_start3A_43 : memref<128x128xf32, #tpu.memory_space<vmem_shared>>) target_semaphore(%run_scoped3A_36 : memref<!tpu.dma_semaphore, #tpu.memory_space<semaphore_mem>>)
      %dma_wait3A = arith.constant 0 : i32
      %dma_wait3A_48 = arith.constant 0 : i32
      %dma_wait3A_49 = tpu.memref_slice %arg8[%run_scoped3A_20, %dma_wait3A, %dma_wait3A_48] : memref<1x128x128xf32, #tpu.memory_space<vmem>> -> memref<1x128x128xf32, #tpu.memory_space<vmem>>
      %dma_wait3A_50 = tpu.memref_squeeze %dma_wait3A_49 : memref<1x128x128xf32, #tpu.memory_space<vmem>> -> memref<128x128xf32, #tpu.memory_space<vmem>>
      %dma_wait3A_51 = arith.constant 0 : i32
      %dma_wait3A_52 = tpu.memref_slice %arg9[%add3A_19, %dma_wait3A_51] : memref<10240x128xf32, #tpu.memory_space<vmem_shared>> -> memref<128x128xf32, #tpu.memory_space<vmem_shared>>
      %dma_wait3A_53 = arith.constant 0 : i32
      %dma_wait3A_54 = tpu.memref_slice %arg9[%add3A_19, %dma_wait3A_53] : memref<10240x128xf32, #tpu.memory_space<vmem_shared>> -> memref<128x128xf32, #tpu.memory_space<vmem_shared>>
      %dma_wait3A_55 = arith.constant 0 : i32
      %dma_wait3A_56 = arith.constant 0 : i32
      %dma_wait3A_57 = tpu.memref_slice %arg8[%run_scoped3A_20, %dma_wait3A_55, %dma_wait3A_56] : memref<1x128x128xf32, #tpu.memory_space<vmem>> -> memref<1x128x128xf32, #tpu.memory_space<vmem>>
      %dma_wait3A_58 = tpu.memref_squeeze %dma_wait3A_57 : memref<1x128x128xf32, #tpu.memory_space<vmem>> -> memref<128x128xf32, #tpu.memory_space<vmem>>
      tpu.wait_dma2 semaphore(%run_scoped3A_36 : memref<!tpu.dma_semaphore, #tpu.memory_space<semaphore_mem>>) src(%dma_wait3A_58 : memref<128x128xf32, #tpu.memory_space<vmem>>) dst(%dma_wait3A_54 : memref<128x128xf32, #tpu.memory_space<vmem_shared>>)
      tpu.yield
    }) : () -> ()
    %add3A_21 = arith.constant 512 : i32
    %add3A_22 = arith.addi %mul3A_9, %add3A_21 : i32
    %run_scoped3A_23 = arith.constant 0 : i32
    "tpu.region"() ({
      %run_scoped3A_36 = tpu.sem_alloc : memref<!tpu.dma_semaphore, #tpu.memory_space<semaphore_mem>>
      %dma_start3A = arith.constant 0 : i32
      %dma_start3A_37 = arith.constant 0 : i32
      %dma_start3A_38 = tpu.memref_slice %arg8[%run_scoped3A_23, %dma_start3A, %dma_start3A_37] : memref<1x128x128xf32, #tpu.memory_space<vmem>> -> memref<1x128x128xf32, #tpu.memory_space<vmem>>
      %dma_start3A_39 = tpu.memref_squeeze %dma_start3A_38 : memref<1x128x128xf32, #tpu.memory_space<vmem>> -> memref<128x128xf32, #tpu.memory_space<vmem>>
      %dma_start3A_40 = arith.constant 0 : i32
      %dma_start3A_41 = tpu.memref_slice %arg9[%add3A_22, %dma_start3A_40] : memref<10240x128xf32, #tpu.memory_space<vmem_shared>> -> memref<128x128xf32, #tpu.memory_space<vmem_shared>>
      %dma_start3A_42 = arith.constant 0 : i32
      %dma_start3A_43 = tpu.memref_slice %arg9[%add3A_22, %dma_start3A_42] : memref<10240x128xf32, #tpu.memory_space<vmem_shared>> -> memref<128x128xf32, #tpu.memory_space<vmem_shared>>
      %dma_start3A_44 = arith.constant 0 : i32
      %dma_start3A_45 = arith.constant 0 : i32
      %dma_start3A_46 = tpu.memref_slice %arg8[%run_scoped3A_23, %dma_start3A_44, %dma_start3A_45] : memref<1x128x128xf32, #tpu.memory_space<vmem>> -> memref<1x128x128xf32, #tpu.memory_space<vmem>>
      %dma_start3A_47 = tpu.memref_squeeze %dma_start3A_46 : memref<1x128x128xf32, #tpu.memory_space<vmem>> -> memref<128x128xf32, #tpu.memory_space<vmem>>
      tpu.enqueue_dma source(%dma_start3A_47 : memref<128x128xf32, #tpu.memory_space<vmem>>) target(%dma_start3A_43 : memref<128x128xf32, #tpu.memory_space<vmem_shared>>) target_semaphore(%run_scoped3A_36 : memref<!tpu.dma_semaphore, #tpu.memory_space<semaphore_mem>>)
      %dma_wait3A = arith.constant 0 : i32
      %dma_wait3A_48 = arith.constant 0 : i32
      %dma_wait3A_49 = tpu.memref_slice %arg8[%run_scoped3A_23, %dma_wait3A, %dma_wait3A_48] : memref<1x128x128xf32, #tpu.memory_space<vmem>> -> memref<1x128x128xf32, #tpu.memory_space<vmem>>
      %dma_wait3A_50 = tpu.memref_squeeze %dma_wait3A_49 : memref<1x128x128xf32, #tpu.memory_space<vmem>> -> memref<128x128xf32, #tpu.memory_space<vmem>>
      %dma_wait3A_51 = arith.constant 0 : i32
      %dma_wait3A_52 = tpu.memref_slice %arg9[%add3A_22, %dma_wait3A_51] : memref<10240x128xf32, #tpu.memory_space<vmem_shared>> -> memref<128x128xf32, #tpu.memory_space<vmem_shared>>
      %dma_wait3A_53 = arith.constant 0 : i32
      %dma_wait3A_54 = tpu.memref_slice %arg9[%add3A_22, %dma_wait3A_53] : memref<10240x128xf32, #tpu.memory_space<vmem_shared>> -> memref<128x128xf32, #tpu.memory_space<vmem_shared>>
      %dma_wait3A_55 = arith.constant 0 : i32
      %dma_wait3A_56 = arith.constant 0 : i32
      %dma_wait3A_57 = tpu.memref_slice %arg8[%run_scoped3A_23, %dma_wait3A_55, %dma_wait3A_56] : memref<1x128x128xf32, #tpu.memory_space<vmem>> -> memref<1x128x128xf32, #tpu.memory_space<vmem>>
      %dma_wait3A_58 = tpu.memref_squeeze %dma_wait3A_57 : memref<1x128x128xf32, #tpu.memory_space<vmem>> -> memref<128x128xf32, #tpu.memory_space<vmem>>
      tpu.wait_dma2 semaphore(%run_scoped3A_36 : memref<!tpu.dma_semaphore, #tpu.memory_space<semaphore_mem>>) src(%dma_wait3A_58 : memref<128x128xf32, #tpu.memory_space<vmem>>) dst(%dma_wait3A_54 : memref<128x128xf32, #tpu.memory_space<vmem_shared>>)
      tpu.yield
    }) : () -> ()
    %barrier3A = arith.constant 0 : index
    tpu.barrier barrier_id(%barrier3A)
    %scan3A_24 = arith.constant 0 : i32
    %scan3A_25 = arith.constant 0 : i32
    %scan3A_26 = arith.constant 79 : i32
    %scan3A_27 = arith.addi %scan3A_25, %scan3A_26 : i32
    %scan3A_28 = arith.constant 1 : i32
    %scan3A_29 = scf.for %scan3A_36 = %scan3A_25 to %scan3A_27 step %scan3A_28 iter_args(%scan3A_37 = %scan3A_24) -> (i32)  : i32 {
      %dma_start3A = arith.constant 0 : i32
      %dma_start3A_38 = arith.constant 0 : i32
      %dma_start3A_39 = arith.constant 0 : i32
      %dma_start3A_40 = tpu.memref_slice %arg8[%dma_start3A, %dma_start3A_38, %dma_start3A_39] : memref<1x128x128xf32, #tpu.memory_space<vmem>> -> memref<1x128x128xf32, #tpu.memory_space<vmem>>
      %dma_start3A_41 = tpu.memref_squeeze %dma_start3A_40 : memref<1x128x128xf32, #tpu.memory_space<vmem>> -> memref<128x128xf32, #tpu.memory_space<vmem>>
      %dma_start3A_42 = arith.constant 0 : i32
      %dma_start3A_43 = tpu.memref_slice %arg6[%scan3A_36, %dma_start3A_42] : memref<79x128xi32, #tpu.memory_space<vmem>> -> memref<1x128xi32, #tpu.memory_space<vmem>>
      %dma_start3A_44 = tpu.memref_squeeze %dma_start3A_43 : memref<1x128xi32, #tpu.memory_space<vmem>> -> memref<128xi32, #tpu.memory_space<vmem>>
      %dma_start3A_45 = arith.constant 0 : i32
      %dma_start3A_46 = arith.constant 0 : i32
      %dma_start3A_47 = tpu.memref_slice %arg2[%dma_start3A_45, %dma_start3A_46] : memref<10000x128xf32, #tpu.memory_space<hbm>> -> memref<10000x128xf32, #tpu.memory_space<hbm>>
      tpu.enqueue_indirect_dma source(%dma_start3A_47 : memref<10000x128xf32, #tpu.memory_space<hbm>>) target(%dma_start3A_41 : memref<128x128xf32, #tpu.memory_space<vmem>>) offsets(%dma_start3A_44 : memref<128xi32, #tpu.memory_space<vmem>>) semaphore(%arg10 : memref<!tpu.dma_semaphore, #tpu.memory_space<semaphore_mem>>)
      %dma_wait3A = arith.constant 0 : i32
      %dma_wait3A_48 = arith.constant 0 : i32
      %dma_wait3A_49 = arith.constant 0 : i32
      %dma_wait3A_50 = tpu.memref_slice %arg8[%dma_wait3A, %dma_wait3A_48, %dma_wait3A_49] : memref<1x128x128xf32, #tpu.memory_space<vmem>> -> memref<1x128x128xf32, #tpu.memory_space<vmem>>
      %dma_wait3A_51 = tpu.memref_squeeze %dma_wait3A_50 : memref<1x128x128xf32, #tpu.memory_space<vmem>> -> memref<128x128xf32, #tpu.memory_space<vmem>>
      %dma_wait3A_52 = arith.constant 0 : i32
      %dma_wait3A_53 = tpu.memref_slice %arg6[%scan3A_36, %dma_wait3A_52] : memref<79x128xi32, #tpu.memory_space<vmem>> -> memref<1x128xi32, #tpu.memory_space<vmem>>
      %dma_wait3A_54 = tpu.memref_squeeze %dma_wait3A_53 : memref<1x128xi32, #tpu.memory_space<vmem>> -> memref<128xi32, #tpu.memory_space<vmem>>
      %dma_wait3A_55 = arith.constant 0 : i32
      %dma_wait3A_56 = arith.constant 0 : i32
      %dma_wait3A_57 = tpu.memref_slice %arg2[%dma_wait3A_55, %dma_wait3A_56] : memref<10000x128xf32, #tpu.memory_space<hbm>> -> memref<10000x128xf32, #tpu.memory_space<hbm>>
      tpu.wait_indirect_dma semaphore(%arg10 : memref<!tpu.dma_semaphore, #tpu.memory_space<semaphore_mem>>) src(%dma_wait3A_57 : memref<10000x128xf32, #tpu.memory_space<hbm>>) dst(%dma_wait3A_51 : memref<128x128xf32, #tpu.memory_space<vmem>>)
      %run_scoped3A_58 = arith.constant 0 : i32
      "tpu.region"() ({
        %run_scoped3A_60 = tpu.sem_alloc : memref<!tpu.dma_semaphore, #tpu.memory_space<semaphore_mem>>
        %dma_start3A_61 = arith.constant 0 : i32
        %dma_start3A_62 = arith.constant 0 : i32
        %dma_start3A_63 = tpu.memref_slice %arg8[%run_scoped3A_58, %dma_start3A_61, %dma_start3A_62] : memref<1x128x128xf32, #tpu.memory_space<vmem>> -> memref<1x128x128xf32, #tpu.memory_space<vmem>>
        %dma_start3A_64 = tpu.memref_squeeze %dma_start3A_63 : memref<1x128x128xf32, #tpu.memory_space<vmem>> -> memref<128x128xf32, #tpu.memory_space<vmem>>
        %dma_start3A_65 = arith.constant 0 : i32
        %dma_start3A_66 = tpu.memref_slice %arg7[%scan3A_36, %dma_start3A_65] : memref<79x128xi32, #tpu.memory_space<vmem>> -> memref<1x128xi32, #tpu.memory_space<vmem>>
        %dma_start3A_67 = tpu.memref_squeeze %dma_start3A_66 : memref<1x128xi32, #tpu.memory_space<vmem>> -> memref<128xi32, #tpu.memory_space<vmem>>
        %dma_start3A_68 = arith.constant 0 : i32
        %dma_start3A_69 = arith.constant 0 : i32
        %dma_start3A_70 = tpu.memref_slice %arg9[%dma_start3A_68, %dma_start3A_69] : memref<10240x128xf32, #tpu.memory_space<vmem_shared>> -> memref<10240x128xf32, #tpu.memory_space<vmem_shared>>
        tpu.enqueue_indirect_dma source(%dma_start3A_64 : memref<128x128xf32, #tpu.memory_space<vmem>>) target(%dma_start3A_70 : memref<10240x128xf32, #tpu.memory_space<vmem_shared>>) offsets(%dma_start3A_67 : memref<128xi32, #tpu.memory_space<vmem>>) semaphore(%run_scoped3A_60 : memref<!tpu.dma_semaphore, #tpu.memory_space<semaphore_mem>>) {add = true}
        %dma_wait3A_71 = arith.constant 0 : i32
        %dma_wait3A_72 = arith.constant 0 : i32
        %dma_wait3A_73 = tpu.memref_slice %arg8[%run_scoped3A_58, %dma_wait3A_71, %dma_wait3A_72] : memref<1x128x128xf32, #tpu.memory_space<vmem>> -> memref<1x128x128xf32, #tpu.memory_space<vmem>>
        %dma_wait3A_74 = tpu.memref_squeeze %dma_wait3A_73 : memref<1x128x128xf32, #tpu.memory_space<vmem>> -> memref<128x128xf32, #tpu.memory_space<vmem>>
        %dma_wait3A_75 = arith.constant 0 : i32
        %dma_wait3A_76 = tpu.memref_slice %arg7[%scan3A_36, %dma_wait3A_75] : memref<79x128xi32, #tpu.memory_space<vmem>> -> memref<1x128xi32, #tpu.memory_space<vmem>>
        %dma_wait3A_77 = tpu.memref_squeeze %dma_wait3A_76 : memref<1x128xi32, #tpu.memory_space<vmem>> -> memref<128xi32, #tpu.memory_space<vmem>>
        %dma_wait3A_78 = arith.constant 0 : i32
        %dma_wait3A_79 = arith.constant 0 : i32
        %dma_wait3A_80 = tpu.memref_slice %arg9[%dma_wait3A_78, %dma_wait3A_79] : memref<10240x128xf32, #tpu.memory_space<vmem_shared>> -> memref<10240x128xf32, #tpu.memory_space<vmem_shared>>
        tpu.wait_indirect_dma semaphore(%run_scoped3A_60 : memref<!tpu.dma_semaphore, #tpu.memory_space<semaphore_mem>>) src(%dma_wait3A_74 : memref<128x128xf32, #tpu.memory_space<vmem>>) dst(%dma_wait3A_80 : memref<10240x128xf32, #tpu.memory_space<vmem_shared>>)
        tpu.yield
      }) : () -> ()
      %scan3A_59 = arith.constant 0 : i32
      scf.yield %scan3A_59 : i32
    }
    %scan3A_30 = arith.constant 79 : i32
    %barrier3A_31 = arith.constant 0 : index
    tpu.barrier barrier_id(%barrier3A_31)
    %mul3A_32 = arith.constant 640 : i32
    %mul3A_33 = arith.muli %arg1, %mul3A_32 : i32
    %mul3A_34 = arith.constant 640 : i32
    %mul3A_35 = arith.muli %arg1, %mul3A_34 : i32
    "tpu.region"() ({
      %run_scoped3A_36 = tpu.sem_alloc : memref<!tpu.dma_semaphore, #tpu.memory_space<semaphore_mem>>
      %dma_start3A = arith.constant 0 : i32
      %dma_start3A_37 = tpu.memref_slice %arg5[%arg0, %mul3A_35, %dma_start3A] : memref<2x10240x128xf32, #tpu.memory_space<hbm>> -> memref<1x640x128xf32, #tpu.memory_space<hbm>>
      %dma_start3A_38 = tpu.memref_squeeze %dma_start3A_37 : memref<1x640x128xf32, #tpu.memory_space<hbm>> -> memref<640x128xf32, #tpu.memory_space<hbm>>
      %dma_start3A_39 = arith.constant 0 : i32
      %dma_start3A_40 = tpu.memref_slice %arg9[%mul3A_33, %dma_start3A_39] : memref<10240x128xf32, #tpu.memory_space<vmem_shared>> -> memref<640x128xf32, #tpu.memory_space<vmem_shared>>
      tpu.enqueue_dma source(%dma_start3A_40 : memref<640x128xf32, #tpu.memory_space<vmem_shared>>) target(%dma_start3A_38 : memref<640x128xf32, #tpu.memory_space<hbm>>) target_semaphore(%run_scoped3A_36 : memref<!tpu.dma_semaphore, #tpu.memory_space<semaphore_mem>>)
      %dma_wait3A = arith.constant 0 : i32
      %dma_wait3A_41 = tpu.memref_slice %arg5[%arg0, %mul3A_35, %dma_wait3A] : memref<2x10240x128xf32, #tpu.memory_space<hbm>> -> memref<1x640x128xf32, #tpu.memory_space<hbm>>
      %dma_wait3A_42 = tpu.memref_squeeze %dma_wait3A_41 : memref<1x640x128xf32, #tpu.memory_space<hbm>> -> memref<640x128xf32, #tpu.memory_space<hbm>>
      %dma_wait3A_43 = arith.constant 0 : i32
      %dma_wait3A_44 = tpu.memref_slice %arg9[%mul3A_33, %dma_wait3A_43] : memref<10240x128xf32, #tpu.memory_space<vmem_shared>> -> memref<640x128xf32, #tpu.memory_space<vmem_shared>>
      tpu.wait_dma2 semaphore(%run_scoped3A_36 : memref<!tpu.dma_semaphore, #tpu.memory_space<semaphore_mem>>) src(%dma_wait3A_44 : memref<640x128xf32, #tpu.memory_space<vmem_shared>>) dst(%dma_wait3A_42 : memref<640x128xf32, #tpu.memory_space<hbm>>)
      tpu.yield
    }) : () -> ()
    return
  }
}

#map = affine_map<(d0, d1) -> (0, 0)>
#map1 = affine_map<(d0, d1) -> (0, 0, 0)>
module attributes {stable_mosaic.version = 14 : i64} {
  func.func @_sc_seg_sum_body(%arg0: i32, %arg1: i32, %arg2: memref<10000x128xf32, #tpu.memory_space<hbm>>, %arg3: memref<32x79x128xi32, #tpu.memory_space<hbm>>, %arg4: memref<32x79x128xi32, #tpu.memory_space<hbm>>, %arg5: memref<2x10240x128xf32, #tpu.memory_space<hbm>>, %arg6: memref<79x128xi32, #tpu.memory_space<vmem>>, %arg7: memref<79x128xi32, #tpu.memory_space<vmem>>, %arg8: memref<1x128x128xf32, #tpu.memory_space<vmem>>, %arg9: memref<10240x128xf32, #tpu.memory_space<vmem_shared>>, %arg10: memref<!tpu.dma_semaphore, #tpu.memory_space<semaphore_mem>>) attributes {dimension_semantics = [#tpu.dimension_semantics<core_parallel>, #tpu.dimension_semantics<subcore_parallel>], iteration_bounds = array<i64: 2, 16>, scalar_prefetch = 0 : i64, scratch_operands = 5 : i64, tpu.core_type = #tpu.core_type<sc_vector_subcore>, window_params = [{transform_indices = #map}, {transform_indices = #map1}, {transform_indices = #map1}, {transform_indices = #map1}]} {
    %mul3A = arith.constant 16 : i32
    %mul3A_0 = arith.muli %arg0, %mul3A : i32
    %add3A = arith.addi %mul3A_0, %arg1 : i32
    "tpu.region"() ({
      %run_scoped3A_36 = tpu.sem_alloc : memref<!tpu.dma_semaphore, #tpu.memory_space<semaphore_mem>>
      %dma_start3A = arith.constant 0 : i32
      %dma_start3A_37 = arith.constant 0 : i32
      %dma_start3A_38 = tpu.memref_slice %arg3[%add3A, %dma_start3A, %dma_start3A_37] : memref<32x79x128xi32, #tpu.memory_space<hbm>> -> memref<1x79x128xi32, #tpu.memory_space<hbm>>
      %dma_start3A_39 = tpu.memref_squeeze %dma_start3A_38 : memref<1x79x128xi32, #tpu.memory_space<hbm>> -> memref<79x128xi32, #tpu.memory_space<hbm>>
      %dma_start3A_40 = arith.constant 0 : i32
      %dma_start3A_41 = arith.constant 0 : i32
      %dma_start3A_42 = tpu.memref_slice %arg3[%add3A, %dma_start3A_40, %dma_start3A_41] : memref<32x79x128xi32, #tpu.memory_space<hbm>> -> memref<1x79x128xi32, #tpu.memory_space<hbm>>
      %dma_start3A_43 = tpu.memref_squeeze %dma_start3A_42 : memref<1x79x128xi32, #tpu.memory_space<hbm>> -> memref<79x128xi32, #tpu.memory_space<hbm>>
      tpu.enqueue_dma source(%dma_start3A_43 : memref<79x128xi32, #tpu.memory_space<hbm>>) target(%arg6 : memref<79x128xi32, #tpu.memory_space<vmem>>) target_semaphore(%run_scoped3A_36 : memref<!tpu.dma_semaphore, #tpu.memory_space<semaphore_mem>>)
      %dma_wait3A = arith.constant 0 : i32
      %dma_wait3A_44 = arith.constant 0 : i32
      %dma_wait3A_45 = tpu.memref_slice %arg3[%add3A, %dma_wait3A, %dma_wait3A_44] : memref<32x79x128xi32, #tpu.memory_space<hbm>> -> memref<1x79x128xi32, #tpu.memory_space<hbm>>
      %dma_wait3A_46 = tpu.memref_squeeze %dma_wait3A_45 : memref<1x79x128xi32, #tpu.memory_space<hbm>> -> memref<79x128xi32, #tpu.memory_space<hbm>>
      %dma_wait3A_47 = arith.constant 0 : i32
      %dma_wait3A_48 = arith.constant 0 : i32
      %dma_wait3A_49 = tpu.memref_slice %arg3[%add3A, %dma_wait3A_47, %dma_wait3A_48] : memref<32x79x128xi32, #tpu.memory_space<hbm>> -> memref<1x79x128xi32, #tpu.memory_space<hbm>>
      %dma_wait3A_50 = tpu.memref_squeeze %dma_wait3A_49 : memref<1x79x128xi32, #tpu.memory_space<hbm>> -> memref<79x128xi32, #tpu.memory_space<hbm>>
      tpu.wait_dma2 semaphore(%run_scoped3A_36 : memref<!tpu.dma_semaphore, #tpu.memory_space<semaphore_mem>>) src(%dma_wait3A_50 : memref<79x128xi32, #tpu.memory_space<hbm>>) dst(%arg6 : memref<79x128xi32, #tpu.memory_space<vmem>>)
      tpu.yield
    }) : () -> ()
    "tpu.region"() ({
      %run_scoped3A_36 = tpu.sem_alloc : memref<!tpu.dma_semaphore, #tpu.memory_space<semaphore_mem>>
      %dma_start3A = arith.constant 0 : i32
      %dma_start3A_37 = arith.constant 0 : i32
      %dma_start3A_38 = tpu.memref_slice %arg4[%add3A, %dma_start3A, %dma_start3A_37] : memref<32x79x128xi32, #tpu.memory_space<hbm>> -> memref<1x79x128xi32, #tpu.memory_space<hbm>>
      %dma_start3A_39 = tpu.memref_squeeze %dma_start3A_38 : memref<1x79x128xi32, #tpu.memory_space<hbm>> -> memref<79x128xi32, #tpu.memory_space<hbm>>
      %dma_start3A_40 = arith.constant 0 : i32
      %dma_start3A_41 = arith.constant 0 : i32
      %dma_start3A_42 = tpu.memref_slice %arg4[%add3A, %dma_start3A_40, %dma_start3A_41] : memref<32x79x128xi32, #tpu.memory_space<hbm>> -> memref<1x79x128xi32, #tpu.memory_space<hbm>>
      %dma_start3A_43 = tpu.memref_squeeze %dma_start3A_42 : memref<1x79x128xi32, #tpu.memory_space<hbm>> -> memref<79x128xi32, #tpu.memory_space<hbm>>
      tpu.enqueue_dma source(%dma_start3A_43 : memref<79x128xi32, #tpu.memory_space<hbm>>) target(%arg7 : memref<79x128xi32, #tpu.memory_space<vmem>>) target_semaphore(%run_scoped3A_36 : memref<!tpu.dma_semaphore, #tpu.memory_space<semaphore_mem>>)
      %dma_wait3A = arith.constant 0 : i32
      %dma_wait3A_44 = arith.constant 0 : i32
      %dma_wait3A_45 = tpu.memref_slice %arg4[%add3A, %dma_wait3A, %dma_wait3A_44] : memref<32x79x128xi32, #tpu.memory_space<hbm>> -> memref<1x79x128xi32, #tpu.memory_space<hbm>>
      %dma_wait3A_46 = tpu.memref_squeeze %dma_wait3A_45 : memref<1x79x128xi32, #tpu.memory_space<hbm>> -> memref<79x128xi32, #tpu.memory_space<hbm>>
      %dma_wait3A_47 = arith.constant 0 : i32
      %dma_wait3A_48 = arith.constant 0 : i32
      %dma_wait3A_49 = tpu.memref_slice %arg4[%add3A, %dma_wait3A_47, %dma_wait3A_48] : memref<32x79x128xi32, #tpu.memory_space<hbm>> -> memref<1x79x128xi32, #tpu.memory_space<hbm>>
      %dma_wait3A_50 = tpu.memref_squeeze %dma_wait3A_49 : memref<1x79x128xi32, #tpu.memory_space<hbm>> -> memref<79x128xi32, #tpu.memory_space<hbm>>
      tpu.wait_dma2 semaphore(%run_scoped3A_36 : memref<!tpu.dma_semaphore, #tpu.memory_space<semaphore_mem>>) src(%dma_wait3A_50 : memref<79x128xi32, #tpu.memory_space<hbm>>) dst(%arg7 : memref<79x128xi32, #tpu.memory_space<vmem>>)
      tpu.yield
    }) : () -> ()
    %broadcast_in_dim3A = arith.constant 0.000000e+00 : f32
    %broadcast_in_dim3A_1 = vector.broadcast %broadcast_in_dim3A : f32 to vector<16xf32>
    %scan3A = arith.constant 0 : i32
    %scan3A_2 = arith.constant 0 : i32
    %scan3A_3 = arith.constant 128 : i32
    %scan3A_4 = arith.addi %scan3A_2, %scan3A_3 : i32
    %scan3A_5 = arith.constant 1 : i32
    %scan3A_6 = scf.for %scan3A_36 = %scan3A_2 to %scan3A_4 step %scan3A_5 iter_args(%scan3A_37 = %scan3A) -> (i32)  : i32 {
      %swap3A = arith.constant 0 : i32
      %swap3A_38 = arith.index_cast %swap3A : i32 to index
      %swap3A_39 = arith.index_cast %scan3A_36 : i32 to index
      %swap3A_40 = arith.constant 0 : index
      %swap3A_41 = tpu.vector_load %arg8[%swap3A_38, %swap3A_39, %swap3A_40] {strides = array<i32>} : memref<1x128x128xf32, #tpu.memory_space<vmem>>, vector<1x1x16xf32>,
      %swap3A_42 = vector.shape_cast %swap3A_41 : vector<1x1x16xf32> to vector<16xf32>
      %swap3A_43 = vector.shape_cast %broadcast_in_dim3A_1 : vector<16xf32> to vector<1x1x16xf32>
      tpu.vector_store %arg8[%swap3A_38, %swap3A_39, %swap3A_40], %swap3A_43 {strides = array<i32>} : memref<1x128x128xf32, #tpu.memory_space<vmem>>, vector<1x1x16xf32>,
      %swap3A_44 = arith.constant 0 : i32
      %swap3A_45 = arith.index_cast %swap3A_44 : i32 to index
      %swap3A_46 = arith.index_cast %scan3A_36 : i32 to index
      %swap3A_47 = arith.constant 16 : index
      %swap3A_48 = tpu.vector_load %arg8[%swap3A_45, %swap3A_46, %swap3A_47] {strides = array<i32>} : memref<1x128x128xf32, #tpu.memory_space<vmem>>, vector<1x1x16xf32>,
      %swap3A_49 = vector.shape_cast %swap3A_48 : vector<1x1x16xf32> to vector<16xf32>
      %swap3A_50 = vector.shape_cast %broadcast_in_dim3A_1 : vector<16xf32> to vector<1x1x16xf32>
      tpu.vector_store %arg8[%swap3A_45, %swap3A_46, %swap3A_47], %swap3A_50 {strides = array<i32>} : memref<1x128x128xf32, #tpu.memory_space<vmem>>, vector<1x1x16xf32>,
      %swap3A_51 = arith.constant 0 : i32
      %swap3A_52 = arith.index_cast %swap3A_51 : i32 to index
      %swap3A_53 = arith.index_cast %scan3A_36 : i32 to index
      %swap3A_54 = arith.constant 32 : index
      %swap3A_55 = tpu.vector_load %arg8[%swap3A_52, %swap3A_53, %swap3A_54] {strides = array<i32>} : memref<1x128x128xf32, #tpu.memory_space<vmem>>, vector<1x1x16xf32>,
      %swap3A_56 = vector.shape_cast %swap3A_55 : vector<1x1x16xf32> to vector<16xf32>
      %swap3A_57 = vector.shape_cast %broadcast_in_dim3A_1 : vector<16xf32> to vector<1x1x16xf32>
      tpu.vector_store %arg8[%swap3A_52, %swap3A_53, %swap3A_54], %swap3A_57 {strides = array<i32>} : memref<1x128x128xf32, #tpu.memory_space<vmem>>, vector<1x1x16xf32>,
      %swap3A_58 = arith.constant 0 : i32
      %swap3A_59 = arith.index_cast %swap3A_58 : i32 to index
      %swap3A_60 = arith.index_cast %scan3A_36 : i32 to index
      %swap3A_61 = arith.constant 48 : index
      %swap3A_62 = tpu.vector_load %arg8[%swap3A_59, %swap3A_60, %swap3A_61] {strides = array<i32>} : memref<1x128x128xf32, #tpu.memory_space<vmem>>, vector<1x1x16xf32>,
      %swap3A_63 = vector.shape_cast %swap3A_62 : vector<1x1x16xf32> to vector<16xf32>
      %swap3A_64 = vector.shape_cast %broadcast_in_dim3A_1 : vector<16xf32> to vector<1x1x16xf32>
      tpu.vector_store %arg8[%swap3A_59, %swap3A_60, %swap3A_61], %swap3A_64 {strides = array<i32>} : memref<1x128x128xf32, #tpu.memory_space<vmem>>, vector<1x1x16xf32>,
      %swap3A_65 = arith.constant 0 : i32
      %swap3A_66 = arith.index_cast %swap3A_65 : i32 to index
      %swap3A_67 = arith.index_cast %scan3A_36 : i32 to index
      %swap3A_68 = arith.constant 64 : index
      %swap3A_69 = tpu.vector_load %arg8[%swap3A_66, %swap3A_67, %swap3A_68] {strides = array<i32>} : memref<1x128x128xf32, #tpu.memory_space<vmem>>, vector<1x1x16xf32>,
      %swap3A_70 = vector.shape_cast %swap3A_69 : vector<1x1x16xf32> to vector<16xf32>
      %swap3A_71 = vector.shape_cast %broadcast_in_dim3A_1 : vector<16xf32> to vector<1x1x16xf32>
      tpu.vector_store %arg8[%swap3A_66, %swap3A_67, %swap3A_68], %swap3A_71 {strides = array<i32>} : memref<1x128x128xf32, #tpu.memory_space<vmem>>, vector<1x1x16xf32>,
      %swap3A_72 = arith.constant 0 : i32
      %swap3A_73 = arith.index_cast %swap3A_72 : i32 to index
      %swap3A_74 = arith.index_cast %scan3A_36 : i32 to index
      %swap3A_75 = arith.constant 80 : index
      %swap3A_76 = tpu.vector_load %arg8[%swap3A_73, %swap3A_74, %swap3A_75] {strides = array<i32>} : memref<1x128x128xf32, #tpu.memory_space<vmem>>, vector<1x1x16xf32>,
      %swap3A_77 = vector.shape_cast %swap3A_76 : vector<1x1x16xf32> to vector<16xf32>
      %swap3A_78 = vector.shape_cast %broadcast_in_dim3A_1 : vector<16xf32> to vector<1x1x16xf32>
      tpu.vector_store %arg8[%swap3A_73, %swap3A_74, %swap3A_75], %swap3A_78 {strides = array<i32>} : memref<1x128x128xf32, #tpu.memory_space<vmem>>, vector<1x1x16xf32>,
      %swap3A_79 = arith.constant 0 : i32
      %swap3A_80 = arith.index_cast %swap3A_79 : i32 to index
      %swap3A_81 = arith.index_cast %scan3A_36 : i32 to index
      %swap3A_82 = arith.constant 96 : index
      %swap3A_83 = tpu.vector_load %arg8[%swap3A_80, %swap3A_81, %swap3A_82] {strides = array<i32>} : memref<1x128x128xf32, #tpu.memory_space<vmem>>, vector<1x1x16xf32>,
      %swap3A_84 = vector.shape_cast %swap3A_83 : vector<1x1x16xf32> to vector<16xf32>
      %swap3A_85 = vector.shape_cast %broadcast_in_dim3A_1 : vector<16xf32> to vector<1x1x16xf32>
      tpu.vector_store %arg8[%swap3A_80, %swap3A_81, %swap3A_82], %swap3A_85 {strides = array<i32>} : memref<1x128x128xf32, #tpu.memory_space<vmem>>, vector<1x1x16xf32>,
      %swap3A_86 = arith.constant 0 : i32
      %swap3A_87 = arith.index_cast %swap3A_86 : i32 to index
      %swap3A_88 = arith.index_cast %scan3A_36 : i32 to index
      %swap3A_89 = arith.constant 112 : index
      %swap3A_90 = tpu.vector_load %arg8[%swap3A_87, %swap3A_88, %swap3A_89] {strides = array<i32>} : memref<1x128x128xf32, #tpu.memory_space<vmem>>, vector<1x1x16xf32>,
      %swap3A_91 = vector.shape_cast %swap3A_90 : vector<1x1x16xf32> to vector<16xf32>
      %swap3A_92 = vector.shape_cast %broadcast_in_dim3A_1 : vector<16xf32> to vector<1x1x16xf32>
      tpu.vector_store %arg8[%swap3A_87, %swap3A_88, %swap3A_89], %swap3A_92 {strides = array<i32>} : memref<1x128x128xf32, #tpu.memory_space<vmem>>, vector<1x1x16xf32>,
      %scan3A_93 = arith.constant 0 : i32
      scf.yield %scan3A_93 : i32
    }
    %scan3A_7 = arith.constant 128 : i32
    %mul3A_8 = arith.constant 640 : i32
    %mul3A_9 = arith.muli %arg1, %mul3A_8 : i32
    %add3A_10 = arith.constant 0 : i32
    %add3A_11 = arith.addi %mul3A_9, %add3A_10 : i32
    %run_scoped3A = arith.constant 0 : i32
    "tpu.region"() ({
      %run_scoped3A_36 = tpu.sem_alloc : memref<!tpu.dma_semaphore, #tpu.memory_space<semaphore_mem>>
      %dma_start3A = arith.constant 0 : i32
      %dma_start3A_37 = arith.constant 0 : i32
      %dma_start3A_38 = tpu.memref_slice %arg8[%run_scoped3A, %dma_start3A, %dma_start3A_37] : memref<1x128x128xf32, #tpu.memory_space<vmem>> -> memref<1x128x128xf32, #tpu.memory_space<vmem>>
      %dma_start3A_39 = tpu.memref_squeeze %dma_start3A_38 : memref<1x128x128xf32, #tpu.memory_space<vmem>> -> memref<128x128xf32, #tpu.memory_space<vmem>>
      %dma_start3A_40 = arith.constant 0 : i32
      %dma_start3A_41 = tpu.memref_slice %arg9[%add3A_11, %dma_start3A_40] : memref<10240x128xf32, #tpu.memory_space<vmem_shared>> -> memref<128x128xf32, #tpu.memory_space<vmem_shared>>
      %dma_start3A_42 = arith.constant 0 : i32
      %dma_start3A_43 = tpu.memref_slice %arg9[%add3A_11, %dma_start3A_42] : memref<10240x128xf32, #tpu.memory_space<vmem_shared>> -> memref<128x128xf32, #tpu.memory_space<vmem_shared>>
      %dma_start3A_44 = arith.constant 0 : i32
      %dma_start3A_45 = arith.constant 0 : i32
      %dma_start3A_46 = tpu.memref_slice %arg8[%run_scoped3A, %dma_start3A_44, %dma_start3A_45] : memref<1x128x128xf32, #tpu.memory_space<vmem>> -> memref<1x128x128xf32, #tpu.memory_space<vmem>>
      %dma_start3A_47 = tpu.memref_squeeze %dma_start3A_46 : memref<1x128x128xf32, #tpu.memory_space<vmem>> -> memref<128x128xf32, #tpu.memory_space<vmem>>
      tpu.enqueue_dma source(%dma_start3A_47 : memref<128x128xf32, #tpu.memory_space<vmem>>) target(%dma_start3A_43 : memref<128x128xf32, #tpu.memory_space<vmem_shared>>) target_semaphore(%run_scoped3A_36 : memref<!tpu.dma_semaphore, #tpu.memory_space<semaphore_mem>>)
      %dma_wait3A = arith.constant 0 : i32
      %dma_wait3A_48 = arith.constant 0 : i32
      %dma_wait3A_49 = tpu.memref_slice %arg8[%run_scoped3A, %dma_wait3A, %dma_wait3A_48] : memref<1x128x128xf32, #tpu.memory_space<vmem>> -> memref<1x128x128xf32, #tpu.memory_space<vmem>>
      %dma_wait3A_50 = tpu.memref_squeeze %dma_wait3A_49 : memref<1x128x128xf32, #tpu.memory_space<vmem>> -> memref<128x128xf32, #tpu.memory_space<vmem>>
      %dma_wait3A_51 = arith.constant 0 : i32
      %dma_wait3A_52 = tpu.memref_slice %arg9[%add3A_11, %dma_wait3A_51] : memref<10240x128xf32, #tpu.memory_space<vmem_shared>> -> memref<128x128xf32, #tpu.memory_space<vmem_shared>>
      %dma_wait3A_53 = arith.constant 0 : i32
      %dma_wait3A_54 = tpu.memref_slice %arg9[%add3A_11, %dma_wait3A_53] : memref<10240x128xf32, #tpu.memory_space<vmem_shared>> -> memref<128x128xf32, #tpu.memory_space<vmem_shared>>
      %dma_wait3A_55 = arith.constant 0 : i32
      %dma_wait3A_56 = arith.constant 0 : i32
      %dma_wait3A_57 = tpu.memref_slice %arg8[%run_scoped3A, %dma_wait3A_55, %dma_wait3A_56] : memref<1x128x128xf32, #tpu.memory_space<vmem>> -> memref<1x128x128xf32, #tpu.memory_space<vmem>>
      %dma_wait3A_58 = tpu.memref_squeeze %dma_wait3A_57 : memref<1x128x128xf32, #tpu.memory_space<vmem>> -> memref<128x128xf32, #tpu.memory_space<vmem>>
      tpu.wait_dma2 semaphore(%run_scoped3A_36 : memref<!tpu.dma_semaphore, #tpu.memory_space<semaphore_mem>>) src(%dma_wait3A_58 : memref<128x128xf32, #tpu.memory_space<vmem>>) dst(%dma_wait3A_54 : memref<128x128xf32, #tpu.memory_space<vmem_shared>>)
      tpu.yield
    }) : () -> ()
    %add3A_12 = arith.constant 128 : i32
    %add3A_13 = arith.addi %mul3A_9, %add3A_12 : i32
    %run_scoped3A_14 = arith.constant 0 : i32
    "tpu.region"() ({
      %run_scoped3A_36 = tpu.sem_alloc : memref<!tpu.dma_semaphore, #tpu.memory_space<semaphore_mem>>
      %dma_start3A = arith.constant 0 : i32
      %dma_start3A_37 = arith.constant 0 : i32
      %dma_start3A_38 = tpu.memref_slice %arg8[%run_scoped3A_14, %dma_start3A, %dma_start3A_37] : memref<1x128x128xf32, #tpu.memory_space<vmem>> -> memref<1x128x128xf32, #tpu.memory_space<vmem>>
      %dma_start3A_39 = tpu.memref_squeeze %dma_start3A_38 : memref<1x128x128xf32, #tpu.memory_space<vmem>> -> memref<128x128xf32, #tpu.memory_space<vmem>>
      %dma_start3A_40 = arith.constant 0 : i32
      %dma_start3A_41 = tpu.memref_slice %arg9[%add3A_13, %dma_start3A_40] : memref<10240x128xf32, #tpu.memory_space<vmem_shared>> -> memref<128x128xf32, #tpu.memory_space<vmem_shared>>
      %dma_start3A_42 = arith.constant 0 : i32
      %dma_start3A_43 = tpu.memref_slice %arg9[%add3A_13, %dma_start3A_42] : memref<10240x128xf32, #tpu.memory_space<vmem_shared>> -> memref<128x128xf32, #tpu.memory_space<vmem_shared>>
      %dma_start3A_44 = arith.constant 0 : i32
      %dma_start3A_45 = arith.constant 0 : i32
      %dma_start3A_46 = tpu.memref_slice %arg8[%run_scoped3A_14, %dma_start3A_44, %dma_start3A_45] : memref<1x128x128xf32, #tpu.memory_space<vmem>> -> memref<1x128x128xf32, #tpu.memory_space<vmem>>
      %dma_start3A_47 = tpu.memref_squeeze %dma_start3A_46 : memref<1x128x128xf32, #tpu.memory_space<vmem>> -> memref<128x128xf32, #tpu.memory_space<vmem>>
      tpu.enqueue_dma source(%dma_start3A_47 : memref<128x128xf32, #tpu.memory_space<vmem>>) target(%dma_start3A_43 : memref<128x128xf32, #tpu.memory_space<vmem_shared>>) target_semaphore(%run_scoped3A_36 : memref<!tpu.dma_semaphore, #tpu.memory_space<semaphore_mem>>)
      %dma_wait3A = arith.constant 0 : i32
      %dma_wait3A_48 = arith.constant 0 : i32
      %dma_wait3A_49 = tpu.memref_slice %arg8[%run_scoped3A_14, %dma_wait3A, %dma_wait3A_48] : memref<1x128x128xf32, #tpu.memory_space<vmem>> -> memref<1x128x128xf32, #tpu.memory_space<vmem>>
      %dma_wait3A_50 = tpu.memref_squeeze %dma_wait3A_49 : memref<1x128x128xf32, #tpu.memory_space<vmem>> -> memref<128x128xf32, #tpu.memory_space<vmem>>
      %dma_wait3A_51 = arith.constant 0 : i32
      %dma_wait3A_52 = tpu.memref_slice %arg9[%add3A_13, %dma_wait3A_51] : memref<10240x128xf32, #tpu.memory_space<vmem_shared>> -> memref<128x128xf32, #tpu.memory_space<vmem_shared>>
      %dma_wait3A_53 = arith.constant 0 : i32
      %dma_wait3A_54 = tpu.memref_slice %arg9[%add3A_13, %dma_wait3A_53] : memref<10240x128xf32, #tpu.memory_space<vmem_shared>> -> memref<128x128xf32, #tpu.memory_space<vmem_shared>>
      %dma_wait3A_55 = arith.constant 0 : i32
      %dma_wait3A_56 = arith.constant 0 : i32
      %dma_wait3A_57 = tpu.memref_slice %arg8[%run_scoped3A_14, %dma_wait3A_55, %dma_wait3A_56] : memref<1x128x128xf32, #tpu.memory_space<vmem>> -> memref<1x128x128xf32, #tpu.memory_space<vmem>>
      %dma_wait3A_58 = tpu.memref_squeeze %dma_wait3A_57 : memref<1x128x128xf32, #tpu.memory_space<vmem>> -> memref<128x128xf32, #tpu.memory_space<vmem>>
      tpu.wait_dma2 semaphore(%run_scoped3A_36 : memref<!tpu.dma_semaphore, #tpu.memory_space<semaphore_mem>>) src(%dma_wait3A_58 : memref<128x128xf32, #tpu.memory_space<vmem>>) dst(%dma_wait3A_54 : memref<128x128xf32, #tpu.memory_space<vmem_shared>>)
      tpu.yield
    }) : () -> ()
    %add3A_15 = arith.constant 256 : i32
    %add3A_16 = arith.addi %mul3A_9, %add3A_15 : i32
    %run_scoped3A_17 = arith.constant 0 : i32
    "tpu.region"() ({
      %run_scoped3A_36 = tpu.sem_alloc : memref<!tpu.dma_semaphore, #tpu.memory_space<semaphore_mem>>
      %dma_start3A = arith.constant 0 : i32
      %dma_start3A_37 = arith.constant 0 : i32
      %dma_start3A_38 = tpu.memref_slice %arg8[%run_scoped3A_17, %dma_start3A, %dma_start3A_37] : memref<1x128x128xf32, #tpu.memory_space<vmem>> -> memref<1x128x128xf32, #tpu.memory_space<vmem>>
      %dma_start3A_39 = tpu.memref_squeeze %dma_start3A_38 : memref<1x128x128xf32, #tpu.memory_space<vmem>> -> memref<128x128xf32, #tpu.memory_space<vmem>>
      %dma_start3A_40 = arith.constant 0 : i32
      %dma_start3A_41 = tpu.memref_slice %arg9[%add3A_16, %dma_start3A_40] : memref<10240x128xf32, #tpu.memory_space<vmem_shared>> -> memref<128x128xf32, #tpu.memory_space<vmem_shared>>
      %dma_start3A_42 = arith.constant 0 : i32
      %dma_start3A_43 = tpu.memref_slice %arg9[%add3A_16, %dma_start3A_42] : memref<10240x128xf32, #tpu.memory_space<vmem_shared>> -> memref<128x128xf32, #tpu.memory_space<vmem_shared>>
      %dma_start3A_44 = arith.constant 0 : i32
      %dma_start3A_45 = arith.constant 0 : i32
      %dma_start3A_46 = tpu.memref_slice %arg8[%run_scoped3A_17, %dma_start3A_44, %dma_start3A_45] : memref<1x128x128xf32, #tpu.memory_space<vmem>> -> memref<1x128x128xf32, #tpu.memory_space<vmem>>
      %dma_start3A_47 = tpu.memref_squeeze %dma_start3A_46 : memref<1x128x128xf32, #tpu.memory_space<vmem>> -> memref<128x128xf32, #tpu.memory_space<vmem>>
      tpu.enqueue_dma source(%dma_start3A_47 : memref<128x128xf32, #tpu.memory_space<vmem>>) target(%dma_start3A_43 : memref<128x128xf32, #tpu.memory_space<vmem_shared>>) target_semaphore(%run_scoped3A_36 : memref<!tpu.dma_semaphore, #tpu.memory_space<semaphore_mem>>)
      %dma_wait3A = arith.constant 0 : i32
      %dma_wait3A_48 = arith.constant 0 : i32
      %dma_wait3A_49 = tpu.memref_slice %arg8[%run_scoped3A_17, %dma_wait3A, %dma_wait3A_48] : memref<1x128x128xf32, #tpu.memory_space<vmem>> -> memref<1x128x128xf32, #tpu.memory_space<vmem>>
      %dma_wait3A_50 = tpu.memref_squeeze %dma_wait3A_49 : memref<1x128x128xf32, #tpu.memory_space<vmem>> -> memref<128x128xf32, #tpu.memory_space<vmem>>
      %dma_wait3A_51 = arith.constant 0 : i32
      %dma_wait3A_52 = tpu.memref_slice %arg9[%add3A_16, %dma_wait3A_51] : memref<10240x128xf32, #tpu.memory_space<vmem_shared>> -> memref<128x128xf32, #tpu.memory_space<vmem_shared>>
      %dma_wait3A_53 = arith.constant 0 : i32
      %dma_wait3A_54 = tpu.memref_slice %arg9[%add3A_16, %dma_wait3A_53] : memref<10240x128xf32, #tpu.memory_space<vmem_shared>> -> memref<128x128xf32, #tpu.memory_space<vmem_shared>>
      %dma_wait3A_55 = arith.constant 0 : i32
      %dma_wait3A_56 = arith.constant 0 : i32
      %dma_wait3A_57 = tpu.memref_slice %arg8[%run_scoped3A_17, %dma_wait3A_55, %dma_wait3A_56] : memref<1x128x128xf32, #tpu.memory_space<vmem>> -> memref<1x128x128xf32, #tpu.memory_space<vmem>>
      %dma_wait3A_58 = tpu.memref_squeeze %dma_wait3A_57 : memref<1x128x128xf32, #tpu.memory_space<vmem>> -> memref<128x128xf32, #tpu.memory_space<vmem>>
      tpu.wait_dma2 semaphore(%run_scoped3A_36 : memref<!tpu.dma_semaphore, #tpu.memory_space<semaphore_mem>>) src(%dma_wait3A_58 : memref<128x128xf32, #tpu.memory_space<vmem>>) dst(%dma_wait3A_54 : memref<128x128xf32, #tpu.memory_space<vmem_shared>>)
      tpu.yield
    }) : () -> ()
    %add3A_18 = arith.constant 384 : i32
    %add3A_19 = arith.addi %mul3A_9, %add3A_18 : i32
    %run_scoped3A_20 = arith.constant 0 : i32
    "tpu.region"() ({
      %run_scoped3A_36 = tpu.sem_alloc : memref<!tpu.dma_semaphore, #tpu.memory_space<semaphore_mem>>
      %dma_start3A = arith.constant 0 : i32
      %dma_start3A_37 = arith.constant 0 : i32
      %dma_start3A_38 = tpu.memref_slice %arg8[%run_scoped3A_20, %dma_start3A, %dma_start3A_37] : memref<1x128x128xf32, #tpu.memory_space<vmem>> -> memref<1x128x128xf32, #tpu.memory_space<vmem>>
      %dma_start3A_39 = tpu.memref_squeeze %dma_start3A_38 : memref<1x128x128xf32, #tpu.memory_space<vmem>> -> memref<128x128xf32, #tpu.memory_space<vmem>>
      %dma_start3A_40 = arith.constant 0 : i32
      %dma_start3A_41 = tpu.memref_slice %arg9[%add3A_19, %dma_start3A_40] : memref<10240x128xf32, #tpu.memory_space<vmem_shared>> -> memref<128x128xf32, #tpu.memory_space<vmem_shared>>
      %dma_start3A_42 = arith.constant 0 : i32
      %dma_start3A_43 = tpu.memref_slice %arg9[%add3A_19, %dma_start3A_42] : memref<10240x128xf32, #tpu.memory_space<vmem_shared>> -> memref<128x128xf32, #tpu.memory_space<vmem_shared>>
      %dma_start3A_44 = arith.constant 0 : i32
      %dma_start3A_45 = arith.constant 0 : i32
      %dma_start3A_46 = tpu.memref_slice %arg8[%run_scoped3A_20, %dma_start3A_44, %dma_start3A_45] : memref<1x128x128xf32, #tpu.memory_space<vmem>> -> memref<1x128x128xf32, #tpu.memory_space<vmem>>
      %dma_start3A_47 = tpu.memref_squeeze %dma_start3A_46 : memref<1x128x128xf32, #tpu.memory_space<vmem>> -> memref<128x128xf32, #tpu.memory_space<vmem>>
      tpu.enqueue_dma source(%dma_start3A_47 : memref<128x128xf32, #tpu.memory_space<vmem>>) target(%dma_start3A_43 : memref<128x128xf32, #tpu.memory_space<vmem_shared>>) target_semaphore(%run_scoped3A_36 : memref<!tpu.dma_semaphore, #tpu.memory_space<semaphore_mem>>)
      %dma_wait3A = arith.constant 0 : i32
      %dma_wait3A_48 = arith.constant 0 : i32
      %dma_wait3A_49 = tpu.memref_slice %arg8[%run_scoped3A_20, %dma_wait3A, %dma_wait3A_48] : memref<1x128x128xf32, #tpu.memory_space<vmem>> -> memref<1x128x128xf32, #tpu.memory_space<vmem>>
      %dma_wait3A_50 = tpu.memref_squeeze %dma_wait3A_49 : memref<1x128x128xf32, #tpu.memory_space<vmem>> -> memref<128x128xf32, #tpu.memory_space<vmem>>
      %dma_wait3A_51 = arith.constant 0 : i32
      %dma_wait3A_52 = tpu.memref_slice %arg9[%add3A_19, %dma_wait3A_51] : memref<10240x128xf32, #tpu.memory_space<vmem_shared>> -> memref<128x128xf32, #tpu.memory_space<vmem_shared>>
      %dma_wait3A_53 = arith.constant 0 : i32
      %dma_wait3A_54 = tpu.memref_slice %arg9[%add3A_19, %dma_wait3A_53] : memref<10240x128xf32, #tpu.memory_space<vmem_shared>> -> memref<128x128xf32, #tpu.memory_space<vmem_shared>>
      %dma_wait3A_55 = arith.constant 0 : i32
      %dma_wait3A_56 = arith.constant 0 : i32
      %dma_wait3A_57 = tpu.memref_slice %arg8[%run_scoped3A_20, %dma_wait3A_55, %dma_wait3A_56] : memref<1x128x128xf32, #tpu.memory_space<vmem>> -> memref<1x128x128xf32, #tpu.memory_space<vmem>>
      %dma_wait3A_58 = tpu.memref_squeeze %dma_wait3A_57 : memref<1x128x128xf32, #tpu.memory_space<vmem>> -> memref<128x128xf32, #tpu.memory_space<vmem>>
      tpu.wait_dma2 semaphore(%run_scoped3A_36 : memref<!tpu.dma_semaphore, #tpu.memory_space<semaphore_mem>>) src(%dma_wait3A_58 : memref<128x128xf32, #tpu.memory_space<vmem>>) dst(%dma_wait3A_54 : memref<128x128xf32, #tpu.memory_space<vmem_shared>>)
      tpu.yield
    }) : () -> ()
    %add3A_21 = arith.constant 512 : i32
    %add3A_22 = arith.addi %mul3A_9, %add3A_21 : i32
    %run_scoped3A_23 = arith.constant 0 : i32
    "tpu.region"() ({
      %run_scoped3A_36 = tpu.sem_alloc : memref<!tpu.dma_semaphore, #tpu.memory_space<semaphore_mem>>
      %dma_start3A = arith.constant 0 : i32
      %dma_start3A_37 = arith.constant 0 : i32
      %dma_start3A_38 = tpu.memref_slice %arg8[%run_scoped3A_23, %dma_start3A, %dma_start3A_37] : memref<1x128x128xf32, #tpu.memory_space<vmem>> -> memref<1x128x128xf32, #tpu.memory_space<vmem>>
      %dma_start3A_39 = tpu.memref_squeeze %dma_start3A_38 : memref<1x128x128xf32, #tpu.memory_space<vmem>> -> memref<128x128xf32, #tpu.memory_space<vmem>>
      %dma_start3A_40 = arith.constant 0 : i32
      %dma_start3A_41 = tpu.memref_slice %arg9[%add3A_22, %dma_start3A_40] : memref<10240x128xf32, #tpu.memory_space<vmem_shared>> -> memref<128x128xf32, #tpu.memory_space<vmem_shared>>
      %dma_start3A_42 = arith.constant 0 : i32
      %dma_start3A_43 = tpu.memref_slice %arg9[%add3A_22, %dma_start3A_42] : memref<10240x128xf32, #tpu.memory_space<vmem_shared>> -> memref<128x128xf32, #tpu.memory_space<vmem_shared>>
      %dma_start3A_44 = arith.constant 0 : i32
      %dma_start3A_45 = arith.constant 0 : i32
      %dma_start3A_46 = tpu.memref_slice %arg8[%run_scoped3A_23, %dma_start3A_44, %dma_start3A_45] : memref<1x128x128xf32, #tpu.memory_space<vmem>> -> memref<1x128x128xf32, #tpu.memory_space<vmem>>
      %dma_start3A_47 = tpu.memref_squeeze %dma_start3A_46 : memref<1x128x128xf32, #tpu.memory_space<vmem>> -> memref<128x128xf32, #tpu.memory_space<vmem>>
      tpu.enqueue_dma source(%dma_start3A_47 : memref<128x128xf32, #tpu.memory_space<vmem>>) target(%dma_start3A_43 : memref<128x128xf32, #tpu.memory_space<vmem_shared>>) target_semaphore(%run_scoped3A_36 : memref<!tpu.dma_semaphore, #tpu.memory_space<semaphore_mem>>)
      %dma_wait3A = arith.constant 0 : i32
      %dma_wait3A_48 = arith.constant 0 : i32
      %dma_wait3A_49 = tpu.memref_slice %arg8[%run_scoped3A_23, %dma_wait3A, %dma_wait3A_48] : memref<1x128x128xf32, #tpu.memory_space<vmem>> -> memref<1x128x128xf32, #tpu.memory_space<vmem>>
      %dma_wait3A_50 = tpu.memref_squeeze %dma_wait3A_49 : memref<1x128x128xf32, #tpu.memory_space<vmem>> -> memref<128x128xf32, #tpu.memory_space<vmem>>
      %dma_wait3A_51 = arith.constant 0 : i32
      %dma_wait3A_52 = tpu.memref_slice %arg9[%add3A_22, %dma_wait3A_51] : memref<10240x128xf32, #tpu.memory_space<vmem_shared>> -> memref<128x128xf32, #tpu.memory_space<vmem_shared>>
      %dma_wait3A_53 = arith.constant 0 : i32
      %dma_wait3A_54 = tpu.memref_slice %arg9[%add3A_22, %dma_wait3A_53] : memref<10240x128xf32, #tpu.memory_space<vmem_shared>> -> memref<128x128xf32, #tpu.memory_space<vmem_shared>>
      %dma_wait3A_55 = arith.constant 0 : i32
      %dma_wait3A_56 = arith.constant 0 : i32
      %dma_wait3A_57 = tpu.memref_slice %arg8[%run_scoped3A_23, %dma_wait3A_55, %dma_wait3A_56] : memref<1x128x128xf32, #tpu.memory_space<vmem>> -> memref<1x128x128xf32, #tpu.memory_space<vmem>>
      %dma_wait3A_58 = tpu.memref_squeeze %dma_wait3A_57 : memref<1x128x128xf32, #tpu.memory_space<vmem>> -> memref<128x128xf32, #tpu.memory_space<vmem>>
      tpu.wait_dma2 semaphore(%run_scoped3A_36 : memref<!tpu.dma_semaphore, #tpu.memory_space<semaphore_mem>>) src(%dma_wait3A_58 : memref<128x128xf32, #tpu.memory_space<vmem>>) dst(%dma_wait3A_54 : memref<128x128xf32, #tpu.memory_space<vmem_shared>>)
      tpu.yield
    }) : () -> ()
    %barrier3A = arith.constant 0 : index
    tpu.barrier barrier_id(%barrier3A)
    %scan3A_24 = arith.constant 0 : i32
    %scan3A_25 = arith.constant 0 : i32
    %scan3A_26 = arith.constant 79 : i32
    %scan3A_27 = arith.addi %scan3A_25, %scan3A_26 : i32
    %scan3A_28 = arith.constant 1 : i32
    %scan3A_29 = scf.for %scan3A_36 = %scan3A_25 to %scan3A_27 step %scan3A_28 iter_args(%scan3A_37 = %scan3A_24) -> (i32)  : i32 {
      %dma_start3A = arith.constant 0 : i32
      %dma_start3A_38 = arith.constant 0 : i32
      %dma_start3A_39 = arith.constant 0 : i32
      %dma_start3A_40 = tpu.memref_slice %arg8[%dma_start3A, %dma_start3A_38, %dma_start3A_39] : memref<1x128x128xf32, #tpu.memory_space<vmem>> -> memref<1x128x128xf32, #tpu.memory_space<vmem>>
      %dma_start3A_41 = tpu.memref_squeeze %dma_start3A_40 : memref<1x128x128xf32, #tpu.memory_space<vmem>> -> memref<128x128xf32, #tpu.memory_space<vmem>>
      %dma_start3A_42 = arith.constant 0 : i32
      %dma_start3A_43 = tpu.memref_slice %arg6[%scan3A_36, %dma_start3A_42] : memref<79x128xi32, #tpu.memory_space<vmem>> -> memref<1x128xi32, #tpu.memory_space<vmem>>
      %dma_start3A_44 = tpu.memref_squeeze %dma_start3A_43 : memref<1x128xi32, #tpu.memory_space<vmem>> -> memref<128xi32, #tpu.memory_space<vmem>>
      %dma_start3A_45 = arith.constant 0 : i32
      %dma_start3A_46 = arith.constant 0 : i32
      %dma_start3A_47 = tpu.memref_slice %arg2[%dma_start3A_45, %dma_start3A_46] : memref<10000x128xf32, #tpu.memory_space<hbm>> -> memref<10000x128xf32, #tpu.memory_space<hbm>>
      tpu.enqueue_indirect_dma source(%dma_start3A_47 : memref<10000x128xf32, #tpu.memory_space<hbm>>) target(%dma_start3A_41 : memref<128x128xf32, #tpu.memory_space<vmem>>) offsets(%dma_start3A_44 : memref<128xi32, #tpu.memory_space<vmem>>) semaphore(%arg10 : memref<!tpu.dma_semaphore, #tpu.memory_space<semaphore_mem>>)
      %dma_wait3A = arith.constant 0 : i32
      %dma_wait3A_48 = arith.constant 0 : i32
      %dma_wait3A_49 = arith.constant 0 : i32
      %dma_wait3A_50 = tpu.memref_slice %arg8[%dma_wait3A, %dma_wait3A_48, %dma_wait3A_49] : memref<1x128x128xf32, #tpu.memory_space<vmem>> -> memref<1x128x128xf32, #tpu.memory_space<vmem>>
      %dma_wait3A_51 = tpu.memref_squeeze %dma_wait3A_50 : memref<1x128x128xf32, #tpu.memory_space<vmem>> -> memref<128x128xf32, #tpu.memory_space<vmem>>
      %dma_wait3A_52 = arith.constant 0 : i32
      %dma_wait3A_53 = tpu.memref_slice %arg6[%scan3A_36, %dma_wait3A_52] : memref<79x128xi32, #tpu.memory_space<vmem>> -> memref<1x128xi32, #tpu.memory_space<vmem>>
      %dma_wait3A_54 = tpu.memref_squeeze %dma_wait3A_53 : memref<1x128xi32, #tpu.memory_space<vmem>> -> memref<128xi32, #tpu.memory_space<vmem>>
      %dma_wait3A_55 = arith.constant 0 : i32
      %dma_wait3A_56 = arith.constant 0 : i32
      %dma_wait3A_57 = tpu.memref_slice %arg2[%dma_wait3A_55, %dma_wait3A_56] : memref<10000x128xf32, #tpu.memory_space<hbm>> -> memref<10000x128xf32, #tpu.memory_space<hbm>>
      tpu.wait_indirect_dma semaphore(%arg10 : memref<!tpu.dma_semaphore, #tpu.memory_space<semaphore_mem>>) src(%dma_wait3A_57 : memref<10000x128xf32, #tpu.memory_space<hbm>>) dst(%dma_wait3A_51 : memref<128x128xf32, #tpu.memory_space<vmem>>)
      %run_scoped3A_58 = arith.constant 0 : i32
      "tpu.region"() ({
        %run_scoped3A_60 = tpu.sem_alloc : memref<!tpu.dma_semaphore, #tpu.memory_space<semaphore_mem>>
        %dma_start3A_61 = arith.constant 0 : i32
        %dma_start3A_62 = arith.constant 0 : i32
        %dma_start3A_63 = tpu.memref_slice %arg8[%run_scoped3A_58, %dma_start3A_61, %dma_start3A_62] : memref<1x128x128xf32, #tpu.memory_space<vmem>> -> memref<1x128x128xf32, #tpu.memory_space<vmem>>
        %dma_start3A_64 = tpu.memref_squeeze %dma_start3A_63 : memref<1x128x128xf32, #tpu.memory_space<vmem>> -> memref<128x128xf32, #tpu.memory_space<vmem>>
        %dma_start3A_65 = arith.constant 0 : i32
        %dma_start3A_66 = tpu.memref_slice %arg7[%scan3A_36, %dma_start3A_65] : memref<79x128xi32, #tpu.memory_space<vmem>> -> memref<1x128xi32, #tpu.memory_space<vmem>>
        %dma_start3A_67 = tpu.memref_squeeze %dma_start3A_66 : memref<1x128xi32, #tpu.memory_space<vmem>> -> memref<128xi32, #tpu.memory_space<vmem>>
        %dma_start3A_68 = arith.constant 0 : i32
        %dma_start3A_69 = arith.constant 0 : i32
        %dma_start3A_70 = tpu.memref_slice %arg9[%dma_start3A_68, %dma_start3A_69] : memref<10240x128xf32, #tpu.memory_space<vmem_shared>> -> memref<10240x128xf32, #tpu.memory_space<vmem_shared>>
        tpu.enqueue_indirect_dma source(%dma_start3A_64 : memref<128x128xf32, #tpu.memory_space<vmem>>) target(%dma_start3A_70 : memref<10240x128xf32, #tpu.memory_space<vmem_shared>>) offsets(%dma_start3A_67 : memref<128xi32, #tpu.memory_space<vmem>>) semaphore(%run_scoped3A_60 : memref<!tpu.dma_semaphore, #tpu.memory_space<semaphore_mem>>) {add = true}
        %dma_wait3A_71 = arith.constant 0 : i32
        %dma_wait3A_72 = arith.constant 0 : i32
        %dma_wait3A_73 = tpu.memref_slice %arg8[%run_scoped3A_58, %dma_wait3A_71, %dma_wait3A_72] : memref<1x128x128xf32, #tpu.memory_space<vmem>> -> memref<1x128x128xf32, #tpu.memory_space<vmem>>
        %dma_wait3A_74 = tpu.memref_squeeze %dma_wait3A_73 : memref<1x128x128xf32, #tpu.memory_space<vmem>> -> memref<128x128xf32, #tpu.memory_space<vmem>>
        %dma_wait3A_75 = arith.constant 0 : i32
        %dma_wait3A_76 = tpu.memref_slice %arg7[%scan3A_36, %dma_wait3A_75] : memref<79x128xi32, #tpu.memory_space<vmem>> -> memref<1x128xi32, #tpu.memory_space<vmem>>
        %dma_wait3A_77 = tpu.memref_squeeze %dma_wait3A_76 : memref<1x128xi32, #tpu.memory_space<vmem>> -> memref<128xi32, #tpu.memory_space<vmem>>
        %dma_wait3A_78 = arith.constant 0 : i32
        %dma_wait3A_79 = arith.constant 0 : i32
        %dma_wait3A_80 = tpu.memref_slice %arg9[%dma_wait3A_78, %dma_wait3A_79] : memref<10240x128xf32, #tpu.memory_space<vmem_shared>> -> memref<10240x128xf32, #tpu.memory_space<vmem_shared>>
        tpu.wait_indirect_dma semaphore(%run_scoped3A_60 : memref<!tpu.dma_semaphore, #tpu.memory_space<semaphore_mem>>) src(%dma_wait3A_74 : memref<128x128xf32, #tpu.memory_space<vmem>>) dst(%dma_wait3A_80 : memref<10240x128xf32, #tpu.memory_space<vmem_shared>>)
        tpu.yield
      }) : () -> ()
      %scan3A_59 = arith.constant 0 : i32
      scf.yield %scan3A_59 : i32
    }
    %scan3A_30 = arith.constant 79 : i32
    %barrier3A_31 = arith.constant 0 : index
    tpu.barrier barrier_id(%barrier3A_31)
    %mul3A_32 = arith.constant 640 : i32
    %mul3A_33 = arith.muli %arg1, %mul3A_32 : i32
    %mul3A_34 = arith.constant 640 : i32
    %mul3A_35 = arith.muli %arg1, %mul3A_34 : i32
    "tpu.region"() ({
      %run_scoped3A_36 = tpu.sem_alloc : memref<!tpu.dma_semaphore, #tpu.memory_space<semaphore_mem>>
      %dma_start3A = arith.constant 0 : i32
      %dma_start3A_37 = tpu.memref_slice %arg5[%arg0, %mul3A_35, %dma_start3A] : memref<2x10240x128xf32, #tpu.memory_space<hbm>> -> memref<1x640x128xf32, #tpu.memory_space<hbm>>
      %dma_start3A_38 = tpu.memref_squeeze %dma_start3A_37 : memref<1x640x128xf32, #tpu.memory_space<hbm>> -> memref<640x128xf32, #tpu.memory_space<hbm>>
      %dma_start3A_39 = arith.constant 0 : i32
      %dma_start3A_40 = tpu.memref_slice %arg9[%mul3A_33, %dma_start3A_39] : memref<10240x128xf32, #tpu.memory_space<vmem_shared>> -> memref<640x128xf32, #tpu.memory_space<vmem_shared>>
      tpu.enqueue_dma source(%dma_start3A_40 : memref<640x128xf32, #tpu.memory_space<vmem_shared>>) target(%dma_start3A_38 : memref<640x128xf32, #tpu.memory_space<hbm>>) target_semaphore(%run_scoped3A_36 : memref<!tpu.dma_semaphore, #tpu.memory_space<semaphore_mem>>)
      %dma_wait3A = arith.constant 0 : i32
      %dma_wait3A_41 = tpu.memref_slice %arg5[%arg0, %mul3A_35, %dma_wait3A] : memref<2x10240x128xf32, #tpu.memory_space<hbm>> -> memref<1x640x128xf32, #tpu.memory_space<hbm>>
      %dma_wait3A_42 = tpu.memref_squeeze %dma_wait3A_41 : memref<1x640x128xf32, #tpu.memory_space<hbm>> -> memref<640x128xf32, #tpu.memory_space<hbm>>
      %dma_wait3A_43 = arith.constant 0 : i32
      %dma_wait3A_44 = tpu.memref_slice %arg9[%mul3A_33, %dma_wait3A_43] : memref<10240x128xf32, #tpu.memory_space<vmem_shared>> -> memref<640x128xf32, #tpu.memory_space<vmem_shared>>
      tpu.wait_dma2 semaphore(%run_scoped3A_36 : memref<!tpu.dma_semaphore, #tpu.memory_space<semaphore_mem>>) src(%dma_wait3A_44 : memref<640x128xf32, #tpu.memory_space<vmem_shared>>) dst(%dma_wait3A_42 : memref<640x128xf32, #tpu.memory_space<hbm>>)
      tpu.yield
    }) : () -> ()
    return
  }
}

module attributes {stable_mosaic.version = 14 : i64} {
  func.func @_tc_in_body(%arg0: i32, %arg1: memref<2000x128xf32, #tpu.memory_space<vmem>>, %arg2: memref<128x128xf32, #tpu.memory_space<vmem>>, %arg3: memref<128x128xf32, #tpu.memory_space<vmem>>, %arg4: memref<1x128xf32, #tpu.memory_space<vmem>>, %arg5: memref<2000x128xf32, #tpu.memory_space<vmem>>, %arg6: memref<2000x128xf32, #tpu.memory_space<vmem>>) attributes {dimension_semantics = [#tpu.dimension_semantics<arbitrary>], iteration_bounds = array<i64: 5>, scalar_prefetch = 0 : i64, scratch_operands = 0 : i64, tpu.core_type = #tpu.core_type<tc>, window_params = [{transform_indices = @transform_0, window_bounds = array<i64: 2000, 128>}, {pipeline_mode = #tpu.pipeline_mode<synchronous>, transform_indices = @transform_1, window_bounds = array<i64: 128, 128>}, {pipeline_mode = #tpu.pipeline_mode<synchronous>, transform_indices = @transform_2, window_bounds = array<i64: 128, 128>}, {pipeline_mode = #tpu.pipeline_mode<synchronous>, transform_indices = @transform_3, window_bounds = array<i64: 1, 128>}, {transform_indices = @transform_4, window_bounds = array<i64: 2000, 128>}, {transform_indices = @transform_5, window_bounds = array<i64: 2000, 128>}]} {
    %get3A = arith.constant 0 : index
    %get3A_0 = arith.constant 0 : index
    %get3A_1 = vector.load %arg1[%get3A, %get3A_0] : memref<2000x128xf32, #tpu.memory_space<vmem>>, vector<2000x128xf32>
    %get3A_2 = arith.constant 0 : index
    %get3A_3 = arith.constant 0 : index
    %get3A_4 = vector.load %arg2[%get3A_2, %get3A_3] : memref<128x128xf32, #tpu.memory_space<vmem>>, vector<128x128xf32>
    %dot_general3A = arith.constant dense<0.000000e+00> : vector<2000x128xf32>
    %dot_general3A_5 = tpu.matmul %get3A_1, %get3A_4, %dot_general3A {dimension_numbers = #tpu.dot_dimension_numbers<[1], [0], [0], [1], [0, 0, 1, 1], [], []>, transpose_lhs_hint = false} : vector<2000x128xf32>, vector<128x128xf32>, vector<2000x128xf32> -> vector<2000x128xf32>
    %swap3A = arith.constant 0 : index
    %swap3A_6 = arith.constant 0 : index
    %swap3A_7 = vector.load %arg5[%swap3A, %swap3A_6] : memref<2000x128xf32, #tpu.memory_space<vmem>>, vector<2000x128xf32>
    tpu.vector_store %arg5[%swap3A, %swap3A_6], %dot_general3A_5 {strides = array<i32>} : memref<2000x128xf32, #tpu.memory_space<vmem>>, vector<2000x128xf32>,
    %get3A_8 = arith.constant 0 : index
    %get3A_9 = arith.constant 0 : index
    %get3A_10 = vector.load %arg3[%get3A_8, %get3A_9] : memref<128x128xf32, #tpu.memory_space<vmem>>, vector<128x128xf32>
    %dot_general3A_11 = arith.constant dense<0.000000e+00> : vector<2000x128xf32>
    %dot_general3A_12 = tpu.matmul %get3A_1, %get3A_10, %dot_general3A_11 {dimension_numbers = #tpu.dot_dimension_numbers<[1], [0], [0], [1], [0, 0, 1, 1], [], []>, transpose_lhs_hint = false} : vector<2000x128xf32>, vector<128x128xf32>, vector<2000x128xf32> -> vector<2000x128xf32>
    %get3A_13 = arith.constant 0 : index
    %get3A_14 = arith.constant 0 : index
    %get3A_15 = vector.load %arg4[%get3A_13, %get3A_14] : memref<1x128xf32, #tpu.memory_space<vmem>>, vector<1x128xf32>
    %add3A = vector.broadcast %get3A_15 : vector<1x128xf32> to vector<2000x128xf32>
    %add3A_16 = arith.addf %dot_general3A_12, %add3A : vector<2000x128xf32>
    %swap3A_17 = arith.constant 0 : index
    %swap3A_18 = arith.constant 0 : index
    %swap3A_19 = vector.load %arg6[%swap3A_17, %swap3A_18] : memref<2000x128xf32, #tpu.memory_space<vmem>>, vector<2000x128xf32>
    tpu.vector_store %arg6[%swap3A_17, %swap3A_18], %add3A_16 {strides = array<i32>} : memref<2000x128xf32, #tpu.memory_space<vmem>>, vector<2000x128xf32>,
    return
  }
  func.func @transform_0(%arg0: i32) -> (i32, i32) {
    %c0_i32 = arith.constant 0 : i32
    %c0_i32_0 = arith.constant 0 : i32
    return %arg0, %c0_i32 : i32, i32
  }
  func.func @transform_1(%arg0: i32) -> (i32, i32) {
    %c0_i32 = arith.constant 0 : i32
    %c0_i32_0 = arith.constant 0 : i32
    %c0_i32_1 = arith.constant 0 : i32
    return %c0_i32, %c0_i32_0 : i32, i32
  }
  func.func @transform_2(%arg0: i32) -> (i32, i32) {
    %c0_i32 = arith.constant 0 : i32
    %c0_i32_0 = arith.constant 0 : i32
    %c0_i32_1 = arith.constant 0 : i32
    return %c0_i32, %c0_i32_0 : i32, i32
  }
  func.func @transform_3(%arg0: i32) -> (i32, i32) {
    %c0_i32 = arith.constant 0 : i32
    %c0_i32_0 = arith.constant 0 : i32
    %c0_i32_1 = arith.constant 0 : i32
    return %c0_i32, %c0_i32_0 : i32, i32
  }
  func.func @transform_4(%arg0: i32) -> (i32, i32) {
    %c0_i32 = arith.constant 0 : i32
    %c0_i32_0 = arith.constant 0 : i32
    return %arg0, %c0_i32 : i32, i32
  }
  func.func @transform_5(%arg0: i32) -> (i32, i32) {
    %c0_i32 = arith.constant 0 : i32
    %c0_i32_0 = arith.constant 0 : i32
    return %arg0, %c0_i32 : i32, i32
  }
}

module attributes {stable_mosaic.version = 14 : i64} {
  func.func @_tc_mid_body(%arg0: i32, %arg1: memref<2x2000x128xf32, #tpu.memory_space<vmem>>, %arg2: memref<2000x128xf32, #tpu.memory_space<vmem>>, %arg3: memref<1x128xf32, #tpu.memory_space<vmem>>, %arg4: memref<1x128xf32, #tpu.memory_space<vmem>>, %arg5: memref<128x128xf32, #tpu.memory_space<vmem>>, %arg6: memref<128x128xf32, #tpu.memory_space<vmem>>, %arg7: memref<1x128xf32, #tpu.memory_space<vmem>>, %arg8: memref<2000x128xf32, #tpu.memory_space<vmem>>, %arg9: memref<2000x128xf32, #tpu.memory_space<vmem>>, %arg10: memref<2000x128xf32, #tpu.memory_space<vmem>>) attributes {dimension_semantics = [#tpu.dimension_semantics<arbitrary>], iteration_bounds = array<i64: 5>, scalar_prefetch = 0 : i64, scratch_operands = 0 : i64, tpu.core_type = #tpu.core_type<tc>, window_params = [{transform_indices = @transform_0, window_bounds = array<i64: 2, 2000, 128>}, {transform_indices = @transform_1, window_bounds = array<i64: 2000, 128>}, {pipeline_mode = #tpu.pipeline_mode<synchronous>, transform_indices = @transform_2, window_bounds = array<i64: 1, 128>}, {pipeline_mode = #tpu.pipeline_mode<synchronous>, transform_indices = @transform_3, window_bounds = array<i64: 1, 128>}, {pipeline_mode = #tpu.pipeline_mode<synchronous>, transform_indices = @transform_4, window_bounds = array<i64: 128, 128>}, {pipeline_mode = #tpu.pipeline_mode<synchronous>, transform_indices = @transform_5, window_bounds = array<i64: 128, 128>}, {pipeline_mode = #tpu.pipeline_mode<synchronous>, transform_indices = @transform_6, window_bounds = array<i64: 1, 128>}, {transform_indices = @transform_7, window_bounds = array<i64: 2000, 128>}, {transform_indices = @transform_8, window_bounds = array<i64: 2000, 128>}, {transform_indices = @transform_9, window_bounds = array<i64: 2000, 128>}]} {
    %get3A = arith.constant 0 : index
    %get3A_0 = arith.constant 0 : index
    %get3A_1 = arith.constant 0 : index
    %get3A_2 = vector.load %arg1[%get3A, %get3A_0, %get3A_1] : memref<2x2000x128xf32, #tpu.memory_space<vmem>>, vector<1x2000x128xf32>
    %get3A_3 = vector.shape_cast %get3A_2 : vector<1x2000x128xf32> to vector<2000x128xf32>
    %get3A_4 = arith.constant 1 : index
    %get3A_5 = arith.constant 0 : index
    %get3A_6 = arith.constant 0 : index
    %get3A_7 = vector.load %arg1[%get3A_4, %get3A_5, %get3A_6] : memref<2x2000x128xf32, #tpu.memory_space<vmem>>, vector<1x2000x128xf32>
    %get3A_8 = vector.shape_cast %get3A_7 : vector<1x2000x128xf32> to vector<2000x128xf32>
    %add3A = arith.addf %get3A_3, %get3A_8 : vector<2000x128xf32>
    %get3A_9 = arith.constant 0 : index
    %get3A_10 = arith.constant 0 : index
    %get3A_11 = vector.load %arg2[%get3A_9, %get3A_10] : memref<2000x128xf32, #tpu.memory_space<vmem>>, vector<2000x128xf32>
    %add3A_12 = arith.addf %add3A, %get3A_11 : vector<2000x128xf32>
    %get3A_13 = arith.constant 0 : index
    %get3A_14 = arith.constant 0 : index
    %get3A_15 = vector.load %arg3[%get3A_13, %get3A_14] : memref<1x128xf32, #tpu.memory_space<vmem>>, vector<1x128xf32>
    %mul3A = arith.constant 0.999994993 : f32
    %mul3A_16 = vector.broadcast %mul3A : f32 to vector<1x128xf32>
    %mul3A_17 = arith.mulf %get3A_15, %mul3A_16 : vector<1x128xf32>
    %mul3A_18 = vector.broadcast %mul3A_17 : vector<1x128xf32> to vector<2000x128xf32>
    %mul3A_19 = arith.mulf %add3A_12, %mul3A_18 : vector<2000x128xf32>
    %get3A_20 = arith.constant 0 : index
    %get3A_21 = arith.constant 0 : index
    %get3A_22 = vector.load %arg4[%get3A_20, %get3A_21] : memref<1x128xf32, #tpu.memory_space<vmem>>, vector<1x128xf32>
    %add3A_23 = vector.broadcast %get3A_22 : vector<1x128xf32> to vector<2000x128xf32>
    %add3A_24 = arith.addf %mul3A_19, %add3A_23 : vector<2000x128xf32>
    %swap3A = arith.constant 0 : index
    %swap3A_25 = arith.constant 0 : index
    %swap3A_26 = vector.load %arg8[%swap3A, %swap3A_25] : memref<2000x128xf32, #tpu.memory_space<vmem>>, vector<2000x128xf32>
    tpu.vector_store %arg8[%swap3A, %swap3A_25], %add3A_24 {strides = array<i32>} : memref<2000x128xf32, #tpu.memory_space<vmem>>, vector<2000x128xf32>,
    %get3A_27 = arith.constant 0 : index
    %get3A_28 = arith.constant 0 : index
    %get3A_29 = vector.load %arg5[%get3A_27, %get3A_28] : memref<128x128xf32, #tpu.memory_space<vmem>>, vector<128x128xf32>
    %dot_general3A = arith.constant dense<0.000000e+00> : vector<2000x128xf32>
    %dot_general3A_30 = tpu.matmul %add3A_24, %get3A_29, %dot_general3A {dimension_numbers = #tpu.dot_dimension_numbers<[1], [0], [0], [1], [0, 0, 1, 1], [], []>, transpose_lhs_hint = false} : vector<2000x128xf32>, vector<128x128xf32>, vector<2000x128xf32> -> vector<2000x128xf32>
    %swap3A_31 = arith.constant 0 : index
    %swap3A_32 = arith.constant 0 : index
    %swap3A_33 = vector.load %arg9[%swap3A_31, %swap3A_32] : memref<2000x128xf32, #tpu.memory_space<vmem>>, vector<2000x128xf32>
    tpu.vector_store %arg9[%swap3A_31, %swap3A_32], %dot_general3A_30 {strides = array<i32>} : memref<2000x128xf32, #tpu.memory_space<vmem>>, vector<2000x128xf32>,
    %get3A_34 = arith.constant 0 : index
    %get3A_35 = arith.constant 0 : index
    %get3A_36 = vector.load %arg6[%get3A_34, %get3A_35] : memref<128x128xf32, #tpu.memory_space<vmem>>, vector<128x128xf32>
    %dot_general3A_37 = arith.constant dense<0.000000e+00> : vector<2000x128xf32>
    %dot_general3A_38 = tpu.matmul %add3A_24, %get3A_36, %dot_general3A_37 {dimension_numbers = #tpu.dot_dimension_numbers<[1], [0], [0], [1], [0, 0, 1, 1], [], []>, transpose_lhs_hint = false} : vector<2000x128xf32>, vector<128x128xf32>, vector<2000x128xf32> -> vector<2000x128xf32>
    %get3A_39 = arith.constant 0 : index
    %get3A_40 = arith.constant 0 : index
    %get3A_41 = vector.load %arg7[%get3A_39, %get3A_40] : memref<1x128xf32, #tpu.memory_space<vmem>>, vector<1x128xf32>
    %add3A_42 = vector.broadcast %get3A_41 : vector<1x128xf32> to vector<2000x128xf32>
    %add3A_43 = arith.addf %dot_general3A_38, %add3A_42 : vector<2000x128xf32>
    %swap3A_44 = arith.constant 0 : index
    %swap3A_45 = arith.constant 0 : index
    %swap3A_46 = vector.load %arg10[%swap3A_44, %swap3A_45] : memref<2000x128xf32, #tpu.memory_space<vmem>>, vector<2000x128xf32>
    tpu.vector_store %arg10[%swap3A_44, %swap3A_45], %add3A_43 {strides = array<i32>} : memref<2000x128xf32, #tpu.memory_space<vmem>>, vector<2000x128xf32>,
    return
  }
  func.func @transform_0(%arg0: i32) -> (i32, i32, i32) {
    %c0_i32 = arith.constant 0 : i32
    %c0_i32_0 = arith.constant 0 : i32
    %c0_i32_1 = arith.constant 0 : i32
    return %c0_i32, %arg0, %c0_i32_0 : i32, i32, i32
  }
  func.func @transform_1(%arg0: i32) -> (i32, i32) {
    %c0_i32 = arith.constant 0 : i32
    %c0_i32_0 = arith.constant 0 : i32
    return %arg0, %c0_i32 : i32, i32
  }
  func.func @transform_2(%arg0: i32) -> (i32, i32) {
    %c0_i32 = arith.constant 0 : i32
    %c0_i32_0 = arith.constant 0 : i32
    %c0_i32_1 = arith.constant 0 : i32
    return %c0_i32, %c0_i32_0 : i32, i32
  }
  func.func @transform_3(%arg0: i32) -> (i32, i32) {
    %c0_i32 = arith.constant 0 : i32
    %c0_i32_0 = arith.constant 0 : i32
    %c0_i32_1 = arith.constant 0 : i32
    return %c0_i32, %c0_i32_0 : i32, i32
  }
  func.func @transform_4(%arg0: i32) -> (i32, i32) {
    %c0_i32 = arith.constant 0 : i32
    %c0_i32_0 = arith.constant 0 : i32
    %c0_i32_1 = arith.constant 0 : i32
    return %c0_i32, %c0_i32_0 : i32, i32
  }
  func.func @transform_5(%arg0: i32) -> (i32, i32) {
    %c0_i32 = arith.constant 0 : i32
    %c0_i32_0 = arith.constant 0 : i32
    %c0_i32_1 = arith.constant 0 : i32
    return %c0_i32, %c0_i32_0 : i32, i32
  }
  func.func @transform_6(%arg0: i32) -> (i32, i32) {
    %c0_i32 = arith.constant 0 : i32
    %c0_i32_0 = arith.constant 0 : i32
    %c0_i32_1 = arith.constant 0 : i32
    return %c0_i32, %c0_i32_0 : i32, i32
  }
  func.func @transform_7(%arg0: i32) -> (i32, i32) {
    %c0_i32 = arith.constant 0 : i32
    %c0_i32_0 = arith.constant 0 : i32
    return %arg0, %c0_i32 : i32, i32
  }
  func.func @transform_8(%arg0: i32) -> (i32, i32) {
    %c0_i32 = arith.constant 0 : i32
    %c0_i32_0 = arith.constant 0 : i32
    return %arg0, %c0_i32 : i32, i32
  }
  func.func @transform_9(%arg0: i32) -> (i32, i32) {
    %c0_i32 = arith.constant 0 : i32
    %c0_i32_0 = arith.constant 0 : i32
    return %arg0, %c0_i32 : i32, i32
  }
}

module attributes {stable_mosaic.version = 14 : i64} {
  func.func @_tc_mid_body(%arg0: i32, %arg1: memref<2x2000x128xf32, #tpu.memory_space<vmem>>, %arg2: memref<2000x128xf32, #tpu.memory_space<vmem>>, %arg3: memref<1x128xf32, #tpu.memory_space<vmem>>, %arg4: memref<1x128xf32, #tpu.memory_space<vmem>>, %arg5: memref<128x128xf32, #tpu.memory_space<vmem>>, %arg6: memref<128x128xf32, #tpu.memory_space<vmem>>, %arg7: memref<1x128xf32, #tpu.memory_space<vmem>>, %arg8: memref<2000x128xf32, #tpu.memory_space<vmem>>, %arg9: memref<2000x128xf32, #tpu.memory_space<vmem>>, %arg10: memref<2000x128xf32, #tpu.memory_space<vmem>>) attributes {dimension_semantics = [#tpu.dimension_semantics<arbitrary>], iteration_bounds = array<i64: 5>, scalar_prefetch = 0 : i64, scratch_operands = 0 : i64, tpu.core_type = #tpu.core_type<tc>, window_params = [{transform_indices = @transform_0, window_bounds = array<i64: 2, 2000, 128>}, {transform_indices = @transform_1, window_bounds = array<i64: 2000, 128>}, {pipeline_mode = #tpu.pipeline_mode<synchronous>, transform_indices = @transform_2, window_bounds = array<i64: 1, 128>}, {pipeline_mode = #tpu.pipeline_mode<synchronous>, transform_indices = @transform_3, window_bounds = array<i64: 1, 128>}, {pipeline_mode = #tpu.pipeline_mode<synchronous>, transform_indices = @transform_4, window_bounds = array<i64: 128, 128>}, {pipeline_mode = #tpu.pipeline_mode<synchronous>, transform_indices = @transform_5, window_bounds = array<i64: 128, 128>}, {pipeline_mode = #tpu.pipeline_mode<synchronous>, transform_indices = @transform_6, window_bounds = array<i64: 1, 128>}, {transform_indices = @transform_7, window_bounds = array<i64: 2000, 128>}, {transform_indices = @transform_8, window_bounds = array<i64: 2000, 128>}, {transform_indices = @transform_9, window_bounds = array<i64: 2000, 128>}]} {
    %get3A = arith.constant 0 : index
    %get3A_0 = arith.constant 0 : index
    %get3A_1 = arith.constant 0 : index
    %get3A_2 = vector.load %arg1[%get3A, %get3A_0, %get3A_1] : memref<2x2000x128xf32, #tpu.memory_space<vmem>>, vector<1x2000x128xf32>
    %get3A_3 = vector.shape_cast %get3A_2 : vector<1x2000x128xf32> to vector<2000x128xf32>
    %get3A_4 = arith.constant 1 : index
    %get3A_5 = arith.constant 0 : index
    %get3A_6 = arith.constant 0 : index
    %get3A_7 = vector.load %arg1[%get3A_4, %get3A_5, %get3A_6] : memref<2x2000x128xf32, #tpu.memory_space<vmem>>, vector<1x2000x128xf32>
    %get3A_8 = vector.shape_cast %get3A_7 : vector<1x2000x128xf32> to vector<2000x128xf32>
    %add3A = arith.addf %get3A_3, %get3A_8 : vector<2000x128xf32>
    %get3A_9 = arith.constant 0 : index
    %get3A_10 = arith.constant 0 : index
    %get3A_11 = vector.load %arg2[%get3A_9, %get3A_10] : memref<2000x128xf32, #tpu.memory_space<vmem>>, vector<2000x128xf32>
    %add3A_12 = arith.addf %add3A, %get3A_11 : vector<2000x128xf32>
    %get3A_13 = arith.constant 0 : index
    %get3A_14 = arith.constant 0 : index
    %get3A_15 = vector.load %arg3[%get3A_13, %get3A_14] : memref<1x128xf32, #tpu.memory_space<vmem>>, vector<1x128xf32>
    %mul3A = arith.constant 0.999994993 : f32
    %mul3A_16 = vector.broadcast %mul3A : f32 to vector<1x128xf32>
    %mul3A_17 = arith.mulf %get3A_15, %mul3A_16 : vector<1x128xf32>
    %mul3A_18 = vector.broadcast %mul3A_17 : vector<1x128xf32> to vector<2000x128xf32>
    %mul3A_19 = arith.mulf %add3A_12, %mul3A_18 : vector<2000x128xf32>
    %get3A_20 = arith.constant 0 : index
    %get3A_21 = arith.constant 0 : index
    %get3A_22 = vector.load %arg4[%get3A_20, %get3A_21] : memref<1x128xf32, #tpu.memory_space<vmem>>, vector<1x128xf32>
    %add3A_23 = vector.broadcast %get3A_22 : vector<1x128xf32> to vector<2000x128xf32>
    %add3A_24 = arith.addf %mul3A_19, %add3A_23 : vector<2000x128xf32>
    %swap3A = arith.constant 0 : index
    %swap3A_25 = arith.constant 0 : index
    %swap3A_26 = vector.load %arg8[%swap3A, %swap3A_25] : memref<2000x128xf32, #tpu.memory_space<vmem>>, vector<2000x128xf32>
    tpu.vector_store %arg8[%swap3A, %swap3A_25], %add3A_24 {strides = array<i32>} : memref<2000x128xf32, #tpu.memory_space<vmem>>, vector<2000x128xf32>,
    %get3A_27 = arith.constant 0 : index
    %get3A_28 = arith.constant 0 : index
    %get3A_29 = vector.load %arg5[%get3A_27, %get3A_28] : memref<128x128xf32, #tpu.memory_space<vmem>>, vector<128x128xf32>
    %dot_general3A = arith.constant dense<0.000000e+00> : vector<2000x128xf32>
    %dot_general3A_30 = tpu.matmul %add3A_24, %get3A_29, %dot_general3A {dimension_numbers = #tpu.dot_dimension_numbers<[1], [0], [0], [1], [0, 0, 1, 1], [], []>, transpose_lhs_hint = false} : vector<2000x128xf32>, vector<128x128xf32>, vector<2000x128xf32> -> vector<2000x128xf32>
    %swap3A_31 = arith.constant 0 : index
    %swap3A_32 = arith.constant 0 : index
    %swap3A_33 = vector.load %arg9[%swap3A_31, %swap3A_32] : memref<2000x128xf32, #tpu.memory_space<vmem>>, vector<2000x128xf32>
    tpu.vector_store %arg9[%swap3A_31, %swap3A_32], %dot_general3A_30 {strides = array<i32>} : memref<2000x128xf32, #tpu.memory_space<vmem>>, vector<2000x128xf32>,
    %get3A_34 = arith.constant 0 : index
    %get3A_35 = arith.constant 0 : index
    %get3A_36 = vector.load %arg6[%get3A_34, %get3A_35] : memref<128x128xf32, #tpu.memory_space<vmem>>, vector<128x128xf32>
    %dot_general3A_37 = arith.constant dense<0.000000e+00> : vector<2000x128xf32>
    %dot_general3A_38 = tpu.matmul %add3A_24, %get3A_36, %dot_general3A_37 {dimension_numbers = #tpu.dot_dimension_numbers<[1], [0], [0], [1], [0, 0, 1, 1], [], []>, transpose_lhs_hint = false} : vector<2000x128xf32>, vector<128x128xf32>, vector<2000x128xf32> -> vector<2000x128xf32>
    %get3A_39 = arith.constant 0 : index
    %get3A_40 = arith.constant 0 : index
    %get3A_41 = vector.load %arg7[%get3A_39, %get3A_40] : memref<1x128xf32, #tpu.memory_space<vmem>>, vector<1x128xf32>
    %add3A_42 = vector.broadcast %get3A_41 : vector<1x128xf32> to vector<2000x128xf32>
    %add3A_43 = arith.addf %dot_general3A_38, %add3A_42 : vector<2000x128xf32>
    %swap3A_44 = arith.constant 0 : index
    %swap3A_45 = arith.constant 0 : index
    %swap3A_46 = vector.load %arg10[%swap3A_44, %swap3A_45] : memref<2000x128xf32, #tpu.memory_space<vmem>>, vector<2000x128xf32>
    tpu.vector_store %arg10[%swap3A_44, %swap3A_45], %add3A_43 {strides = array<i32>} : memref<2000x128xf32, #tpu.memory_space<vmem>>, vector<2000x128xf32>,
    return
  }
  func.func @transform_0(%arg0: i32) -> (i32, i32, i32) {
    %c0_i32 = arith.constant 0 : i32
    %c0_i32_0 = arith.constant 0 : i32
    %c0_i32_1 = arith.constant 0 : i32
    return %c0_i32, %arg0, %c0_i32_0 : i32, i32, i32
  }
  func.func @transform_1(%arg0: i32) -> (i32, i32) {
    %c0_i32 = arith.constant 0 : i32
    %c0_i32_0 = arith.constant 0 : i32
    return %arg0, %c0_i32 : i32, i32
  }
  func.func @transform_2(%arg0: i32) -> (i32, i32) {
    %c0_i32 = arith.constant 0 : i32
    %c0_i32_0 = arith.constant 0 : i32
    %c0_i32_1 = arith.constant 0 : i32
    return %c0_i32, %c0_i32_0 : i32, i32
  }
  func.func @transform_3(%arg0: i32) -> (i32, i32) {
    %c0_i32 = arith.constant 0 : i32
    %c0_i32_0 = arith.constant 0 : i32
    %c0_i32_1 = arith.constant 0 : i32
    return %c0_i32, %c0_i32_0 : i32, i32
  }
  func.func @transform_4(%arg0: i32) -> (i32, i32) {
    %c0_i32 = arith.constant 0 : i32
    %c0_i32_0 = arith.constant 0 : i32
    %c0_i32_1 = arith.constant 0 : i32
    return %c0_i32, %c0_i32_0 : i32, i32
  }
  func.func @transform_5(%arg0: i32) -> (i32, i32) {
    %c0_i32 = arith.constant 0 : i32
    %c0_i32_0 = arith.constant 0 : i32
    %c0_i32_1 = arith.constant 0 : i32
    return %c0_i32, %c0_i32_0 : i32, i32
  }
  func.func @transform_6(%arg0: i32) -> (i32, i32) {
    %c0_i32 = arith.constant 0 : i32
    %c0_i32_0 = arith.constant 0 : i32
    %c0_i32_1 = arith.constant 0 : i32
    return %c0_i32, %c0_i32_0 : i32, i32
  }
  func.func @transform_7(%arg0: i32) -> (i32, i32) {
    %c0_i32 = arith.constant 0 : i32
    %c0_i32_0 = arith.constant 0 : i32
    return %arg0, %c0_i32 : i32, i32
  }
  func.func @transform_8(%arg0: i32) -> (i32, i32) {
    %c0_i32 = arith.constant 0 : i32
    %c0_i32_0 = arith.constant 0 : i32
    return %arg0, %c0_i32 : i32, i32
  }
  func.func @transform_9(%arg0: i32) -> (i32, i32) {
    %c0_i32 = arith.constant 0 : i32
    %c0_i32_0 = arith.constant 0 : i32
    return %arg0, %c0_i32 : i32, i32
  }
}

module attributes {stable_mosaic.version = 14 : i64} {
  func.func @_tc_res_body(%arg0: i32, %arg1: memref<2x2000x128xf32, #tpu.memory_space<vmem>>, %arg2: memref<2000x128xf32, #tpu.memory_space<vmem>>, %arg3: memref<1x128xf32, #tpu.memory_space<vmem>>, %arg4: memref<1x128xf32, #tpu.memory_space<vmem>>, %arg5: memref<2000x128xf32, #tpu.memory_space<vmem>>, %arg6: memref<128x128xf32, #tpu.memory_space<vmem>>, %arg7: memref<128x128xf32, #tpu.memory_space<vmem>>, %arg8: memref<1x128xf32, #tpu.memory_space<vmem>>, %arg9: memref<2000x128xf32, #tpu.memory_space<vmem>>, %arg10: memref<2000x128xf32, #tpu.memory_space<vmem>>) attributes {dimension_semantics = [#tpu.dimension_semantics<arbitrary>], iteration_bounds = array<i64: 5>, scalar_prefetch = 0 : i64, scratch_operands = 0 : i64, tpu.core_type = #tpu.core_type<tc>, window_params = [{transform_indices = @transform_0, window_bounds = array<i64: 2, 2000, 128>}, {transform_indices = @transform_1, window_bounds = array<i64: 2000, 128>}, {pipeline_mode = #tpu.pipeline_mode<synchronous>, transform_indices = @transform_2, window_bounds = array<i64: 1, 128>}, {pipeline_mode = #tpu.pipeline_mode<synchronous>, transform_indices = @transform_3, window_bounds = array<i64: 1, 128>}, {transform_indices = @transform_4, window_bounds = array<i64: 2000, 128>}, {pipeline_mode = #tpu.pipeline_mode<synchronous>, transform_indices = @transform_5, window_bounds = array<i64: 128, 128>}, {pipeline_mode = #tpu.pipeline_mode<synchronous>, transform_indices = @transform_6, window_bounds = array<i64: 128, 128>}, {pipeline_mode = #tpu.pipeline_mode<synchronous>, transform_indices = @transform_7, window_bounds = array<i64: 1, 128>}, {transform_indices = @transform_8, window_bounds = array<i64: 2000, 128>}, {transform_indices = @transform_9, window_bounds = array<i64: 2000, 128>}]} {
    %get3A = arith.constant 0 : index
    %get3A_0 = arith.constant 0 : index
    %get3A_1 = arith.constant 0 : index
    %get3A_2 = vector.load %arg1[%get3A, %get3A_0, %get3A_1] : memref<2x2000x128xf32, #tpu.memory_space<vmem>>, vector<1x2000x128xf32>
    %get3A_3 = vector.shape_cast %get3A_2 : vector<1x2000x128xf32> to vector<2000x128xf32>
    %get3A_4 = arith.constant 1 : index
    %get3A_5 = arith.constant 0 : index
    %get3A_6 = arith.constant 0 : index
    %get3A_7 = vector.load %arg1[%get3A_4, %get3A_5, %get3A_6] : memref<2x2000x128xf32, #tpu.memory_space<vmem>>, vector<1x2000x128xf32>
    %get3A_8 = vector.shape_cast %get3A_7 : vector<1x2000x128xf32> to vector<2000x128xf32>
    %add3A = arith.addf %get3A_3, %get3A_8 : vector<2000x128xf32>
    %get3A_9 = arith.constant 0 : index
    %get3A_10 = arith.constant 0 : index
    %get3A_11 = vector.load %arg2[%get3A_9, %get3A_10] : memref<2000x128xf32, #tpu.memory_space<vmem>>, vector<2000x128xf32>
    %add3A_12 = arith.addf %add3A, %get3A_11 : vector<2000x128xf32>
    %get3A_13 = arith.constant 0 : index
    %get3A_14 = arith.constant 0 : index
    %get3A_15 = vector.load %arg3[%get3A_13, %get3A_14] : memref<1x128xf32, #tpu.memory_space<vmem>>, vector<1x128xf32>
    %mul3A = arith.constant 0.999994993 : f32
    %mul3A_16 = vector.broadcast %mul3A : f32 to vector<1x128xf32>
    %mul3A_17 = arith.mulf %get3A_15, %mul3A_16 : vector<1x128xf32>
    %mul3A_18 = vector.broadcast %mul3A_17 : vector<1x128xf32> to vector<2000x128xf32>
    %mul3A_19 = arith.mulf %add3A_12, %mul3A_18 : vector<2000x128xf32>
    %get3A_20 = arith.constant 0 : index
    %get3A_21 = arith.constant 0 : index
    %get3A_22 = vector.load %arg4[%get3A_20, %get3A_21] : memref<1x128xf32, #tpu.memory_space<vmem>>, vector<1x128xf32>
    %add3A_23 = vector.broadcast %get3A_22 : vector<1x128xf32> to vector<2000x128xf32>
    %add3A_24 = arith.addf %mul3A_19, %add3A_23 : vector<2000x128xf32>
    %get3A_25 = arith.constant 0 : index
    %get3A_26 = arith.constant 0 : index
    %get3A_27 = vector.load %arg5[%get3A_25, %get3A_26] : memref<2000x128xf32, #tpu.memory_space<vmem>>, vector<2000x128xf32>
    %add3A_28 = arith.addf %add3A_24, %get3A_27 : vector<2000x128xf32>
    %get3A_29 = arith.constant 0 : index
    %get3A_30 = arith.constant 0 : index
    %get3A_31 = vector.load %arg6[%get3A_29, %get3A_30] : memref<128x128xf32, #tpu.memory_space<vmem>>, vector<128x128xf32>
    %dot_general3A = arith.constant dense<0.000000e+00> : vector<2000x128xf32>
    %dot_general3A_32 = tpu.matmul %add3A_28, %get3A_31, %dot_general3A {dimension_numbers = #tpu.dot_dimension_numbers<[1], [0], [0], [1], [0, 0, 1, 1], [], []>, transpose_lhs_hint = false} : vector<2000x128xf32>, vector<128x128xf32>, vector<2000x128xf32> -> vector<2000x128xf32>
    %swap3A = arith.constant 0 : index
    %swap3A_33 = arith.constant 0 : index
    %swap3A_34 = vector.load %arg9[%swap3A, %swap3A_33] : memref<2000x128xf32, #tpu.memory_space<vmem>>, vector<2000x128xf32>
    tpu.vector_store %arg9[%swap3A, %swap3A_33], %dot_general3A_32 {strides = array<i32>} : memref<2000x128xf32, #tpu.memory_space<vmem>>, vector<2000x128xf32>,
    %get3A_35 = arith.constant 0 : index
    %get3A_36 = arith.constant 0 : index
    %get3A_37 = vector.load %arg7[%get3A_35, %get3A_36] : memref<128x128xf32, #tpu.memory_space<vmem>>, vector<128x128xf32>
    %dot_general3A_38 = arith.constant dense<0.000000e+00> : vector<2000x128xf32>
    %dot_general3A_39 = tpu.matmul %add3A_28, %get3A_37, %dot_general3A_38 {dimension_numbers = #tpu.dot_dimension_numbers<[1], [0], [0], [1], [0, 0, 1, 1], [], []>, transpose_lhs_hint = false} : vector<2000x128xf32>, vector<128x128xf32>, vector<2000x128xf32> -> vector<2000x128xf32>
    %get3A_40 = arith.constant 0 : index
    %get3A_41 = arith.constant 0 : index
    %get3A_42 = vector.load %arg8[%get3A_40, %get3A_41] : memref<1x128xf32, #tpu.memory_space<vmem>>, vector<1x128xf32>
    %add3A_43 = vector.broadcast %get3A_42 : vector<1x128xf32> to vector<2000x128xf32>
    %add3A_44 = arith.addf %dot_general3A_39, %add3A_43 : vector<2000x128xf32>
    %swap3A_45 = arith.constant 0 : index
    %swap3A_46 = arith.constant 0 : index
    %swap3A_47 = vector.load %arg10[%swap3A_45, %swap3A_46] : memref<2000x128xf32, #tpu.memory_space<vmem>>, vector<2000x128xf32>
    tpu.vector_store %arg10[%swap3A_45, %swap3A_46], %add3A_44 {strides = array<i32>} : memref<2000x128xf32, #tpu.memory_space<vmem>>, vector<2000x128xf32>,
    return
  }
  func.func @transform_0(%arg0: i32) -> (i32, i32, i32) {
    %c0_i32 = arith.constant 0 : i32
    %c0_i32_0 = arith.constant 0 : i32
    %c0_i32_1 = arith.constant 0 : i32
    return %c0_i32, %arg0, %c0_i32_0 : i32, i32, i32
  }
  func.func @transform_1(%arg0: i32) -> (i32, i32) {
    %c0_i32 = arith.constant 0 : i32
    %c0_i32_0 = arith.constant 0 : i32
    return %arg0, %c0_i32 : i32, i32
  }
  func.func @transform_2(%arg0: i32) -> (i32, i32) {
    %c0_i32 = arith.constant 0 : i32
    %c0_i32_0 = arith.constant 0 : i32
    %c0_i32_1 = arith.constant 0 : i32
    return %c0_i32, %c0_i32_0 : i32, i32
  }
  func.func @transform_3(%arg0: i32) -> (i32, i32) {
    %c0_i32 = arith.constant 0 : i32
    %c0_i32_0 = arith.constant 0 : i32
    %c0_i32_1 = arith.constant 0 : i32
    return %c0_i32, %c0_i32_0 : i32, i32
  }
  func.func @transform_4(%arg0: i32) -> (i32, i32) {
    %c0_i32 = arith.constant 0 : i32
    %c0_i32_0 = arith.constant 0 : i32
    return %arg0, %c0_i32 : i32, i32
  }
  func.func @transform_5(%arg0: i32) -> (i32, i32) {
    %c0_i32 = arith.constant 0 : i32
    %c0_i32_0 = arith.constant 0 : i32
    %c0_i32_1 = arith.constant 0 : i32
    return %c0_i32, %c0_i32_0 : i32, i32
  }
  func.func @transform_6(%arg0: i32) -> (i32, i32) {
    %c0_i32 = arith.constant 0 : i32
    %c0_i32_0 = arith.constant 0 : i32
    %c0_i32_1 = arith.constant 0 : i32
    return %c0_i32, %c0_i32_0 : i32, i32
  }
  func.func @transform_7(%arg0: i32) -> (i32, i32) {
    %c0_i32 = arith.constant 0 : i32
    %c0_i32_0 = arith.constant 0 : i32
    %c0_i32_1 = arith.constant 0 : i32
    return %c0_i32, %c0_i32_0 : i32, i32
  }
  func.func @transform_8(%arg0: i32) -> (i32, i32) {
    %c0_i32 = arith.constant 0 : i32
    %c0_i32_0 = arith.constant 0 : i32
    return %arg0, %c0_i32 : i32, i32
  }
  func.func @transform_9(%arg0: i32) -> (i32, i32) {
    %c0_i32 = arith.constant 0 : i32
    %c0_i32_0 = arith.constant 0 : i32
    return %arg0, %c0_i32 : i32, i32
  }
}

module attributes {stable_mosaic.version = 14 : i64} {
  func.func @_tc_out_body(%arg0: i32, %arg1: memref<2x2000x128xf32, #tpu.memory_space<vmem>>, %arg2: memref<2000x128xf32, #tpu.memory_space<vmem>>, %arg3: memref<1x128xf32, #tpu.memory_space<vmem>>, %arg4: memref<1x128xf32, #tpu.memory_space<vmem>>, %arg5: memref<2000x40xf32, #tpu.memory_space<vmem>>) attributes {dimension_semantics = [#tpu.dimension_semantics<arbitrary>], iteration_bounds = array<i64: 5>, scalar_prefetch = 0 : i64, scratch_operands = 0 : i64, tpu.core_type = #tpu.core_type<tc>, window_params = [{transform_indices = @transform_0, window_bounds = array<i64: 2, 2000, 128>}, {transform_indices = @transform_1, window_bounds = array<i64: 2000, 128>}, {pipeline_mode = #tpu.pipeline_mode<synchronous>, transform_indices = @transform_2, window_bounds = array<i64: 1, 128>}, {pipeline_mode = #tpu.pipeline_mode<synchronous>, transform_indices = @transform_3, window_bounds = array<i64: 1, 128>}, {transform_indices = @transform_4, window_bounds = array<i64: 2000, 40>}]} {
    %get3A = arith.constant 0 : index
    %get3A_0 = arith.constant 0 : index
    %get3A_1 = arith.constant 0 : index
    %get3A_2 = vector.load %arg1[%get3A, %get3A_0, %get3A_1] : memref<2x2000x128xf32, #tpu.memory_space<vmem>>, vector<1x2000x128xf32>
    %get3A_3 = vector.shape_cast %get3A_2 : vector<1x2000x128xf32> to vector<2000x128xf32>
    %get3A_4 = arith.constant 1 : index
    %get3A_5 = arith.constant 0 : index
    %get3A_6 = arith.constant 0 : index
    %get3A_7 = vector.load %arg1[%get3A_4, %get3A_5, %get3A_6] : memref<2x2000x128xf32, #tpu.memory_space<vmem>>, vector<1x2000x128xf32>
    %get3A_8 = vector.shape_cast %get3A_7 : vector<1x2000x128xf32> to vector<2000x128xf32>
    %add3A = arith.addf %get3A_3, %get3A_8 : vector<2000x128xf32>
    %get3A_9 = arith.constant 0 : index
    %get3A_10 = arith.constant 0 : index
    %get3A_11 = vector.load %arg2[%get3A_9, %get3A_10] : memref<2000x128xf32, #tpu.memory_space<vmem>>, vector<2000x128xf32>
    %add3A_12 = arith.addf %add3A, %get3A_11 : vector<2000x128xf32>
    %get3A_13 = arith.constant 0 : index
    %get3A_14 = arith.constant 0 : index
    %get3A_15 = vector.load %arg3[%get3A_13, %get3A_14] : memref<1x128xf32, #tpu.memory_space<vmem>>, vector<1x128xf32>
    %mul3A = arith.constant 0.999994993 : f32
    %mul3A_16 = vector.broadcast %mul3A : f32 to vector<1x128xf32>
    %mul3A_17 = arith.mulf %get3A_15, %mul3A_16 : vector<1x128xf32>
    %mul3A_18 = vector.broadcast %mul3A_17 : vector<1x128xf32> to vector<2000x128xf32>
    %mul3A_19 = arith.mulf %add3A_12, %mul3A_18 : vector<2000x128xf32>
    %get3A_20 = arith.constant 0 : index
    %get3A_21 = arith.constant 0 : index
    %get3A_22 = vector.load %arg4[%get3A_20, %get3A_21] : memref<1x128xf32, #tpu.memory_space<vmem>>, vector<1x128xf32>
    %add3A_23 = vector.broadcast %get3A_22 : vector<1x128xf32> to vector<2000x128xf32>
    %add3A_24 = arith.addf %mul3A_19, %add3A_23 : vector<2000x128xf32>
    %iota3A = tpu.iota {dimensions = array<i32: 1>} : vector<2000x128xi32>
    %lt3A = arith.constant 40 : i32
    %lt3A_25 = vector.broadcast %lt3A : i32 to vector<2000x128xi32>
    %lt3A_26 = arith.cmpi slt, %iota3A, %lt3A_25 : vector<2000x128xi32>
    %jit3A = arith.constant 0xFF800000 : f32
    %broadcast_in_dim3A = vector.broadcast %jit3A : f32 to vector<2000x128xf32>
    %select_n3A = arith.select %lt3A_26, %add3A_24, %broadcast_in_dim3A : vector<2000x128xi1>, vector<2000x128xf32>
    %reduce_max3A = arith.constant dense<0xFF800000> : vector<2000xf32>
    %reduce_max3A_27 = vector.multi_reduction <maximumf>, %select_n3A, %reduce_max3A [1] : vector<2000x128xf32> to vector<2000xf32>
    %broadcast_in_dim3A_28 = vector.shape_cast %reduce_max3A_27 : vector<2000xf32> to vector<2000x1xf32>
    %sub3A = vector.broadcast %broadcast_in_dim3A_28 : vector<2000x1xf32> to vector<2000x128xf32>
    %sub3A_29 = arith.subf %select_n3A, %sub3A : vector<2000x128xf32>
    %exp3A = math.exp %sub3A_29 : vector<2000x128xf32>
    %jit3A_30 = arith.constant 0.000000e+00 : f32
    %broadcast_in_dim3A_31 = vector.broadcast %jit3A_30 : f32 to vector<2000x128xf32>
    %select_n3A_32 = arith.select %lt3A_26, %exp3A, %broadcast_in_dim3A_31 : vector<2000x128xi1>, vector<2000x128xf32>
    %reduce_sum3A = arith.constant dense<0.000000e+00> : vector<2000xf32>
    %reduce_sum3A_33 = vector.multi_reduction <add>, %select_n3A_32, %reduce_sum3A [1] : vector<2000x128xf32> to vector<2000xf32>
    %broadcast_in_dim3A_34 = vector.shape_cast %reduce_sum3A_33 : vector<2000xf32> to vector<2000x1xf32>
    %log3A = math.log %broadcast_in_dim3A_34 : vector<2000x1xf32>
    %add3A_35 = arith.addf %log3A, %broadcast_in_dim3A_28 : vector<2000x1xf32>
    %sub3A_36 = vector.broadcast %add3A_35 : vector<2000x1xf32> to vector<2000x128xf32>
    %sub3A_37 = arith.subf %select_n3A, %sub3A_36 : vector<2000x128xf32>
    %slice3A = vector.extract_strided_slice %sub3A_37 {offsets = [0, 0], sizes = [2000, 40], strides = [1, 1]} : vector<2000x128xf32> to vector<2000x40xf32>
    %swap3A = arith.constant 0 : index
    %swap3A_38 = arith.constant 0 : index
    %swap3A_39 = vector.load %arg5[%swap3A, %swap3A_38] : memref<2000x40xf32, #tpu.memory_space<vmem>>, vector<2000x40xf32>
    tpu.vector_store %arg5[%swap3A, %swap3A_38], %slice3A {strides = array<i32>} : memref<2000x40xf32, #tpu.memory_space<vmem>>, vector<2000x40xf32>,
    return
  }
  func.func @transform_0(%arg0: i32) -> (i32, i32, i32) {
    %c0_i32 = arith.constant 0 : i32
    %c0_i32_0 = arith.constant 0 : i32
    %c0_i32_1 = arith.constant 0 : i32
    return %c0_i32, %arg0, %c0_i32_0 : i32, i32, i32
  }
  func.func @transform_1(%arg0: i32) -> (i32, i32) {
    %c0_i32 = arith.constant 0 : i32
    %c0_i32_0 = arith.constant 0 : i32
    return %arg0, %c0_i32 : i32, i32
  }
  func.func @transform_2(%arg0: i32) -> (i32, i32) {
    %c0_i32 = arith.constant 0 : i32
    %c0_i32_0 = arith.constant 0 : i32
    %c0_i32_1 = arith.constant 0 : i32
    return %c0_i32, %c0_i32_0 : i32, i32
  }
  func.func @transform_3(%arg0: i32) -> (i32, i32) {
    %c0_i32 = arith.constant 0 : i32
    %c0_i32_0 = arith.constant 0 : i32
    %c0_i32_1 = arith.constant 0 : i32
    return %c0_i32, %c0_i32_0 : i32, i32
  }
  func.func @transform_4(%arg0: i32) -> (i32, i32) {
    %c0_i32 = arith.constant 0 : i32
    %c0_i32_0 = arith.constant 0 : i32
    return %arg0, %c0_i32 : i32, i32
  }
}

</mosaic_0001>

<sc_bundles>
// kernel: kernel.11.cloned.1.call-start
scs
__scs_entry_jumppad:
0x0: {  	(pc) =	sbr.rel $0x88, $3  }
0x1: {  	(tag) =	ssettag $0x0;
	lr =	simm.s32 $0x1  }
0x2: {  	[smem:$0x3F8B] =	sst lr;
	_ =	strace $0xD0000000  }
0x3: {  	_ = 	snop  }
0x4: {  	_ = 	snop  }
0x5: {  	_ = 	snop  }
0x6: {  	_ = 	snop  }
0x7: {  	_ = 	snop  }
__scs_overlays_trampoline_lowered:
0x8: {  	[smem:$0x3F9A] =	sst s0  }
0x9: {  	[smem:$0x3F9B] =	sst s1  }
0xa: {  	[smem:$0x3F9C] =	sst s2  }
0xb: {  	[smem:$0x3F9D] =	sst s3  }
0xc: {  	[smem:$0x3F9E] =	sst s4  }
0xd: {  	[smem:$0x3F9F] =	sst s5  }
0xe: {  	[smem:$0x3FA0] =	sst s6  }
0xf: {  	[smem:$0x3FA1] =	sst s7  }
0x10: {  	[smem:$0x3FA2] =	sst s8  }
0x11: {  	[smem:$0x3FA3] =	sst s9;
	s0 =	simm.s32 @!p0 $0x0  }
0x12: {  	s1 =	sld [smem:$0x3F89];
	s0 =	simm.s32 @p0 $0x1  }
0x13: {  	[smem:$0x3FA4] =	sst s0;
	s0 =	simm.s32 @!p1 $0x0  }
0x14: {  	s2 =	sld [smem:$0x3F88];
	s0 =	simm.s32 @p1 $0x1  }
0x15: {  	[smem:$0x3FA5] =	sst s0;
	s0 =	simm.s32 @!p2 $0x0  }
0x16: {  	s3 =	sld [smem:$0x3FDB];
	s0 =	simm.s32 @p2 $0x1  }
0x17: {  	s4 =	simm.s32 $0x1BF5;
	[smem:$0x3FA7] =	sst s0  }
0x18: {  	s0 =	sld [smem:$0x3F8A];
	_ =	swait.ge [sflag:s4], $0x0  }
0x19: {  	s7 =	sld [smem:$0x3F8B]  }
0x1a: {  	s8 =	sadd.s32 $0xFFFFE003, lr  }
0x1b: {  	s9 =	sadd.s32 $0xFFFFFEF7, lr;
	s5 =	simm.s32 $0xFFFFFFFF;
	p2 =	slt.u32 s8, $0xFFFFF086  }
0x1c: {  	p1 =	slt.u32 s9, $0xF7A;
	s5 =	simm.s32 @!p2 $0x0  }
0x1d: {  	s5 =	simm.s32 @p1 $0x1;
	p0 =	seq.s32 s7, s2  }
0x1e: {  	s7 =	smul.u32 @!p0 $0xF7A, s2;
	p2 =	seq.s32 @!p0 s5, $0x0  }
0x1f: {  	s9 =	smul.u32 $0xF7A, s1;
	s8 =	simm.s32 @!p0 $0x1BF5;
	p2 =	por !p2, p0  }
0x20: {  	[sflag:s8] =	ssyncset.s32 @!p0 $0xFFFFF086;
	s6 =	sadd.s32 @!p0 s3, s7;
	s7 =	simm.s32 @!p0 $0x108  }
0x21: {  	s3 =	sadd.s32 s3, s9;
	s6 =	sadd.s32 @!p0 $0x88, s6;
	s7 =	simm.s32 @p2 $0x1082  }
0x22: {  	[simem:s7], [sflag:s8] =	dma.local @!p0 [hbm:s6], $0xF7A  }
0x23: {  	s9 =	sor.u32 $0xD0000000, s2;
	s6 =	simm.s32 $0x108;
	_ =	swait.ge @!p0 [sflag:s8], $0x0  }
0x24: {  	s3 =	sadd.s32 $0x88, s3;
	s6 =	simm.s32 @!p1 $0x1082;
	[sflag:s4] =	ssyncset.s32 $0xFFFFF086  }
0x25: {  	[simem:s6], [sflag:s4] =	dma.local [hbm:s3], $0xF7A  }
0x26: {  	[smem:$0x3F8B] =	sst s1;
	(tag) =	ssettag s2;
	_ =	strace s9  }
0x27: {  	s1 =	sld [smem:$0x3F9B]  }
0x28: {  	s2 =	sld [smem:$0x3F9C]  }
0x29: {  	s4 =	sld [smem:$0x3F9E]  }
0x2a: {  	p0 =	seq.s32 s5, $0x0;
	s5 =	sld [smem:$0x3F9F]  }
0x2b: {  	s6 =	sld [smem:$0x3FA0]  }
0x2c: {  	s7 =	sld [smem:$0x3FA1]  }
0x2d: {  	s3 =	simm.s32 $0x108;
	s8 =	sld [smem:$0x3FA2]  }
0x2e: {  	s3 =	simm.s32 @!p0 $0x1082;
	s9 =	sld [smem:$0x3FA3]  }
0x2f: {  	lr =	sadd.s32 s0, s3;
	s0 =	sld [smem:$0x3F9A]  }
0x30: {  	s3 =	sld [smem:$0x3F9D]  }
0x31: {  	[smem:$0x3FA6] =	sst s10  }
0x32: {  	s10 =	sld [smem:$0x3FA4];
	_ =	sdelay $0x3  }
0x33: {  	p0 =	seq.s32 s10, $0x1;
	s10 =	sld [smem:$0x3FA6];
	_ =	sdelay $0x3  }
0x34: {  	[smem:$0x3FA6] =	sst s10  }
0x35: {  	s10 =	sld [smem:$0x3FA5];
	_ =	sdelay $0x3  }
0x36: {  	p1 =	seq.s32 s10, $0x1;
	s10 =	sld [smem:$0x3FA6];
	_ =	sdelay $0x3  }
0x37: {  	[smem:$0x3FA6] =	sst s10  }
0x38: {  	s10 =	sld [smem:$0x3FA7]  }
0x39: {  	_ = 	snop;
	(pc) =	sbr.ind lr, $3  }
0x3a: {  	_ = 	snop  }
0x3b: {  	_ = 	snop  }
0x3c: {  	p2 =	seq.s32 s10, $0x1;
	s10 =	sld [smem:$0x3FA6]  }
0x3d: {  	_ =	shalt  }
0x3e: {  	_ =	shalt  }
0x3f: {  	_ =	shalt  }
0x40: {  	_ =	shalt  }
0x41: {  	_ =	shalt  }
0x42: {  	_ =	shalt  }
0x43: {  	_ =	shalt  }
0x44: {  	_ =	shalt  }
0x45: {  	_ =	shalt  }
0x46: {  	_ =	shalt  }
0x47: {  	_ =	shalt  }
0x48: {  	_ =	shalt  }
0x49: {  	_ =	shalt  }
0x4a: {  	_ =	shalt  }
0x4b: {  	_ =	shalt  }
0x4c: {  	_ =	shalt  }
0x4d: {  	_ =	shalt  }
0x4e: {  	_ =	shalt  }
0x4f: {  	_ =	shalt  }
0x50: {  	_ =	shalt  }
0x51: {  	_ =	shalt  }
0x52: {  	_ =	shalt  }
0x53: {  	_ =	shalt  }
0x54: {  	_ =	shalt  }
0x55: {  	_ =	shalt  }
0x56: {  	_ =	shalt  }
0x57: {  	_ =	shalt  }
0x58: {  	_ =	shalt  }
0x59: {  	_ =	shalt  }
0x5a: {  	_ =	shalt  }
0x5b: {  	_ =	shalt  }
0x5c: {  	_ =	shalt  }
0x5d: {  	_ =	shalt  }
0x5e: {  	_ =	shalt  }
0x5f: {  	_ =	shalt  }
0x60: {  	_ =	shalt  }
0x61: {  	_ =	shalt  }
0x62: {  	_ =	shalt  }
0x63: {  	_ =	shalt  }
0x64: {  	_ =	shalt  }
0x65: {  	_ =	shalt  }
0x66: {  	_ =	shalt  }
0x67: {  	_ =	shalt  }
0x68: {  	_ =	shalt  }
0x69: {  	_ =	shalt  }
0x6a: {  	_ =	shalt  }
0x6b: {  	_ =	shalt  }
0x6c: {  	_ =	shalt  }
0x6d: {  	_ =	shalt  }
0x6e: {  	_ =	shalt  }
0x6f: {  	_ =	shalt  }
0x70: {  	_ =	shalt  }
0x71: {  	_ =	shalt  }
0x72: {  	_ =	shalt  }
0x73: {  	_ =	shalt  }
0x74: {  	_ =	shalt  }
0x75: {  	_ =	shalt  }
0x76: {  	_ =	shalt  }
0x77: {  	_ =	shalt  }
0x78: {  	_ =	shalt  }
0x79: {  	_ =	shalt  }
0x7a: {  	_ =	shalt  }
0x7b: {  	_ =	shalt  }
0x7c: {  	_ =	shalt  }
0x7d: {  	_ =	shalt  }
0x7e: {  	_ =	shalt  }
0x7f: {  	_ =	shalt  }
0x80: {  	_ =	shalt  }
0x81: {  	_ =	shalt  }
0x82: {  	_ =	shalt  }
0x83: {  	_ =	shalt  }
0x84: {  	_ =	shalt  }
0x85: {  	_ =	shalt  }
0x86: {  	_ =	shalt  }
0x87: {  	_ =	shalt  }
.Lfunc_end0:
.L_simem_size_0:
called_computation_lowered:
.L_overlay_start_0:
0x88: {  	s2 =	sld [smem:$0x3FD9]  }
0x89: {  	s3 =	sld [smem:$0x3FFE];
	_ =	sdelay $0x1  }
0x8a: {  	s1 =	srdreg.scid  }
0x8b: {  	s0 =	sand.u32 $0x1, s1  }
0x8c: {  	s17 =	sshll.u32 s0, $0xA;
	s2 =	sadd.s32 s3, s2  }
0x8d: {  	s2 =	sadd.s32 s2, s17  }
0x8e: {  	[smem:$0x3FB2] =	sst s2  }
0x8f: {  	_ = 	snop  }
0x90: {  	s2 =	sld [smem:$0x3FD0];
	(tm) =	ssettm $0x1  }
0x91: {  	s18 =	sld [smem:$0x3FFB];
	_ =	sdelay $0x3  }
0x92: {  	_ =	strace s18  }
0x93: {  	s3 =	sld [smem:$0x3FFC];
	_ =	sdelay $0x3  }
0x94: {  	_ =	strace s3  }
0x95: {  	s3 =	sld [smem:$0x3FFD];
	_ =	sdelay $0x3  }
0x96: {  	_ =	strace s3  }
0x97: {  	_ =	strace $0x8FFFFFFF  }
0x98: {  	s19 =	sld [smem:$0x3FDB];
	_ =	sdelay $0x1  }
0x99: {  	s4 =	simm.s32 $_scs_section_size  }
0x9a: {  	s5 =	simm.s32 $_size__tile_overlayer_lowered;
	s6 =	simm.s32 $_tile_overlayer_lowered  }
0x9b: {  	s22 =	simm.s32 $0x1BFF;
	s21 =	sshll.u32 s6, $0x1;
	s3 =	sadd.s32 s4, s19  }
0x9c: {  	s7 =	simm.s32 $0x0;
	s20 =	sshll.u32 s5, $0x1;
	s5 =	sadd.s32 s21, s3  }
0x9d: {  	[timem:s7], [sflag:s22] =	dma.local [hbm:s5], s20  }
0x9e: {  	_ =	swait.ge [sflag:s22], s20  }
0x9f: {  	s4 =	ssub.s32 $0x0, s20;
	[sflag:s22] =	ssyncset.done $0x0  }
0xa0: {  	[sflag:s22] =	ssyncadd.s32 s4;
	_ =	sdelay $0x1  }
0xa1: {  	s23 =	simm.s32 $0x1B8B  }
0xa2: {  	_ =	swait.ge [sflag:s23], $0x1  }
0xa3: {  	[sflag:s23] =	ssyncset.done $0x0  }
0xa4: {  	s25 =	simm.s32 $0x1B8E;
	s24 =	sld [smem:$0x3FFE];
	[sflag:s23] =	ssyncadd.s32 $0xFFFFFFFF  }
0xa5: {  	s26 =	simm.s32 $execute0_lowered;
	[smem:$0x3FD2] =	sst s25  }
0xa6: {  	s5 =	sshll.u32 s26, $0x1;
	_ =	strace $0x80000046;
	[dreg:$0x1] =	wrdreg $0xFFFFFFFF  }
0xa7: {  	s28 =	simm.s32 $_size_execute0_lowered;
	s3 =	sadd.s32 s3, s5;
	[dreg:$0x0] =	wrdreg $0x0  }
0xa8: {  	s5 =	sshll.u32 s28, $0x1;
	[dreg:$0x2] =	wrdreg s3  }
0xa9: {  	[dreg:$0x3] =	wrdreg s5  }
0xaa: {  	[dreg:$0x4] =	wrdreg $0xC0  }
0xab: {  	_ =	task [dreg:s7], $0x5FFFF  }
0xac: {  	[dreg:$0x1] =	wrdreg $0xFFFFFFFF  }
0xad: {  	[dreg:$0x0] =	wrdreg $0x60  }
0xae: {  	[dreg:$0x2] =	wrdreg s24  }
0xaf: {  	[dreg:$0x3] =	wrdreg s2  }
0xb0: {  	[dreg:$0x4] =	wrdreg $0x90000  }
0xb1: {  	[dreg:$0x5] =	wrdreg $0x9  }
0xb2: {  	_ =	task.clear_ibuf [dreg:s7], $0x6FFFF;
	_ =	strace $0x90000046  }
0xb3: {  	s29 =	simm.s32 $0x9;
	_ =	strace $0x80000048  }
0xb4: {  	_ =	swait.ge [sflag:s29], $0x1  }
0xb5: {  	[sflag:s29] =	ssyncadd.s32 $0xFFFFFFFF  }
0xb6: {  	_ =	strace $0x90000048  }
0xb7: {  	_ =	sfence  }
0xb8: {  	s30 =	sld [smem:$0x0];
	_ =	sdelay $0x2  }
0xb9: {  	s31 =	sshll.u32 s1, $0xD;
	s1 =	sshrl.u32 s1, $0x2  }
0xba: {  	s3 =	sand.u32 $0x4000, s31;
	s1 =	sadd.s32 s1, s30  }
0xbb: {  	s0 =	sor.u32 s3, s0;
	s1 =	sshll.u32 s1, $0x11  }
0xbc: {  	s0 =	sor.u32 s1, s0  }
0xbd: {  	s0 =	sadd.s32 $0x8F2B, s0  }
0xbe: {  	[sflag:s0] =	ssyncadd.remote.s32 $0x1  }
0xbf: {  	_ =	sfence.sel $0xFFFF  }
0xc0: {  	[dreg:$0x0] =	wrdreg $0xFFFFFFFF;
	(pc) =	sbr.abs _section_cstart, $3  }
0xc1: {  	[dreg:$0x1] =	wrdreg $0xFFFFFFFF  }
0xc2: {  	_ =	task.clear_ibuf [dreg:s7], $0x2FFFF;
	_ =	strace $0x9FFFFFFF  }
0xc3: {  	(tm) =	ssettm $0x7FFFFFFF  }
tec
execute0_lowered:
.L_overlay_start_1:
0x0: {  	(tag) =	ssettag $0x1  }
0x1: {  	s5 =	rddreg [dreg:$0x0]  }
0x2: {  	s6 =	rddreg [dreg:$0x1]  }
0x3: {  	s1 =	rddreg [dreg:$0x2];
	s2 =	srdreg.scid  }
0x4: {  	s0 =	rddreg [dreg:$0x3];
	s3 =	simm.s32 $0x0;
	s15 =	simm.s32 $0x2800  }
0x5: {  	s16 =	simm.s32 $0x5000;
	s17 =	simm.s32 $0x80;
	s18 =	simm.s32 $0x1  }
0x6: {  	s21 =	simm.s32 $0x0;
	s7 =	sand.u32 $0x1, s2;
	s2 =	stileid.u32  }
0x7: {  	[smem:$0x7FF] =	sst s3;
	s4 =	sshll.u32 s7, $0x4;
	s8 =	smul.u32 $0x140000, s7  }
0x8: {  	s10 =	smul.u32 $0x14000, s2;
	_ =	strace $0x80000047;
	s7 =	ssub.s32 $0x2, s7  }
0x9: {  	s30 =	smul.u32 $0x50000, s2;
	s19 =	sshll.u32 s2, $0x6;
	s9 =	sor.u32 s2, s4  }
0xa: {  	s4 =	sadd.s32 $0xF000, s5;
	s12 =	sshrl.u32 s7, $0x1;
	s19 =	sor.u32 $0x1C02, s19  }
0xb: {  	s9 =	smul.u32 $0x500, s9;
	s8 =	sadd.s32 s10, s8;
	s31 =	sshrl.u32 s30, $0x2  }
0xc: {  	s14 =	ssub.s32 s7, s12;
	s8 =	sshrl.u32 s8, $0x3;
	s7 =	sadd.s32 s31, s1  }
0xd: {  	s11 =	sadd.s32 s9, s5;
	s13 =	sadd.s32 s8, s5;
	s5 =	sadd.s32 s6, s9  }
0xe: {  	s8 =	sadd.s32 $0x4000, s7;
	s9 =	sadd.s32 $0x8000, s7;
	s10 =	sadd.s32 $0xC000, s7  }
0xf: {  	s20 =	sshrl.u32 s7, $0x3;
	s6 =	sadd.s32 $0x5000, s11;
	s11 =	sadd.s32 $0x10000, s7  }
0x10: {  	v0 =	vimm.f32 $0.0e+00;
	s12 =	sadd.s32 $0x36200, s13;
	s13 =	smax.u32 s14, $0x1;
	s14 =	simm.s32 $0x2  }
.LBB2_1:
0x11: {  	[tilespmem:s3], [sflag:$0x2] =	stream.linear.gather [hbm4b:s5+s3], $0x2780, $0x38;
	[tilespmem:$0x1D000] =	vst v63  }
0x12: {  	_ =	swait.ge [sflag:s14], $0x2780  }
0x13: {  	[sflag:s14] =	ssyncset.done $0x0  }
0x14: {  	[sflag:s14] =	ssyncadd.s32 $0xFFFFD880  }
0x15: {  	[tilespmem:s15], [sflag:$0x2] =	stream.linear.gather [hbm4b:s6+s3], $0x2780, $0x38;
	[tilespmem:$0x1D000] =	vst v63  }
0x16: {  	_ =	swait.ge [sflag:s14], $0x2780  }
0x17: {  	[sflag:s14] =	ssyncset.done $0x0  }
0x18: {  	s22 =	simm.s32 $0x0;
	s23 =	simm.s32 $0x200;
	[sflag:s14] =	ssyncadd.s32 $0xFFFFD880  }
.LBB2_2:
0x19: {  	p0 =	sne.s32 s23, $0xFE00;
	[tilespmem:s22+$0x5070] =	vst v0  }
0x1a: {  	[tilespmem:s22+$0x5000] =	vst v0  }
0x1b: {  	[tilespmem:s22+$0x5010] =	vst v0  }
.Ltmp0:
0x1c: {  	[tilespmem:s22+$0x5020] =	vst v0;
	(pc) =	sbr.rel @p0 .LBB2_2-.Ltmp0, $4  }
0x1d: {  	[tilespmem:s22+$0x5030] =	vst v0  }
0x1e: {  	[tilespmem:s22+$0x5040] =	vst v0  }
0x1f: {  	[tilespmem:s22+$0x5050] =	vst v0  }
0x20: {  	[tilespmem:s22+$0x5060] =	vst v0;
	s22 =	sshra.s32 s23, $0x2;
	s23 =	sadd.s32 $0x200, s23  }
0x21: {  	[tilespmem:s22+$0x5070] =	vst v0  }
0x22: {  	[tilespmem:s22+$0x5000] =	vst v0  }
0x23: {  	[tilespmem:s22+$0x5010] =	vst v0  }
0x24: {  	[tilespmem:s22+$0x5020] =	vst v0  }
0x25: {  	[tilespmem:s22+$0x5030] =	vst v0  }
0x26: {  	[tilespmem:s22+$0x5040] =	vst v0  }
0x27: {  	[tilespmem:s22+$0x5050] =	vst v0  }
0x28: {  	[tilespmem:s22+$0x5060] =	vst v0  }
0x29: {  	[spmem:s7] =	stream.linear.scatter [tilespmem:s16], [sflag:$0x2], $0x4000, $0x38;
	[tilespmem:$0x1D000] =	vst v63  }
0x2a: {  	_ =	swait.ge [sflag:s14], $0x4000  }
0x2b: {  	[sflag:s14] =	ssyncset.done $0x0  }
0x2c: {  	[sflag:s14] =	ssyncadd.s32 $0xFFFFC000  }
0x2d: {  	[spmem:s8] =	stream.linear.scatter [tilespmem:s16], [sflag:$0x2], $0x4000, $0x38;
	[tilespmem:$0x1D000] =	vst v63  }
0x2e: {  	_ =	swait.ge [sflag:s14], $0x4000  }
0x2f: {  	[sflag:s14] =	ssyncset.done $0x0  }
0x30: {  	[sflag:s14] =	ssyncadd.s32 $0xFFFFC000  }
0x31: {  	[spmem:s9] =	stream.linear.scatter [tilespmem:s16], [sflag:$0x2], $0x4000, $0x38;
	[tilespmem:$0x1D000] =	vst v63  }
0x32: {  	_ =	swait.ge [sflag:s14], $0x4000  }
0x33: {  	[sflag:s14] =	ssyncset.done $0x0  }
0x34: {  	[sflag:s14] =	ssyncadd.s32 $0xFFFFC000  }
0x35: {  	[spmem:s10] =	stream.linear.scatter [tilespmem:s16], [sflag:$0x2], $0x4000, $0x38;
	[tilespmem:$0x1D000] =	vst v63  }
0x36: {  	_ =	swait.ge [sflag:s14], $0x4000  }
0x37: {  	[sflag:s14] =	ssyncset.done $0x0  }
0x38: {  	[sflag:s14] =	ssyncadd.s32 $0xFFFFC000  }
0x39: {  	[spmem:s11] =	stream.linear.scatter [tilespmem:s16], [sflag:$0x2], $0x4000, $0x38;
	[tilespmem:$0x1D000] =	vst v63  }
0x3a: {  	_ =	swait.ge [sflag:s14], $0x4000  }
0x3b: {  	[sflag:s14] =	ssyncset.done $0x0  }
0x3c: {  	[sflag:s14] =	ssyncadd.s32 $0xFFFFC000  }
0x3d: {  	s30 =	simm.s32 $0x0;
	[bflag:$0x0] =	sbarrier.arrive $0xFFFF  }
0x3e: {  	[tilespmem:s16], [sflag:$0x1] =	stream.indirect.gather [hbm4b:s4+s17], $0x80, s30, s17, $0xb8;
	[tilespmem:$0x1D000] =	vst v63  }
0x3f: {  	_ =	swait.ge [sflag:s18], $0x4000  }
0x40: {  	[sflag:s18] =	ssyncset.done $0x0  }
0x41: {  	s31 =	simm.s32 $0x2800;
	[sflag:s18] =	ssyncadd.s32 $0xFFFFC000  }
0x42: {  	[spmem:s1] =	stream.indirect.scatter.add.f32 [tilespmem:s16], [sflag:$0x2], $0x80, s31, s17, $0xb8;
	[tilespmem:$0x1D000] =	vst v63  }
0x43: {  	_ =	swait.ge [sflag:s14], $0x4000  }
0x44: {  	s22 =	simm.s32 $0x200;
	s23 =	simm.s32 $0x400;
	[sflag:s14] =	ssyncset.done $0x0  }
.LBB2_4:
0x45: {  	s24 =	sshra.s32 s22, $0x2  }
0x46: {  	[sflag:s14] =	ssyncadd.s32 $0xFFFFC000;
	s22 =	smov.u32 s23;
	s25 =	sadd.s32 $0x200, s23  }
0x47: {  	[tilespmem:s16], [sflag:$0x1] =	stream.indirect.gather [hbm4b:s4+s17], $0x80, s24, s17, $0xb8;
	[tilespmem:$0x1D000] =	vst v63  }
0x48: {  	p0 =	sne.s32 s23, $0x9C00;
	_ =	swait.ge [sflag:s18], $0x4000  }
.Ltmp1:
0x49: {  	[sflag:s18] =	ssyncset.done $0x0;
	(pc) =	sbr.rel @p0 .LBB2_4-.Ltmp1, $4  }
0x4a: {  	s23 =	sadd.s32 $0x2800, s24;
	[sflag:s18] =	ssyncadd.s32 $0xFFFFC000  }
0x4b: {  	[spmem:s1] =	stream.indirect.scatter.add.f32 [tilespmem:s16], [sflag:$0x2], $0x80, s23, s17, $0xb8;
	[tilespmem:$0x1D000] =	vst v63  }
0x4c: {  	_ =	swait.ge [sflag:s14], $0x4000  }
0x4d: {  	s23 =	smov.u32 s25;
	[sflag:s14] =	ssyncset.done $0x0  }
0x4e: {  	s22 =	sshra.s32 s22, $0x2;
	[sflag:s14] =	ssyncadd.s32 $0xFFFFC000  }
0x4f: {  	[tilespmem:s16], [sflag:$0x1] =	stream.indirect.gather [hbm4b:s4+s17], $0x80, s22, s17, $0xb8;
	[tilespmem:$0x1D000] =	vst v63  }
0x50: {  	_ =	swait.ge [sflag:s18], $0x4000  }
0x51: {  	[sflag:s18] =	ssyncset.done $0x0  }
0x52: {  	s22 =	sadd.s32 $0x2800, s22;
	[sflag:s18] =	ssyncadd.s32 $0xFFFFC000  }
0x53: {  	[spmem:s1] =	stream.indirect.scatter.add.f32 [tilespmem:s16], [sflag:$0x2], $0x80, s22, s17, $0xb8;
	[tilespmem:$0x1D000] =	vst v63  }
0x54: {  	_ =	swait.ge [sflag:s14], $0x4000  }
0x55: {  	s21 =	sadd.s32 $0x1, s21;
	[sflag:s14] =	ssyncset.done $0x0  }
0x56: {  	p0 =	sne.s32 s21, s13;
	[sflag:s14] =	ssyncadd.s32 $0xFFFFC000  }
.Ltmp2:
0x57: {  	[bflag:$0x0] =	sbarrier.arrive $0xFFFF;
	(pc) =	sbr.rel @p0 .LBB2_1-.Ltmp2, $4  }
0x58: {  	[hbm:s12], [sflag:s19] =	dma.local [spmem:s20], $0x2800  }
0x59: {  	_ =	swait.ge [sflag:s14], $0x2800  }
0x5a: {  	[sflag:s14] =	ssyncset.done $0x0  }
0x5b: {  	[sflag:s14] =	ssyncadd.s32 $0xFFFFD800  }
0x5c: {  	_ =	sfence.sel $0x180000  }
0x5d: {  	[bflag:$0x0] =	sbarrier.arrive $0xFFFF  }
0x5e: {  	p0 =	sne.s32 s2, $0x0;
	_ =	strace $0x90000047  }
0x5f: {  	s0 =	sadd.s32 @!p0 $0x100000, s0;
	[bflag:$0x2] =	sbarrier.arrive $0xFFFF  }
0x60: {  	[sflag:s0] =	ssyncadd.tile.s32 @!p0 $0x1;
	_ =	shalt  }
.Lfunc_end2:
_tile_overlayer_lowered:
.L_overlay_start_2:
0x61: {  	(tag) =	ssettag $0x2  }
0x62: {  	s0 =	rddreg [dreg:$0x0];
	s2 =	stileid.u32  }
0x63: {  	s1 =	rddreg [dreg:$0x1];
	p0 =	sne.s32 s2, $0x0  }
0x64: {  	s3 =	rddreg [dreg:$0x2];
	[bflag:$0x3] =	sbarrier.arrive $0xFFFF;
	s2 =	simm.s32 @!p0 $0x1C02  }
0x65: {  	[timem:s3], [sflag:s2] =	dma.local @!p0 [hbm:s0], s1  }
0x66: {  	s0 =	simm.s32 @!p0 $0x2  }
0x67: {  	_ =	swait.ge @!p0 [sflag:s0], s1  }
0x68: {  	s1 =	ssub.s32 @!p0 $0x0, s1;
	[sflag:s0] =	ssyncset.done @!p0 $0x0  }
0x69: {  	[sflag:s0] =	ssyncadd.s32 @!p0 s1  }
0x6a: {  	[bflag:$0x3] =	sbarrier.arrive $0xFFFF  }
0x6b: {  	_ =	shalt  }

// kernel: kernel.14.cloned.1.call-start
scs
__scs_entry_jumppad:
0x0: {  	(pc) =	sbr.rel $0x88, $3  }
0x1: {  	(tag) =	ssettag $0x0;
	lr =	simm.s32 $0x1  }
0x2: {  	[smem:$0x3F8B] =	sst lr;
	_ =	strace $0xD0000000  }
0x3: {  	_ = 	snop  }
0x4: {  	_ = 	snop  }
0x5: {  	_ = 	snop  }
0x6: {  	_ = 	snop  }
0x7: {  	_ = 	snop  }
__scs_overlays_trampoline_lowered:
0x8: {  	[smem:$0x3F9A] =	sst s0  }
0x9: {  	[smem:$0x3F9B] =	sst s1  }
0xa: {  	[smem:$0x3F9C] =	sst s2  }
0xb: {  	[smem:$0x3F9D] =	sst s3  }
0xc: {  	[smem:$0x3F9E] =	sst s4  }
0xd: {  	[smem:$0x3F9F] =	sst s5  }
0xe: {  	[smem:$0x3FA0] =	sst s6  }
0xf: {  	[smem:$0x3FA1] =	sst s7  }
0x10: {  	[smem:$0x3FA2] =	sst s8  }
0x11: {  	[smem:$0x3FA3] =	sst s9;
	s0 =	simm.s32 @!p0 $0x0  }
0x12: {  	s1 =	sld [smem:$0x3F89];
	s0 =	simm.s32 @p0 $0x1  }
0x13: {  	[smem:$0x3FA4] =	sst s0;
	s0 =	simm.s32 @!p1 $0x0  }
0x14: {  	s2 =	sld [smem:$0x3F88];
	s0 =	simm.s32 @p1 $0x1  }
0x15: {  	[smem:$0x3FA5] =	sst s0;
	s0 =	simm.s32 @!p2 $0x0  }
0x16: {  	s3 =	sld [smem:$0x3FDB];
	s0 =	simm.s32 @p2 $0x1  }
0x17: {  	s4 =	simm.s32 $0x1BF5;
	[smem:$0x3FA7] =	sst s0  }
0x18: {  	s0 =	sld [smem:$0x3F8A];
	_ =	swait.ge [sflag:s4], $0x0  }
0x19: {  	s7 =	sld [smem:$0x3F8B]  }
0x1a: {  	s8 =	sadd.s32 $0xFFFFE003, lr  }
0x1b: {  	s9 =	sadd.s32 $0xFFFFFEF7, lr;
	s5 =	simm.s32 $0xFFFFFFFF;
	p2 =	slt.u32 s8, $0xFFFFF086  }
0x1c: {  	p1 =	slt.u32 s9, $0xF7A;
	s5 =	simm.s32 @!p2 $0x0  }
0x1d: {  	s5 =	simm.s32 @p1 $0x1;
	p0 =	seq.s32 s7, s2  }
0x1e: {  	s7 =	smul.u32 @!p0 $0xF7A, s2;
	p2 =	seq.s32 @!p0 s5, $0x0  }
0x1f: {  	s9 =	smul.u32 $0xF7A, s1;
	s8 =	simm.s32 @!p0 $0x1BF5;
	p2 =	por !p2, p0  }
0x20: {  	[sflag:s8] =	ssyncset.s32 @!p0 $0xFFFFF086;
	s6 =	sadd.s32 @!p0 s3, s7;
	s7 =	simm.s32 @!p0 $0x108  }
0x21: {  	s3 =	sadd.s32 s3, s9;
	s6 =	sadd.s32 @!p0 $0x88, s6;
	s7 =	simm.s32 @p2 $0x1082  }
0x22: {  	[simem:s7], [sflag:s8] =	dma.local @!p0 [hbm:s6], $0xF7A  }
0x23: {  	s9 =	sor.u32 $0xD0000000, s2;
	s6 =	simm.s32 $0x108;
	_ =	swait.ge @!p0 [sflag:s8], $0x0  }
0x24: {  	s3 =	sadd.s32 $0x88, s3;
	s6 =	simm.s32 @!p1 $0x1082;
	[sflag:s4] =	ssyncset.s32 $0xFFFFF086  }
0x25: {  	[simem:s6], [sflag:s4] =	dma.local [hbm:s3], $0xF7A  }
0x26: {  	[smem:$0x3F8B] =	sst s1;
	(tag) =	ssettag s2;
	_ =	strace s9  }
0x27: {  	s1 =	sld [smem:$0x3F9B]  }
0x28: {  	s2 =	sld [smem:$0x3F9C]  }
0x29: {  	s4 =	sld [smem:$0x3F9E]  }
0x2a: {  	p0 =	seq.s32 s5, $0x0;
	s5 =	sld [smem:$0x3F9F]  }
0x2b: {  	s6 =	sld [smem:$0x3FA0]  }
0x2c: {  	s7 =	sld [smem:$0x3FA1]  }
0x2d: {  	s3 =	simm.s32 $0x108;
	s8 =	sld [smem:$0x3FA2]  }
0x2e: {  	s3 =	simm.s32 @!p0 $0x1082;
	s9 =	sld [smem:$0x3FA3]  }
0x2f: {  	lr =	sadd.s32 s0, s3;
	s0 =	sld [smem:$0x3F9A]  }
0x30: {  	s3 =	sld [smem:$0x3F9D]  }
0x31: {  	[smem:$0x3FA6] =	sst s10  }
0x32: {  	s10 =	sld [smem:$0x3FA4];
	_ =	sdelay $0x3  }
0x33: {  	p0 =	seq.s32 s10, $0x1;
	s10 =	sld [smem:$0x3FA6];
	_ =	sdelay $0x3  }
0x34: {  	[smem:$0x3FA6] =	sst s10  }
0x35: {  	s10 =	sld [smem:$0x3FA5];
	_ =	sdelay $0x3  }
0x36: {  	p1 =	seq.s32 s10, $0x1;
	s10 =	sld [smem:$0x3FA6];
	_ =	sdelay $0x3  }
0x37: {  	[smem:$0x3FA6] =	sst s10  }
0x38: {  	s10 =	sld [smem:$0x3FA7]  }
0x39: {  	_ = 	snop;
	(pc) =	sbr.ind lr, $3  }
0x3a: {  	_ = 	snop  }
0x3b: {  	_ = 	snop  }
0x3c: {  	p2 =	seq.s32 s10, $0x1;
	s10 =	sld [smem:$0x3FA6]  }
0x3d: {  	_ =	shalt  }
0x3e: {  	_ =	shalt  }
0x3f: {  	_ =	shalt  }
0x40: {  	_ =	shalt  }
0x41: {  	_ =	shalt  }
0x42: {  	_ =	shalt  }
0x43: {  	_ =	shalt  }
0x44: {  	_ =	shalt  }
0x45: {  	_ =	shalt  }
0x46: {  	_ =	shalt  }
0x47: {  	_ =	shalt  }
0x48: {  	_ =	shalt  }
0x49: {  	_ =	shalt  }
0x4a: {  	_ =	shalt  }
0x4b: {  	_ =	shalt  }
0x4c: {  	_ =	shalt  }
0x4d: {  	_ =	shalt  }
0x4e: {  	_ =	shalt  }
0x4f: {  	_ =	shalt  }
0x50: {  	_ =	shalt  }
0x51: {  	_ =	shalt  }
0x52: {  	_ =	shalt  }
0x53: {  	_ =	shalt  }
0x54: {  	_ =	shalt  }
0x55: {  	_ =	shalt  }
0x56: {  	_ =	shalt  }
0x57: {  	_ =	shalt  }
0x58: {  	_ =	shalt  }
0x59: {  	_ =	shalt  }
0x5a: {  	_ =	shalt  }
0x5b: {  	_ =	shalt  }
0x5c: {  	_ =	shalt  }
0x5d: {  	_ =	shalt  }
0x5e: {  	_ =	shalt  }
0x5f: {  	_ =	shalt  }
0x60: {  	_ =	shalt  }
0x61: {  	_ =	shalt  }
0x62: {  	_ =	shalt  }
0x63: {  	_ =	shalt  }
0x64: {  	_ =	shalt  }
0x65: {  	_ =	shalt  }
0x66: {  	_ =	shalt  }
0x67: {  	_ =	shalt  }
0x68: {  	_ =	shalt  }
0x69: {  	_ =	shalt  }
0x6a: {  	_ =	shalt  }
0x6b: {  	_ =	shalt  }
0x6c: {  	_ =	shalt  }
0x6d: {  	_ =	shalt  }
0x6e: {  	_ =	shalt  }
0x6f: {  	_ =	shalt  }
0x70: {  	_ =	shalt  }
0x71: {  	_ =	shalt  }
0x72: {  	_ =	shalt  }
0x73: {  	_ =	shalt  }
0x74: {  	_ =	shalt  }
0x75: {  	_ =	shalt  }
0x76: {  	_ =	shalt  }
0x77: {  	_ =	shalt  }
0x78: {  	_ =	shalt  }
0x79: {  	_ =	shalt  }
0x7a: {  	_ =	shalt  }
0x7b: {  	_ =	shalt  }
0x7c: {  	_ =	shalt  }
0x7d: {  	_ =	shalt  }
0x7e: {  	_ =	shalt  }
0x7f: {  	_ =	shalt  }
0x80: {  	_ =	shalt  }
0x81: {  	_ =	shalt  }
0x82: {  	_ =	shalt  }
0x83: {  	_ =	shalt  }
0x84: {  	_ =	shalt  }
0x85: {  	_ =	shalt  }
0x86: {  	_ =	shalt  }
0x87: {  	_ =	shalt  }
.Lfunc_end0:
.L_simem_size_0:
called_computation.1_lowered:
.L_overlay_start_0:
0x88: {  	s2 =	sld [smem:$0x3FD9]  }
0x89: {  	s3 =	sld [smem:$0x3FFE];
	_ =	sdelay $0x1  }
0x8a: {  	s1 =	srdreg.scid  }
0x8b: {  	s0 =	sand.u32 $0x1, s1  }
0x8c: {  	s17 =	sshll.u32 s0, $0xA;
	s2 =	sadd.s32 s3, s2  }
0x8d: {  	s2 =	sadd.s32 s2, s17  }
0x8e: {  	[smem:$0x3FB2] =	sst s2  }
0x8f: {  	_ = 	snop  }
0x90: {  	s2 =	sld [smem:$0x3FD0];
	(tm) =	ssettm $0x1  }
0x91: {  	s18 =	sld [smem:$0x3FFB];
	_ =	sdelay $0x3  }
0x92: {  	_ =	strace s18  }
0x93: {  	s3 =	sld [smem:$0x3FFC];
	_ =	sdelay $0x3  }
0x94: {  	_ =	strace s3  }
0x95: {  	s3 =	sld [smem:$0x3FFD];
	_ =	sdelay $0x3  }
0x96: {  	_ =	strace s3  }
0x97: {  	_ =	strace $0x8FFFFFFF  }
0x98: {  	s19 =	sld [smem:$0x3FDB];
	_ =	sdelay $0x1  }
0x99: {  	s4 =	simm.s32 $_scs_section_size  }
0x9a: {  	s5 =	simm.s32 $_size__tile_overlayer_lowered;
	s6 =	simm.s32 $_tile_overlayer_lowered  }
0x9b: {  	s22 =	simm.s32 $0x1BFF;
	s21 =	sshll.u32 s6, $0x1;
	s3 =	sadd.s32 s4, s19  }
0x9c: {  	s7 =	simm.s32 $0x0;
	s20 =	sshll.u32 s5, $0x1;
	s5 =	sadd.s32 s21, s3  }
0x9d: {  	[timem:s7], [sflag:s22] =	dma.local [hbm:s5], s20  }
0x9e: {  	_ =	swait.ge [sflag:s22], s20  }
0x9f: {  	s4 =	ssub.s32 $0x0, s20;
	[sflag:s22] =	ssyncset.done $0x0  }
0xa0: {  	[sflag:s22] =	ssyncadd.s32 s4;
	_ =	sdelay $0x1  }
0xa1: {  	s23 =	simm.s32 $0x1B8B  }
0xa2: {  	_ =	swait.ge [sflag:s23], $0x1  }
0xa3: {  	[sflag:s23] =	ssyncset.done $0x0  }
0xa4: {  	s25 =	simm.s32 $0x1B8E;
	s24 =	sld [smem:$0x3FFE];
	[sflag:s23] =	ssyncadd.s32 $0xFFFFFFFF  }
0xa5: {  	s26 =	simm.s32 $execute0_lowered;
	[smem:$0x3FD2] =	sst s25  }
0xa6: {  	s5 =	sshll.u32 s26, $0x1;
	_ =	strace $0x80000049;
	[dreg:$0x1] =	wrdreg $0xFFFFFFFF  }
0xa7: {  	s28 =	simm.s32 $_size_execute0_lowered;
	s3 =	sadd.s32 s3, s5;
	[dreg:$0x0] =	wrdreg $0x0  }
0xa8: {  	s5 =	sshll.u32 s28, $0x1;
	[dreg:$0x2] =	wrdreg s3  }
0xa9: {  	[dreg:$0x3] =	wrdreg s5  }
0xaa: {  	[dreg:$0x4] =	wrdreg $0xC0  }
0xab: {  	_ =	task [dreg:s7], $0x5FFFF  }
0xac: {  	[dreg:$0x1] =	wrdreg $0xFFFFFFFF  }
0xad: {  	[dreg:$0x0] =	wrdreg $0x60  }
0xae: {  	[dreg:$0x2] =	wrdreg s24  }
0xaf: {  	[dreg:$0x3] =	wrdreg s2  }
0xb0: {  	[dreg:$0x4] =	wrdreg $0x90000  }
0xb1: {  	[dreg:$0x5] =	wrdreg $0x9  }
0xb2: {  	_ =	task.clear_ibuf [dreg:s7], $0x6FFFF;
	_ =	strace $0x90000049  }
0xb3: {  	s29 =	simm.s32 $0x9;
	_ =	strace $0x8000004B  }
0xb4: {  	_ =	swait.ge [sflag:s29], $0x1  }
0xb5: {  	[sflag:s29] =	ssyncadd.s32 $0xFFFFFFFF  }
0xb6: {  	_ =	strace $0x9000004B  }
0xb7: {  	_ =	sfence  }
0xb8: {  	s30 =	sld [smem:$0x0];
	_ =	sdelay $0x2  }
0xb9: {  	s31 =	sshll.u32 s1, $0xD;
	s1 =	sshrl.u32 s1, $0x2  }
0xba: {  	s3 =	sand.u32 $0x4000, s31;
	s1 =	sadd.s32 s1, s30  }
0xbb: {  	s0 =	sor.u32 s3, s0;
	s1 =	sshll.u32 s1, $0x11  }
0xbc: {  	s0 =	sor.u32 s1, s0  }
0xbd: {  	s0 =	sadd.s32 $0x8F2B, s0  }
0xbe: {  	[sflag:s0] =	ssyncadd.remote.s32 $0x1  }
0xbf: {  	_ =	sfence.sel $0xFFFF  }
0xc0: {  	[dreg:$0x0] =	wrdreg $0xFFFFFFFF;
	(pc) =	sbr.abs _section_cstart, $3  }
0xc1: {  	[dreg:$0x1] =	wrdreg $0xFFFFFFFF  }
0xc2: {  	_ =	task.clear_ibuf [dreg:s7], $0x2FFFF;
	_ =	strace $0x9FFFFFFF  }
0xc3: {  	(tm) =	ssettm $0x7FFFFFFF  }
tec
execute0_lowered:
.L_overlay_start_1:
0x0: {  	(tag) =	ssettag $0x1  }
0x1: {  	s5 =	rddreg [dreg:$0x0]  }
0x2: {  	s6 =	rddreg [dreg:$0x1]  }
0x3: {  	s1 =	rddreg [dreg:$0x2];
	s2 =	srdreg.scid  }
0x4: {  	s0 =	rddreg [dreg:$0x3];
	s3 =	simm.s32 $0x0;
	s15 =	simm.s32 $0x2800  }
0x5: {  	s16 =	simm.s32 $0x5000;
	s17 =	simm.s32 $0x80;
	s18 =	simm.s32 $0x1  }
0x6: {  	s21 =	simm.s32 $0x0;
	s7 =	sand.u32 $0x1, s2;
	s2 =	stileid.u32  }
0x7: {  	[smem:$0x7FF] =	sst s3;
	s4 =	sshll.u32 s7, $0x4;
	s8 =	smul.u32 $0x140000, s7  }
0x8: {  	s10 =	smul.u32 $0x14000, s2;
	_ =	strace $0x8000004A;
	s7 =	ssub.s32 $0x2, s7  }
0x9: {  	s30 =	smul.u32 $0x50000, s2;
	s19 =	sshll.u32 s2, $0x6;
	s9 =	sor.u32 s2, s4  }
0xa: {  	s4 =	sadd.s32 $0xF000, s5;
	s12 =	sshrl.u32 s7, $0x1;
	s19 =	sor.u32 $0x1C02, s19  }
0xb: {  	s9 =	smul.u32 $0x500, s9;
	s8 =	sadd.s32 s10, s8;
	s31 =	sshrl.u32 s30, $0x2  }
0xc: {  	s14 =	ssub.s32 s7, s12;
	s8 =	sshrl.u32 s8, $0x3;
	s7 =	sadd.s32 s31, s1  }
0xd: {  	s11 =	sadd.s32 s9, s5;
	s13 =	sadd.s32 s8, s5;
	s5 =	sadd.s32 s6, s9  }
0xe: {  	s8 =	sadd.s32 $0x4000, s7;
	s9 =	sadd.s32 $0x8000, s7;
	s10 =	sadd.s32 $0xC000, s7  }
0xf: {  	s20 =	sshrl.u32 s7, $0x3;
	s6 =	sadd.s32 $0x5000, s11;
	s11 =	sadd.s32 $0x10000, s7  }
0x10: {  	v0 =	vimm.f32 $0.0e+00;
	s12 =	sadd.s32 $0x36200, s13;
	s13 =	smax.u32 s14, $0x1;
	s14 =	simm.s32 $0x2  }
.LBB2_1:
0x11: {  	[tilespmem:s3], [sflag:$0x2] =	stream.linear.gather [hbm4b:s5+s3], $0x2780, $0x38;
	[tilespmem:$0x1D000] =	vst v63  }
0x12: {  	_ =	swait.ge [sflag:s14], $0x2780  }
0x13: {  	[sflag:s14] =	ssyncset.done $0x0  }
0x14: {  	[sflag:s14] =	ssyncadd.s32 $0xFFFFD880  }
0x15: {  	[tilespmem:s15], [sflag:$0x2] =	stream.linear.gather [hbm4b:s6+s3], $0x2780, $0x38;
	[tilespmem:$0x1D000] =	vst v63  }
0x16: {  	_ =	swait.ge [sflag:s14], $0x2780  }
0x17: {  	[sflag:s14] =	ssyncset.done $0x0  }
0x18: {  	s22 =	simm.s32 $0x0;
	s23 =	simm.s32 $0x200;
	[sflag:s14] =	ssyncadd.s32 $0xFFFFD880  }
.LBB2_2:
0x19: {  	p0 =	sne.s32 s23, $0xFE00;
	[tilespmem:s22+$0x5070] =	vst v0  }
0x1a: {  	[tilespmem:s22+$0x5000] =	vst v0  }
0x1b: {  	[tilespmem:s22+$0x5010] =	vst v0  }
.Ltmp0:
0x1c: {  	[tilespmem:s22+$0x5020] =	vst v0;
	(pc) =	sbr.rel @p0 .LBB2_2-.Ltmp0, $4  }
0x1d: {  	[tilespmem:s22+$0x5030] =	vst v0  }
0x1e: {  	[tilespmem:s22+$0x5040] =	vst v0  }
0x1f: {  	[tilespmem:s22+$0x5050] =	vst v0  }
0x20: {  	[tilespmem:s22+$0x5060] =	vst v0;
	s22 =	sshra.s32 s23, $0x2;
	s23 =	sadd.s32 $0x200, s23  }
0x21: {  	[tilespmem:s22+$0x5070] =	vst v0  }
0x22: {  	[tilespmem:s22+$0x5000] =	vst v0  }
0x23: {  	[tilespmem:s22+$0x5010] =	vst v0  }
0x24: {  	[tilespmem:s22+$0x5020] =	vst v0  }
0x25: {  	[tilespmem:s22+$0x5030] =	vst v0  }
0x26: {  	[tilespmem:s22+$0x5040] =	vst v0  }
0x27: {  	[tilespmem:s22+$0x5050] =	vst v0  }
0x28: {  	[tilespmem:s22+$0x5060] =	vst v0  }
0x29: {  	[spmem:s7] =	stream.linear.scatter [tilespmem:s16], [sflag:$0x2], $0x4000, $0x38;
	[tilespmem:$0x1D000] =	vst v63  }
0x2a: {  	_ =	swait.ge [sflag:s14], $0x4000  }
0x2b: {  	[sflag:s14] =	ssyncset.done $0x0  }
0x2c: {  	[sflag:s14] =	ssyncadd.s32 $0xFFFFC000  }
0x2d: {  	[spmem:s8] =	stream.linear.scatter [tilespmem:s16], [sflag:$0x2], $0x4000, $0x38;
	[tilespmem:$0x1D000] =	vst v63  }
0x2e: {  	_ =	swait.ge [sflag:s14], $0x4000  }
0x2f: {  	[sflag:s14] =	ssyncset.done $0x0  }
0x30: {  	[sflag:s14] =	ssyncadd.s32 $0xFFFFC000  }
0x31: {  	[spmem:s9] =	stream.linear.scatter [tilespmem:s16], [sflag:$0x2], $0x4000, $0x38;
	[tilespmem:$0x1D000] =	vst v63  }
0x32: {  	_ =	swait.ge [sflag:s14], $0x4000  }
0x33: {  	[sflag:s14] =	ssyncset.done $0x0  }
0x34: {  	[sflag:s14] =	ssyncadd.s32 $0xFFFFC000  }
0x35: {  	[spmem:s10] =	stream.linear.scatter [tilespmem:s16], [sflag:$0x2], $0x4000, $0x38;
	[tilespmem:$0x1D000] =	vst v63  }
0x36: {  	_ =	swait.ge [sflag:s14], $0x4000  }
0x37: {  	[sflag:s14] =	ssyncset.done $0x0  }
0x38: {  	[sflag:s14] =	ssyncadd.s32 $0xFFFFC000  }
0x39: {  	[spmem:s11] =	stream.linear.scatter [tilespmem:s16], [sflag:$0x2], $0x4000, $0x38;
	[tilespmem:$0x1D000] =	vst v63  }
0x3a: {  	_ =	swait.ge [sflag:s14], $0x4000  }
0x3b: {  	[sflag:s14] =	ssyncset.done $0x0  }
0x3c: {  	[sflag:s14] =	ssyncadd.s32 $0xFFFFC000  }
0x3d: {  	s30 =	simm.s32 $0x0;
	[bflag:$0x0] =	sbarrier.arrive $0xFFFF  }
0x3e: {  	[tilespmem:s16], [sflag:$0x1] =	stream.indirect.gather [hbm4b:s4+s17], $0x80, s30, s17, $0xb8;
	[tilespmem:$0x1D000] =	vst v63  }
0x3f: {  	_ =	swait.ge [sflag:s18], $0x4000  }
0x40: {  	[sflag:s18] =	ssyncset.done $0x0  }
0x41: {  	s31 =	simm.s32 $0x2800;
	[sflag:s18] =	ssyncadd.s32 $0xFFFFC000  }
0x42: {  	[spmem:s1] =	stream.indirect.scatter.add.f32 [tilespmem:s16], [sflag:$0x2], $0x80, s31, s17, $0xb8;
	[tilespmem:$0x1D000] =	vst v63  }
0x43: {  	_ =	swait.ge [sflag:s14], $0x4000  }
0x44: {  	s22 =	simm.s32 $0x200;
	s23 =	simm.s32 $0x400;
	[sflag:s14] =	ssyncset.done $0x0  }
.LBB2_4:
0x45: {  	s24 =	sshra.s32 s22, $0x2  }
0x46: {  	[sflag:s14] =	ssyncadd.s32 $0xFFFFC000;
	s22 =	smov.u32 s23;
	s25 =	sadd.s32 $0x200, s23  }
0x47: {  	[tilespmem:s16], [sflag:$0x1] =	stream.indirect.gather [hbm4b:s4+s17], $0x80, s24, s17, $0xb8;
	[tilespmem:$0x1D000] =	vst v63  }
0x48: {  	p0 =	sne.s32 s23, $0x9C00;
	_ =	swait.ge [sflag:s18], $0x4000  }
.Ltmp1:
0x49: {  	[sflag:s18] =	ssyncset.done $0x0;
	(pc) =	sbr.rel @p0 .LBB2_4-.Ltmp1, $4  }
0x4a: {  	s23 =	sadd.s32 $0x2800, s24;
	[sflag:s18] =	ssyncadd.s32 $0xFFFFC000  }
0x4b: {  	[spmem:s1] =	stream.indirect.scatter.add.f32 [tilespmem:s16], [sflag:$0x2], $0x80, s23, s17, $0xb8;
	[tilespmem:$0x1D000] =	vst v63  }
0x4c: {  	_ =	swait.ge [sflag:s14], $0x4000  }
0x4d: {  	s23 =	smov.u32 s25;
	[sflag:s14] =	ssyncset.done $0x0  }
0x4e: {  	s22 =	sshra.s32 s22, $0x2;
	[sflag:s14] =	ssyncadd.s32 $0xFFFFC000  }
0x4f: {  	[tilespmem:s16], [sflag:$0x1] =	stream.indirect.gather [hbm4b:s4+s17], $0x80, s22, s17, $0xb8;
	[tilespmem:$0x1D000] =	vst v63  }
0x50: {  	_ =	swait.ge [sflag:s18], $0x4000  }
0x51: {  	[sflag:s18] =	ssyncset.done $0x0  }
0x52: {  	s22 =	sadd.s32 $0x2800, s22;
	[sflag:s18] =	ssyncadd.s32 $0xFFFFC000  }
0x53: {  	[spmem:s1] =	stream.indirect.scatter.add.f32 [tilespmem:s16], [sflag:$0x2], $0x80, s22, s17, $0xb8;
	[tilespmem:$0x1D000] =	vst v63  }
0x54: {  	_ =	swait.ge [sflag:s14], $0x4000  }
0x55: {  	s21 =	sadd.s32 $0x1, s21;
	[sflag:s14] =	ssyncset.done $0x0  }
0x56: {  	p0 =	sne.s32 s21, s13;
	[sflag:s14] =	ssyncadd.s32 $0xFFFFC000  }
.Ltmp2:
0x57: {  	[bflag:$0x0] =	sbarrier.arrive $0xFFFF;
	(pc) =	sbr.rel @p0 .LBB2_1-.Ltmp2, $4  }
0x58: {  	[hbm:s12], [sflag:s19] =	dma.local [spmem:s20], $0x2800  }
0x59: {  	_ =	swait.ge [sflag:s14], $0x2800  }
0x5a: {  	[sflag:s14] =	ssyncset.done $0x0  }
0x5b: {  	[sflag:s14] =	ssyncadd.s32 $0xFFFFD800  }
0x5c: {  	_ =	sfence.sel $0x180000  }
0x5d: {  	[bflag:$0x0] =	sbarrier.arrive $0xFFFF  }
0x5e: {  	p0 =	sne.s32 s2, $0x0;
	_ =	strace $0x9000004A  }
0x5f: {  	s0 =	sadd.s32 @!p0 $0x100000, s0;
	[bflag:$0x2] =	sbarrier.arrive $0xFFFF  }
0x60: {  	[sflag:s0] =	ssyncadd.tile.s32 @!p0 $0x1;
	_ =	shalt  }
.Lfunc_end2:
_tile_overlayer_lowered:
.L_overlay_start_2:
0x61: {  	(tag) =	ssettag $0x2  }
0x62: {  	s0 =	rddreg [dreg:$0x0];
	s2 =	stileid.u32  }
0x63: {  	s1 =	rddreg [dreg:$0x1];
	p0 =	sne.s32 s2, $0x0  }
0x64: {  	s3 =	rddreg [dreg:$0x2];
	[bflag:$0x3] =	sbarrier.arrive $0xFFFF;
	s2 =	simm.s32 @!p0 $0x1C02  }
0x65: {  	[timem:s3], [sflag:s2] =	dma.local @!p0 [hbm:s0], s1  }
0x66: {  	s0 =	simm.s32 @!p0 $0x2  }
0x67: {  	_ =	swait.ge @!p0 [sflag:s0], s1  }
0x68: {  	s1 =	ssub.s32 @!p0 $0x0, s1;
	[sflag:s0] =	ssyncset.done @!p0 $0x0  }
0x69: {  	[sflag:s0] =	ssyncadd.s32 @!p0 s1  }
0x6a: {  	[bflag:$0x3] =	sbarrier.arrive $0xFFFF  }
0x6b: {  	_ =	shalt  }

// kernel: kernel.17.cloned.1.call-start
scs
__scs_entry_jumppad:
0x0: {  	(pc) =	sbr.rel $0x88, $3  }
0x1: {  	(tag) =	ssettag $0x0;
	lr =	simm.s32 $0x1  }
0x2: {  	[smem:$0x3F8B] =	sst lr;
	_ =	strace $0xD0000000  }
0x3: {  	_ = 	snop  }
0x4: {  	_ = 	snop  }
0x5: {  	_ = 	snop  }
0x6: {  	_ = 	snop  }
0x7: {  	_ = 	snop  }
__scs_overlays_trampoline_lowered:
0x8: {  	[smem:$0x3F9A] =	sst s0  }
0x9: {  	[smem:$0x3F9B] =	sst s1  }
0xa: {  	[smem:$0x3F9C] =	sst s2  }
0xb: {  	[smem:$0x3F9D] =	sst s3  }
0xc: {  	[smem:$0x3F9E] =	sst s4  }
0xd: {  	[smem:$0x3F9F] =	sst s5  }
0xe: {  	[smem:$0x3FA0] =	sst s6  }
0xf: {  	[smem:$0x3FA1] =	sst s7  }
0x10: {  	[smem:$0x3FA2] =	sst s8  }
0x11: {  	[smem:$0x3FA3] =	sst s9;
	s0 =	simm.s32 @!p0 $0x0  }
0x12: {  	s1 =	sld [smem:$0x3F89];
	s0 =	simm.s32 @p0 $0x1  }
0x13: {  	[smem:$0x3FA4] =	sst s0;
	s0 =	simm.s32 @!p1 $0x0  }
0x14: {  	s2 =	sld [smem:$0x3F88];
	s0 =	simm.s32 @p1 $0x1  }
0x15: {  	[smem:$0x3FA5] =	sst s0;
	s0 =	simm.s32 @!p2 $0x0  }
0x16: {  	s3 =	sld [smem:$0x3FDB];
	s0 =	simm.s32 @p2 $0x1  }
0x17: {  	s4 =	simm.s32 $0x1BF5;
	[smem:$0x3FA7] =	sst s0  }
0x18: {  	s0 =	sld [smem:$0x3F8A];
	_ =	swait.ge [sflag:s4], $0x0  }
0x19: {  	s7 =	sld [smem:$0x3F8B]  }
0x1a: {  	s8 =	sadd.s32 $0xFFFFE003, lr  }
0x1b: {  	s9 =	sadd.s32 $0xFFFFFEF7, lr;
	s5 =	simm.s32 $0xFFFFFFFF;
	p2 =	slt.u32 s8, $0xFFFFF086  }
0x1c: {  	p1 =	slt.u32 s9, $0xF7A;
	s5 =	simm.s32 @!p2 $0x0  }
0x1d: {  	s5 =	simm.s32 @p1 $0x1;
	p0 =	seq.s32 s7, s2  }
0x1e: {  	s7 =	smul.u32 @!p0 $0xF7A, s2;
	p2 =	seq.s32 @!p0 s5, $0x0  }
0x1f: {  	s9 =	smul.u32 $0xF7A, s1;
	s8 =	simm.s32 @!p0 $0x1BF5;
	p2 =	por !p2, p0  }
0x20: {  	[sflag:s8] =	ssyncset.s32 @!p0 $0xFFFFF086;
	s6 =	sadd.s32 @!p0 s3, s7;
	s7 =	simm.s32 @!p0 $0x108  }
0x21: {  	s3 =	sadd.s32 s3, s9;
	s6 =	sadd.s32 @!p0 $0x88, s6;
	s7 =	simm.s32 @p2 $0x1082  }
0x22: {  	[simem:s7], [sflag:s8] =	dma.local @!p0 [hbm:s6], $0xF7A  }
0x23: {  	s9 =	sor.u32 $0xD0000000, s2;
	s6 =	simm.s32 $0x108;
	_ =	swait.ge @!p0 [sflag:s8], $0x0  }
0x24: {  	s3 =	sadd.s32 $0x88, s3;
	s6 =	simm.s32 @!p1 $0x1082;
	[sflag:s4] =	ssyncset.s32 $0xFFFFF086  }
0x25: {  	[simem:s6], [sflag:s4] =	dma.local [hbm:s3], $0xF7A  }
0x26: {  	[smem:$0x3F8B] =	sst s1;
	(tag) =	ssettag s2;
	_ =	strace s9  }
0x27: {  	s1 =	sld [smem:$0x3F9B]  }
0x28: {  	s2 =	sld [smem:$0x3F9C]  }
0x29: {  	s4 =	sld [smem:$0x3F9E]  }
0x2a: {  	p0 =	seq.s32 s5, $0x0;
	s5 =	sld [smem:$0x3F9F]  }
0x2b: {  	s6 =	sld [smem:$0x3FA0]  }
0x2c: {  	s7 =	sld [smem:$0x3FA1]  }
0x2d: {  	s3 =	simm.s32 $0x108;
	s8 =	sld [smem:$0x3FA2]  }
0x2e: {  	s3 =	simm.s32 @!p0 $0x1082;
	s9 =	sld [smem:$0x3FA3]  }
0x2f: {  	lr =	sadd.s32 s0, s3;
	s0 =	sld [smem:$0x3F9A]  }
0x30: {  	s3 =	sld [smem:$0x3F9D]  }
0x31: {  	[smem:$0x3FA6] =	sst s10  }
0x32: {  	s10 =	sld [smem:$0x3FA4];
	_ =	sdelay $0x3  }
0x33: {  	p0 =	seq.s32 s10, $0x1;
	s10 =	sld [smem:$0x3FA6];
	_ =	sdelay $0x3  }
0x34: {  	[smem:$0x3FA6] =	sst s10  }
0x35: {  	s10 =	sld [smem:$0x3FA5];
	_ =	sdelay $0x3  }
0x36: {  	p1 =	seq.s32 s10, $0x1;
	s10 =	sld [smem:$0x3FA6];
	_ =	sdelay $0x3  }
0x37: {  	[smem:$0x3FA6] =	sst s10  }
0x38: {  	s10 =	sld [smem:$0x3FA7]  }
0x39: {  	_ = 	snop;
	(pc) =	sbr.ind lr, $3  }
0x3a: {  	_ = 	snop  }
0x3b: {  	_ = 	snop  }
0x3c: {  	p2 =	seq.s32 s10, $0x1;
	s10 =	sld [smem:$0x3FA6]  }
0x3d: {  	_ =	shalt  }
0x3e: {  	_ =	shalt  }
0x3f: {  	_ =	shalt  }
0x40: {  	_ =	shalt  }
0x41: {  	_ =	shalt  }
0x42: {  	_ =	shalt  }
0x43: {  	_ =	shalt  }
0x44: {  	_ =	shalt  }
0x45: {  	_ =	shalt  }
0x46: {  	_ =	shalt  }
0x47: {  	_ =	shalt  }
0x48: {  	_ =	shalt  }
0x49: {  	_ =	shalt  }
0x4a: {  	_ =	shalt  }
0x4b: {  	_ =	shalt  }
0x4c: {  	_ =	shalt  }
0x4d: {  	_ =	shalt  }
0x4e: {  	_ =	shalt  }
0x4f: {  	_ =	shalt  }
0x50: {  	_ =	shalt  }
0x51: {  	_ =	shalt  }
0x52: {  	_ =	shalt  }
0x53: {  	_ =	shalt  }
0x54: {  	_ =	shalt  }
0x55: {  	_ =	shalt  }
0x56: {  	_ =	shalt  }
0x57: {  	_ =	shalt  }
0x58: {  	_ =	shalt  }
0x59: {  	_ =	shalt  }
0x5a: {  	_ =	shalt  }
0x5b: {  	_ =	shalt  }
0x5c: {  	_ =	shalt  }
0x5d: {  	_ =	shalt  }
0x5e: {  	_ =	shalt  }
0x5f: {  	_ =	shalt  }
0x60: {  	_ =	shalt  }
0x61: {  	_ =	shalt  }
0x62: {  	_ =	shalt  }
0x63: {  	_ =	shalt  }
0x64: {  	_ =	shalt  }
0x65: {  	_ =	shalt  }
0x66: {  	_ =	shalt  }
0x67: {  	_ =	shalt  }
0x68: {  	_ =	shalt  }
0x69: {  	_ =	shalt  }
0x6a: {  	_ =	shalt  }
0x6b: {  	_ =	shalt  }
0x6c: {  	_ =	shalt  }
0x6d: {  	_ =	shalt  }
0x6e: {  	_ =	shalt  }
0x6f: {  	_ =	shalt  }
0x70: {  	_ =	shalt  }
0x71: {  	_ =	shalt  }
0x72: {  	_ =	shalt  }
0x73: {  	_ =	shalt  }
0x74: {  	_ =	shalt  }
0x75: {  	_ =	shalt  }
0x76: {  	_ =	shalt  }
0x77: {  	_ =	shalt  }
0x78: {  	_ =	shalt  }
0x79: {  	_ =	shalt  }
0x7a: {  	_ =	shalt  }
0x7b: {  	_ =	shalt  }
0x7c: {  	_ =	shalt  }
0x7d: {  	_ =	shalt  }
0x7e: {  	_ =	shalt  }
0x7f: {  	_ =	shalt  }
0x80: {  	_ =	shalt  }
0x81: {  	_ =	shalt  }
0x82: {  	_ =	shalt  }
0x83: {  	_ =	shalt  }
0x84: {  	_ =	shalt  }
0x85: {  	_ =	shalt  }
0x86: {  	_ =	shalt  }
0x87: {  	_ =	shalt  }
.Lfunc_end0:
.L_simem_size_0:
called_computation.2_lowered:
.L_overlay_start_0:
0x88: {  	s2 =	sld [smem:$0x3FD9]  }
0x89: {  	s3 =	sld [smem:$0x3FFE];
	_ =	sdelay $0x1  }
0x8a: {  	s1 =	srdreg.scid  }
0x8b: {  	s0 =	sand.u32 $0x1, s1  }
0x8c: {  	s17 =	sshll.u32 s0, $0xA;
	s2 =	sadd.s32 s3, s2  }
0x8d: {  	s2 =	sadd.s32 s2, s17  }
0x8e: {  	[smem:$0x3FB2] =	sst s2  }
0x8f: {  	_ = 	snop  }
0x90: {  	s2 =	sld [smem:$0x3FD0];
	(tm) =	ssettm $0x1  }
0x91: {  	s18 =	sld [smem:$0x3FFB];
	_ =	sdelay $0x3  }
0x92: {  	_ =	strace s18  }
0x93: {  	s3 =	sld [smem:$0x3FFC];
	_ =	sdelay $0x3  }
0x94: {  	_ =	strace s3  }
0x95: {  	s3 =	sld [smem:$0x3FFD];
	_ =	sdelay $0x3  }
0x96: {  	_ =	strace s3  }
0x97: {  	_ =	strace $0x8FFFFFFF  }
0x98: {  	s19 =	sld [smem:$0x3FDB];
	_ =	sdelay $0x1  }
0x99: {  	s4 =	simm.s32 $_scs_section_size  }
0x9a: {  	s5 =	simm.s32 $_size__tile_overlayer_lowered;
	s6 =	simm.s32 $_tile_overlayer_lowered  }
0x9b: {  	s22 =	simm.s32 $0x1BFF;
	s21 =	sshll.u32 s6, $0x1;
	s3 =	sadd.s32 s4, s19  }
0x9c: {  	s7 =	simm.s32 $0x0;
	s20 =	sshll.u32 s5, $0x1;
	s5 =	sadd.s32 s21, s3  }
0x9d: {  	[timem:s7], [sflag:s22] =	dma.local [hbm:s5], s20  }
0x9e: {  	_ =	swait.ge [sflag:s22], s20  }
0x9f: {  	s4 =	ssub.s32 $0x0, s20;
	[sflag:s22] =	ssyncset.done $0x0  }
0xa0: {  	[sflag:s22] =	ssyncadd.s32 s4;
	_ =	sdelay $0x1  }
0xa1: {  	s23 =	simm.s32 $0x1B8B  }
0xa2: {  	_ =	swait.ge [sflag:s23], $0x1  }
0xa3: {  	[sflag:s23] =	ssyncset.done $0x0  }
0xa4: {  	s25 =	simm.s32 $0x1B8E;
	s24 =	sld [smem:$0x3FFE];
	[sflag:s23] =	ssyncadd.s32 $0xFFFFFFFF  }
0xa5: {  	s26 =	simm.s32 $execute0_lowered;
	[smem:$0x3FD2] =	sst s25  }
0xa6: {  	s5 =	sshll.u32 s26, $0x1;
	_ =	strace $0x8000004C;
	[dreg:$0x1] =	wrdreg $0xFFFFFFFF  }
0xa7: {  	s28 =	simm.s32 $_size_execute0_lowered;
	s3 =	sadd.s32 s3, s5;
	[dreg:$0x0] =	wrdreg $0x0  }
0xa8: {  	s5 =	sshll.u32 s28, $0x1;
	[dreg:$0x2] =	wrdreg s3  }
0xa9: {  	[dreg:$0x3] =	wrdreg s5  }
0xaa: {  	[dreg:$0x4] =	wrdreg $0xC0  }
0xab: {  	_ =	task [dreg:s7], $0x5FFFF  }
0xac: {  	[dreg:$0x1] =	wrdreg $0xFFFFFFFF  }
0xad: {  	[dreg:$0x0] =	wrdreg $0x60  }
0xae: {  	[dreg:$0x2] =	wrdreg s24  }
0xaf: {  	[dreg:$0x3] =	wrdreg s2  }
0xb0: {  	[dreg:$0x4] =	wrdreg $0x90000  }
0xb1: {  	[dreg:$0x5] =	wrdreg $0x9  }
0xb2: {  	_ =	task.clear_ibuf [dreg:s7], $0x6FFFF;
	_ =	strace $0x9000004C  }
0xb3: {  	s29 =	simm.s32 $0x9;
	_ =	strace $0x8000004E  }
0xb4: {  	_ =	swait.ge [sflag:s29], $0x1  }
0xb5: {  	[sflag:s29] =	ssyncadd.s32 $0xFFFFFFFF  }
0xb6: {  	_ =	strace $0x9000004E  }
0xb7: {  	_ =	sfence  }
0xb8: {  	s30 =	sld [smem:$0x0];
	_ =	sdelay $0x2  }
0xb9: {  	s31 =	sshll.u32 s1, $0xD;
	s1 =	sshrl.u32 s1, $0x2  }
0xba: {  	s3 =	sand.u32 $0x4000, s31;
	s1 =	sadd.s32 s1, s30  }
0xbb: {  	s0 =	sor.u32 s3, s0;
	s1 =	sshll.u32 s1, $0x11  }
0xbc: {  	s0 =	sor.u32 s1, s0  }
0xbd: {  	s0 =	sadd.s32 $0x8F2B, s0  }
0xbe: {  	[sflag:s0] =	ssyncadd.remote.s32 $0x1  }
0xbf: {  	_ =	sfence.sel $0xFFFF  }
0xc0: {  	[dreg:$0x0] =	wrdreg $0xFFFFFFFF;
	(pc) =	sbr.abs _section_cstart, $3  }
0xc1: {  	[dreg:$0x1] =	wrdreg $0xFFFFFFFF  }
0xc2: {  	_ =	task.clear_ibuf [dreg:s7], $0x2FFFF;
	_ =	strace $0x9FFFFFFF  }
0xc3: {  	(tm) =	ssettm $0x7FFFFFFF  }
tec
execute0_lowered:
.L_overlay_start_1:
0x0: {  	(tag) =	ssettag $0x1  }
0x1: {  	s5 =	rddreg [dreg:$0x0]  }
0x2: {  	s6 =	rddreg [dreg:$0x1]  }
0x3: {  	s1 =	rddreg [dreg:$0x2];
	s2 =	srdreg.scid  }
0x4: {  	s0 =	rddreg [dreg:$0x3];
	s3 =	simm.s32 $0x0;
	s15 =	simm.s32 $0x2800  }
0x5: {  	s16 =	simm.s32 $0x5000;
	s17 =	simm.s32 $0x80;
	s18 =	simm.s32 $0x1  }
0x6: {  	s21 =	simm.s32 $0x0;
	s7 =	sand.u32 $0x1, s2;
	s2 =	stileid.u32  }
0x7: {  	[smem:$0x7FF] =	sst s3;
	s4 =	sshll.u32 s7, $0x4;
	s8 =	smul.u32 $0x140000, s7  }
0x8: {  	s10 =	smul.u32 $0x14000, s2;
	_ =	strace $0x8000004D;
	s7 =	ssub.s32 $0x2, s7  }
0x9: {  	s30 =	smul.u32 $0x50000, s2;
	s19 =	sshll.u32 s2, $0x6;
	s9 =	sor.u32 s2, s4  }
0xa: {  	s4 =	sadd.s32 $0xF000, s5;
	s12 =	sshrl.u32 s7, $0x1;
	s19 =	sor.u32 $0x1C02, s19  }
0xb: {  	s9 =	smul.u32 $0x500, s9;
	s8 =	sadd.s32 s10, s8;
	s31 =	sshrl.u32 s30, $0x2  }
0xc: {  	s14 =	ssub.s32 s7, s12;
	s8 =	sshrl.u32 s8, $0x3;
	s7 =	sadd.s32 s31, s1  }
0xd: {  	s11 =	sadd.s32 s9, s5;
	s13 =	sadd.s32 s8, s5;
	s5 =	sadd.s32 s6, s9  }
0xe: {  	s8 =	sadd.s32 $0x4000, s7;
	s9 =	sadd.s32 $0x8000, s7;
	s10 =	sadd.s32 $0xC000, s7  }
0xf: {  	s20 =	sshrl.u32 s7, $0x3;
	s6 =	sadd.s32 $0x5000, s11;
	s11 =	sadd.s32 $0x10000, s7  }
0x10: {  	v0 =	vimm.f32 $0.0e+00;
	s12 =	sadd.s32 $0x36200, s13;
	s13 =	smax.u32 s14, $0x1;
	s14 =	simm.s32 $0x2  }
.LBB2_1:
0x11: {  	[tilespmem:s3], [sflag:$0x2] =	stream.linear.gather [hbm4b:s5+s3], $0x2780, $0x38;
	[tilespmem:$0x1D000] =	vst v63  }
0x12: {  	_ =	swait.ge [sflag:s14], $0x2780  }
0x13: {  	[sflag:s14] =	ssyncset.done $0x0  }
0x14: {  	[sflag:s14] =	ssyncadd.s32 $0xFFFFD880  }
0x15: {  	[tilespmem:s15], [sflag:$0x2] =	stream.linear.gather [hbm4b:s6+s3], $0x2780, $0x38;
	[tilespmem:$0x1D000] =	vst v63  }
0x16: {  	_ =	swait.ge [sflag:s14], $0x2780  }
0x17: {  	[sflag:s14] =	ssyncset.done $0x0  }
0x18: {  	s22 =	simm.s32 $0x0;
	s23 =	simm.s32 $0x200;
	[sflag:s14] =	ssyncadd.s32 $0xFFFFD880  }
.LBB2_2:
0x19: {  	p0 =	sne.s32 s23, $0xFE00;
	[tilespmem:s22+$0x5070] =	vst v0  }
0x1a: {  	[tilespmem:s22+$0x5000] =	vst v0  }
0x1b: {  	[tilespmem:s22+$0x5010] =	vst v0  }
.Ltmp0:
0x1c: {  	[tilespmem:s22+$0x5020] =	vst v0;
	(pc) =	sbr.rel @p0 .LBB2_2-.Ltmp0, $4  }
0x1d: {  	[tilespmem:s22+$0x5030] =	vst v0  }
0x1e: {  	[tilespmem:s22+$0x5040] =	vst v0  }
0x1f: {  	[tilespmem:s22+$0x5050] =	vst v0  }
0x20: {  	[tilespmem:s22+$0x5060] =	vst v0;
	s22 =	sshra.s32 s23, $0x2;
	s23 =	sadd.s32 $0x200, s23  }
0x21: {  	[tilespmem:s22+$0x5070] =	vst v0  }
0x22: {  	[tilespmem:s22+$0x5000] =	vst v0  }
0x23: {  	[tilespmem:s22+$0x5010] =	vst v0  }
0x24: {  	[tilespmem:s22+$0x5020] =	vst v0  }
0x25: {  	[tilespmem:s22+$0x5030] =	vst v0  }
0x26: {  	[tilespmem:s22+$0x5040] =	vst v0  }
0x27: {  	[tilespmem:s22+$0x5050] =	vst v0  }
0x28: {  	[tilespmem:s22+$0x5060] =	vst v0  }
0x29: {  	[spmem:s7] =	stream.linear.scatter [tilespmem:s16], [sflag:$0x2], $0x4000, $0x38;
	[tilespmem:$0x1D000] =	vst v63  }
0x2a: {  	_ =	swait.ge [sflag:s14], $0x4000  }
0x2b: {  	[sflag:s14] =	ssyncset.done $0x0  }
0x2c: {  	[sflag:s14] =	ssyncadd.s32 $0xFFFFC000  }
0x2d: {  	[spmem:s8] =	stream.linear.scatter [tilespmem:s16], [sflag:$0x2], $0x4000, $0x38;
	[tilespmem:$0x1D000] =	vst v63  }
0x2e: {  	_ =	swait.ge [sflag:s14], $0x4000  }
0x2f: {  	[sflag:s14] =	ssyncset.done $0x0  }
0x30: {  	[sflag:s14] =	ssyncadd.s32 $0xFFFFC000  }
0x31: {  	[spmem:s9] =	stream.linear.scatter [tilespmem:s16], [sflag:$0x2], $0x4000, $0x38;
	[tilespmem:$0x1D000] =	vst v63  }
0x32: {  	_ =	swait.ge [sflag:s14], $0x4000  }
0x33: {  	[sflag:s14] =	ssyncset.done $0x0  }
0x34: {  	[sflag:s14] =	ssyncadd.s32 $0xFFFFC000  }
0x35: {  	[spmem:s10] =	stream.linear.scatter [tilespmem:s16], [sflag:$0x2], $0x4000, $0x38;
	[tilespmem:$0x1D000] =	vst v63  }
0x36: {  	_ =	swait.ge [sflag:s14], $0x4000  }
0x37: {  	[sflag:s14] =	ssyncset.done $0x0  }
0x38: {  	[sflag:s14] =	ssyncadd.s32 $0xFFFFC000  }
0x39: {  	[spmem:s11] =	stream.linear.scatter [tilespmem:s16], [sflag:$0x2], $0x4000, $0x38;
	[tilespmem:$0x1D000] =	vst v63  }
0x3a: {  	_ =	swait.ge [sflag:s14], $0x4000  }
0x3b: {  	[sflag:s14] =	ssyncset.done $0x0  }
0x3c: {  	[sflag:s14] =	ssyncadd.s32 $0xFFFFC000  }
0x3d: {  	s30 =	simm.s32 $0x0;
	[bflag:$0x0] =	sbarrier.arrive $0xFFFF  }
0x3e: {  	[tilespmem:s16], [sflag:$0x1] =	stream.indirect.gather [hbm4b:s4+s17], $0x80, s30, s17, $0xb8;
	[tilespmem:$0x1D000] =	vst v63  }
0x3f: {  	_ =	swait.ge [sflag:s18], $0x4000  }
0x40: {  	[sflag:s18] =	ssyncset.done $0x0  }
0x41: {  	s31 =	simm.s32 $0x2800;
	[sflag:s18] =	ssyncadd.s32 $0xFFFFC000  }
0x42: {  	[spmem:s1] =	stream.indirect.scatter.add.f32 [tilespmem:s16], [sflag:$0x2], $0x80, s31, s17, $0xb8;
	[tilespmem:$0x1D000] =	vst v63  }
0x43: {  	_ =	swait.ge [sflag:s14], $0x4000  }
0x44: {  	s22 =	simm.s32 $0x200;
	s23 =	simm.s32 $0x400;
	[sflag:s14] =	ssyncset.done $0x0  }
.LBB2_4:
0x45: {  	s24 =	sshra.s32 s22, $0x2  }
0x46: {  	[sflag:s14] =	ssyncadd.s32 $0xFFFFC000;
	s22 =	smov.u32 s23;
	s25 =	sadd.s32 $0x200, s23  }
0x47: {  	[tilespmem:s16], [sflag:$0x1] =	stream.indirect.gather [hbm4b:s4+s17], $0x80, s24, s17, $0xb8;
	[tilespmem:$0x1D000] =	vst v63  }
0x48: {  	p0 =	sne.s32 s23, $0x9C00;
	_ =	swait.ge [sflag:s18], $0x4000  }
.Ltmp1:
0x49: {  	[sflag:s18] =	ssyncset.done $0x0;
	(pc) =	sbr.rel @p0 .LBB2_4-.Ltmp1, $4  }
0x4a: {  	s23 =	sadd.s32 $0x2800, s24;
	[sflag:s18] =	ssyncadd.s32 $0xFFFFC000  }
0x4b: {  	[spmem:s1] =	stream.indirect.scatter.add.f32 [tilespmem:s16], [sflag:$0x2], $0x80, s23, s17, $0xb8;
	[tilespmem:$0x1D000] =	vst v63  }
0x4c: {  	_ =	swait.ge [sflag:s14], $0x4000  }
0x4d: {  	s23 =	smov.u32 s25;
	[sflag:s14] =	ssyncset.done $0x0  }
0x4e: {  	s22 =	sshra.s32 s22, $0x2;
	[sflag:s14] =	ssyncadd.s32 $0xFFFFC000  }
0x4f: {  	[tilespmem:s16], [sflag:$0x1] =	stream.indirect.gather [hbm4b:s4+s17], $0x80, s22, s17, $0xb8;
	[tilespmem:$0x1D000] =	vst v63  }
0x50: {  	_ =	swait.ge [sflag:s18], $0x4000  }
0x51: {  	[sflag:s18] =	ssyncset.done $0x0  }
0x52: {  	s22 =	sadd.s32 $0x2800, s22;
	[sflag:s18] =	ssyncadd.s32 $0xFFFFC000  }
0x53: {  	[spmem:s1] =	stream.indirect.scatter.add.f32 [tilespmem:s16], [sflag:$0x2], $0x80, s22, s17, $0xb8;
	[tilespmem:$0x1D000] =	vst v63  }
0x54: {  	_ =	swait.ge [sflag:s14], $0x4000  }
0x55: {  	s21 =	sadd.s32 $0x1, s21;
	[sflag:s14] =	ssyncset.done $0x0  }
0x56: {  	p0 =	sne.s32 s21, s13;
	[sflag:s14] =	ssyncadd.s32 $0xFFFFC000  }
.Ltmp2:
0x57: {  	[bflag:$0x0] =	sbarrier.arrive $0xFFFF;
	(pc) =	sbr.rel @p0 .LBB2_1-.Ltmp2, $4  }
0x58: {  	[hbm:s12], [sflag:s19] =	dma.local [spmem:s20], $0x2800  }
0x59: {  	_ =	swait.ge [sflag:s14], $0x2800  }
0x5a: {  	[sflag:s14] =	ssyncset.done $0x0  }
0x5b: {  	[sflag:s14] =	ssyncadd.s32 $0xFFFFD800  }
0x5c: {  	_ =	sfence.sel $0x180000  }
0x5d: {  	[bflag:$0x0] =	sbarrier.arrive $0xFFFF  }
0x5e: {  	p0 =	sne.s32 s2, $0x0;
	_ =	strace $0x9000004D  }
0x5f: {  	s0 =	sadd.s32 @!p0 $0x100000, s0;
	[bflag:$0x2] =	sbarrier.arrive $0xFFFF  }
0x60: {  	[sflag:s0] =	ssyncadd.tile.s32 @!p0 $0x1;
	_ =	shalt  }
.Lfunc_end2:
_tile_overlayer_lowered:
.L_overlay_start_2:
0x61: {  	(tag) =	ssettag $0x2  }
0x62: {  	s0 =	rddreg [dreg:$0x0];
	s2 =	stileid.u32  }
0x63: {  	s1 =	rddreg [dreg:$0x1];
	p0 =	sne.s32 s2, $0x0  }
0x64: {  	s3 =	rddreg [dreg:$0x2];
	[bflag:$0x3] =	sbarrier.arrive $0xFFFF;
	s2 =	simm.s32 @!p0 $0x1C02  }
0x65: {  	[timem:s3], [sflag:s2] =	dma.local @!p0 [hbm:s0], s1  }
0x66: {  	s0 =	simm.s32 @!p0 $0x2  }
0x67: {  	_ =	swait.ge @!p0 [sflag:s0], s1  }
0x68: {  	s1 =	ssub.s32 @!p0 $0x0, s1;
	[sflag:s0] =	ssyncset.done @!p0 $0x0  }
0x69: {  	[sflag:s0] =	ssyncadd.s32 @!p0 s1  }
0x6a: {  	[bflag:$0x3] =	sbarrier.arrive $0xFFFF  }
0x6b: {  	_ =	shalt  }

// kernel: kernel.20.cloned.1.call-start
scs
__scs_entry_jumppad:
0x0: {  	(pc) =	sbr.rel $0x88, $3  }
0x1: {  	(tag) =	ssettag $0x0;
	lr =	simm.s32 $0x1  }
0x2: {  	[smem:$0x3F8B] =	sst lr;
	_ =	strace $0xD0000000  }
0x3: {  	_ = 	snop  }
0x4: {  	_ = 	snop  }
0x5: {  	_ = 	snop  }
0x6: {  	_ = 	snop  }
0x7: {  	_ = 	snop  }
__scs_overlays_trampoline_lowered:
0x8: {  	[smem:$0x3F9A] =	sst s0  }
0x9: {  	[smem:$0x3F9B] =	sst s1  }
0xa: {  	[smem:$0x3F9C] =	sst s2  }
0xb: {  	[smem:$0x3F9D] =	sst s3  }
0xc: {  	[smem:$0x3F9E] =	sst s4  }
0xd: {  	[smem:$0x3F9F] =	sst s5  }
0xe: {  	[smem:$0x3FA0] =	sst s6  }
0xf: {  	[smem:$0x3FA1] =	sst s7  }
0x10: {  	[smem:$0x3FA2] =	sst s8  }
0x11: {  	[smem:$0x3FA3] =	sst s9;
	s0 =	simm.s32 @!p0 $0x0  }
0x12: {  	s1 =	sld [smem:$0x3F89];
	s0 =	simm.s32 @p0 $0x1  }
0x13: {  	[smem:$0x3FA4] =	sst s0;
	s0 =	simm.s32 @!p1 $0x0  }
0x14: {  	s2 =	sld [smem:$0x3F88];
	s0 =	simm.s32 @p1 $0x1  }
0x15: {  	[smem:$0x3FA5] =	sst s0;
	s0 =	simm.s32 @!p2 $0x0  }
0x16: {  	s3 =	sld [smem:$0x3FDB];
	s0 =	simm.s32 @p2 $0x1  }
0x17: {  	s4 =	simm.s32 $0x1BF5;
	[smem:$0x3FA7] =	sst s0  }
0x18: {  	s0 =	sld [smem:$0x3F8A];
	_ =	swait.ge [sflag:s4], $0x0  }
0x19: {  	s7 =	sld [smem:$0x3F8B]  }
0x1a: {  	s8 =	sadd.s32 $0xFFFFE003, lr  }
0x1b: {  	s9 =	sadd.s32 $0xFFFFFEF7, lr;
	s5 =	simm.s32 $0xFFFFFFFF;
	p2 =	slt.u32 s8, $0xFFFFF086  }
0x1c: {  	p1 =	slt.u32 s9, $0xF7A;
	s5 =	simm.s32 @!p2 $0x0  }
0x1d: {  	s5 =	simm.s32 @p1 $0x1;
	p0 =	seq.s32 s7, s2  }
0x1e: {  	s7 =	smul.u32 @!p0 $0xF7A, s2;
	p2 =	seq.s32 @!p0 s5, $0x0  }
0x1f: {  	s9 =	smul.u32 $0xF7A, s1;
	s8 =	simm.s32 @!p0 $0x1BF5;
	p2 =	por !p2, p0  }
0x20: {  	[sflag:s8] =	ssyncset.s32 @!p0 $0xFFFFF086;
	s6 =	sadd.s32 @!p0 s3, s7;
	s7 =	simm.s32 @!p0 $0x108  }
0x21: {  	s3 =	sadd.s32 s3, s9;
	s6 =	sadd.s32 @!p0 $0x88, s6;
	s7 =	simm.s32 @p2 $0x1082  }
0x22: {  	[simem:s7], [sflag:s8] =	dma.local @!p0 [hbm:s6], $0xF7A  }
0x23: {  	s9 =	sor.u32 $0xD0000000, s2;
	s6 =	simm.s32 $0x108;
	_ =	swait.ge @!p0 [sflag:s8], $0x0  }
0x24: {  	s3 =	sadd.s32 $0x88, s3;
	s6 =	simm.s32 @!p1 $0x1082;
	[sflag:s4] =	ssyncset.s32 $0xFFFFF086  }
0x25: {  	[simem:s6], [sflag:s4] =	dma.local [hbm:s3], $0xF7A  }
0x26: {  	[smem:$0x3F8B] =	sst s1;
	(tag) =	ssettag s2;
	_ =	strace s9  }
0x27: {  	s1 =	sld [smem:$0x3F9B]  }
0x28: {  	s2 =	sld [smem:$0x3F9C]  }
0x29: {  	s4 =	sld [smem:$0x3F9E]  }
0x2a: {  	p0 =	seq.s32 s5, $0x0;
	s5 =	sld [smem:$0x3F9F]  }
0x2b: {  	s6 =	sld [smem:$0x3FA0]  }
0x2c: {  	s7 =	sld [smem:$0x3FA1]  }
0x2d: {  	s3 =	simm.s32 $0x108;
	s8 =	sld [smem:$0x3FA2]  }
0x2e: {  	s3 =	simm.s32 @!p0 $0x1082;
	s9 =	sld [smem:$0x3FA3]  }
0x2f: {  	lr =	sadd.s32 s0, s3;
	s0 =	sld [smem:$0x3F9A]  }
0x30: {  	s3 =	sld [smem:$0x3F9D]  }
0x31: {  	[smem:$0x3FA6] =	sst s10  }
0x32: {  	s10 =	sld [smem:$0x3FA4];
	_ =	sdelay $0x3  }
0x33: {  	p0 =	seq.s32 s10, $0x1;
	s10 =	sld [smem:$0x3FA6];
	_ =	sdelay $0x3  }
0x34: {  	[smem:$0x3FA6] =	sst s10  }
0x35: {  	s10 =	sld [smem:$0x3FA5];
	_ =	sdelay $0x3  }
0x36: {  	p1 =	seq.s32 s10, $0x1;
	s10 =	sld [smem:$0x3FA6];
	_ =	sdelay $0x3  }
0x37: {  	[smem:$0x3FA6] =	sst s10  }
0x38: {  	s10 =	sld [smem:$0x3FA7]  }
0x39: {  	_ = 	snop;
	(pc) =	sbr.ind lr, $3  }
0x3a: {  	_ = 	snop  }
0x3b: {  	_ = 	snop  }
0x3c: {  	p2 =	seq.s32 s10, $0x1;
	s10 =	sld [smem:$0x3FA6]  }
0x3d: {  	_ =	shalt  }
0x3e: {  	_ =	shalt  }
0x3f: {  	_ =	shalt  }
0x40: {  	_ =	shalt  }
0x41: {  	_ =	shalt  }
0x42: {  	_ =	shalt  }
0x43: {  	_ =	shalt  }
0x44: {  	_ =	shalt  }
0x45: {  	_ =	shalt  }
0x46: {  	_ =	shalt  }
0x47: {  	_ =	shalt  }
0x48: {  	_ =	shalt  }
0x49: {  	_ =	shalt  }
0x4a: {  	_ =	shalt  }
0x4b: {  	_ =	shalt  }
0x4c: {  	_ =	shalt  }
0x4d: {  	_ =	shalt  }
0x4e: {  	_ =	shalt  }
0x4f: {  	_ =	shalt  }
0x50: {  	_ =	shalt  }
0x51: {  	_ =	shalt  }
0x52: {  	_ =	shalt  }
0x53: {  	_ =	shalt  }
0x54: {  	_ =	shalt  }
0x55: {  	_ =	shalt  }
0x56: {  	_ =	shalt  }
0x57: {  	_ =	shalt  }
0x58: {  	_ =	shalt  }
0x59: {  	_ =	shalt  }
0x5a: {  	_ =	shalt  }
0x5b: {  	_ =	shalt  }
0x5c: {  	_ =	shalt  }
0x5d: {  	_ =	shalt  }
0x5e: {  	_ =	shalt  }
0x5f: {  	_ =	shalt  }
0x60: {  	_ =	shalt  }
0x61: {  	_ =	shalt  }
0x62: {  	_ =	shalt  }
0x63: {  	_ =	shalt  }
0x64: {  	_ =	shalt  }
0x65: {  	_ =	shalt  }
0x66: {  	_ =	shalt  }
0x67: {  	_ =	shalt  }
0x68: {  	_ =	shalt  }
0x69: {  	_ =	shalt  }
0x6a: {  	_ =	shalt  }
0x6b: {  	_ =	shalt  }
0x6c: {  	_ =	shalt  }
0x6d: {  	_ =	shalt  }
0x6e: {  	_ =	shalt  }
0x6f: {  	_ =	shalt  }
0x70: {  	_ =	shalt  }
0x71: {  	_ =	shalt  }
0x72: {  	_ =	shalt  }
0x73: {  	_ =	shalt  }
0x74: {  	_ =	shalt  }
0x75: {  	_ =	shalt  }
0x76: {  	_ =	shalt  }
0x77: {  	_ =	shalt  }
0x78: {  	_ =	shalt  }
0x79: {  	_ =	shalt  }
0x7a: {  	_ =	shalt  }
0x7b: {  	_ =	shalt  }
0x7c: {  	_ =	shalt  }
0x7d: {  	_ =	shalt  }
0x7e: {  	_ =	shalt  }
0x7f: {  	_ =	shalt  }
0x80: {  	_ =	shalt  }
0x81: {  	_ =	shalt  }
0x82: {  	_ =	shalt  }
0x83: {  	_ =	shalt  }
0x84: {  	_ =	shalt  }
0x85: {  	_ =	shalt  }
0x86: {  	_ =	shalt  }
0x87: {  	_ =	shalt  }
.Lfunc_end0:
.L_simem_size_0:
called_computation.3_lowered:
.L_overlay_start_0:
0x88: {  	s2 =	sld [smem:$0x3FD9]  }
0x89: {  	s3 =	sld [smem:$0x3FFE];
	_ =	sdelay $0x1  }
0x8a: {  	s1 =	srdreg.scid  }
0x8b: {  	s0 =	sand.u32 $0x1, s1  }
0x8c: {  	s17 =	sshll.u32 s0, $0xA;
	s2 =	sadd.s32 s3, s2  }
0x8d: {  	s2 =	sadd.s32 s2, s17  }
0x8e: {  	[smem:$0x3FB2] =	sst s2  }
0x8f: {  	_ = 	snop  }
0x90: {  	s2 =	sld [smem:$0x3FD0];
	(tm) =	ssettm $0x1  }
0x91: {  	s18 =	sld [smem:$0x3FFB];
	_ =	sdelay $0x3  }
0x92: {  	_ =	strace s18  }
0x93: {  	s3 =	sld [smem:$0x3FFC];
	_ =	sdelay $0x3  }
0x94: {  	_ =	strace s3  }
0x95: {  	s3 =	sld [smem:$0x3FFD];
	_ =	sdelay $0x3  }
0x96: {  	_ =	strace s3  }
0x97: {  	_ =	strace $0x8FFFFFFF  }
0x98: {  	s19 =	sld [smem:$0x3FDB];
	_ =	sdelay $0x1  }
0x99: {  	s4 =	simm.s32 $_scs_section_size  }
0x9a: {  	s5 =	simm.s32 $_size__tile_overlayer_lowered;
	s6 =	simm.s32 $_tile_overlayer_lowered  }
0x9b: {  	s22 =	simm.s32 $0x1BFF;
	s21 =	sshll.u32 s6, $0x1;
	s3 =	sadd.s32 s4, s19  }
0x9c: {  	s7 =	simm.s32 $0x0;
	s20 =	sshll.u32 s5, $0x1;
	s5 =	sadd.s32 s21, s3  }
0x9d: {  	[timem:s7], [sflag:s22] =	dma.local [hbm:s5], s20  }
0x9e: {  	_ =	swait.ge [sflag:s22], s20  }
0x9f: {  	s4 =	ssub.s32 $0x0, s20;
	[sflag:s22] =	ssyncset.done $0x0  }
0xa0: {  	[sflag:s22] =	ssyncadd.s32 s4;
	_ =	sdelay $0x1  }
0xa1: {  	s23 =	simm.s32 $0x1B8B  }
0xa2: {  	_ =	swait.ge [sflag:s23], $0x1  }
0xa3: {  	[sflag:s23] =	ssyncset.done $0x0  }
0xa4: {  	s25 =	simm.s32 $0x1B8E;
	s24 =	sld [smem:$0x3FFE];
	[sflag:s23] =	ssyncadd.s32 $0xFFFFFFFF  }
0xa5: {  	s26 =	simm.s32 $execute0_lowered;
	[smem:$0x3FD2] =	sst s25  }
0xa6: {  	s5 =	sshll.u32 s26, $0x1;
	_ =	strace $0x8000004F;
	[dreg:$0x1] =	wrdreg $0xFFFFFFFF  }
0xa7: {  	s28 =	simm.s32 $_size_execute0_lowered;
	s3 =	sadd.s32 s3, s5;
	[dreg:$0x0] =	wrdreg $0x0  }
0xa8: {  	s5 =	sshll.u32 s28, $0x1;
	[dreg:$0x2] =	wrdreg s3  }
0xa9: {  	[dreg:$0x3] =	wrdreg s5  }
0xaa: {  	[dreg:$0x4] =	wrdreg $0xC0  }
0xab: {  	_ =	task [dreg:s7], $0x5FFFF  }
0xac: {  	[dreg:$0x1] =	wrdreg $0xFFFFFFFF  }
0xad: {  	[dreg:$0x0] =	wrdreg $0x60  }
0xae: {  	[dreg:$0x2] =	wrdreg s24  }
0xaf: {  	[dreg:$0x3] =	wrdreg s2  }
0xb0: {  	[dreg:$0x4] =	wrdreg $0x90000  }
0xb1: {  	[dreg:$0x5] =	wrdreg $0x9  }
0xb2: {  	_ =	task.clear_ibuf [dreg:s7], $0x6FFFF;
	_ =	strace $0x9000004F  }
0xb3: {  	s29 =	simm.s32 $0x9;
	_ =	strace $0x80000051  }
0xb4: {  	_ =	swait.ge [sflag:s29], $0x1  }
0xb5: {  	[sflag:s29] =	ssyncadd.s32 $0xFFFFFFFF  }
0xb6: {  	_ =	strace $0x90000051  }
0xb7: {  	_ =	sfence  }
0xb8: {  	s30 =	sld [smem:$0x0];
	_ =	sdelay $0x2  }
0xb9: {  	s31 =	sshll.u32 s1, $0xD;
	s1 =	sshrl.u32 s1, $0x2  }
0xba: {  	s3 =	sand.u32 $0x4000, s31;
	s1 =	sadd.s32 s1, s30  }
0xbb: {  	s0 =	sor.u32 s3, s0;
	s1 =	sshll.u32 s1, $0x11  }
0xbc: {  	s0 =	sor.u32 s1, s0  }
0xbd: {  	s0 =	sadd.s32 $0x8F2B, s0  }
0xbe: {  	[sflag:s0] =	ssyncadd.remote.s32 $0x1  }
0xbf: {  	_ =	sfence.sel $0xFFFF  }
0xc0: {  	[dreg:$0x0] =	wrdreg $0xFFFFFFFF;
	(pc) =	sbr.abs _section_cstart, $3  }
0xc1: {  	[dreg:$0x1] =	wrdreg $0xFFFFFFFF  }
0xc2: {  	_ =	task.clear_ibuf [dreg:s7], $0x2FFFF;
	_ =	strace $0x9FFFFFFF  }
0xc3: {  	(tm) =	ssettm $0x7FFFFFFF  }
tec
execute0_lowered:
.L_overlay_start_1:
0x0: {  	(tag) =	ssettag $0x1  }
0x1: {  	s5 =	rddreg [dreg:$0x0]  }
0x2: {  	s6 =	rddreg [dreg:$0x1]  }
0x3: {  	s1 =	rddreg [dreg:$0x2];
	s2 =	srdreg.scid  }
0x4: {  	s0 =	rddreg [dreg:$0x3];
	s3 =	simm.s32 $0x0;
	s15 =	simm.s32 $0x2800  }
0x5: {  	s16 =	simm.s32 $0x5000;
	s17 =	simm.s32 $0x80;
	s18 =	simm.s32 $0x1  }
0x6: {  	s21 =	simm.s32 $0x0;
	s7 =	sand.u32 $0x1, s2;
	s2 =	stileid.u32  }
0x7: {  	[smem:$0x7FF] =	sst s3;
	s4 =	sshll.u32 s7, $0x4;
	s8 =	smul.u32 $0x140000, s7  }
0x8: {  	s10 =	smul.u32 $0x14000, s2;
	_ =	strace $0x80000050;
	s7 =	ssub.s32 $0x2, s7  }
0x9: {  	s30 =	smul.u32 $0x50000, s2;
	s19 =	sshll.u32 s2, $0x6;
	s9 =	sor.u32 s2, s4  }
0xa: {  	s4 =	sadd.s32 $0xF000, s5;
	s12 =	sshrl.u32 s7, $0x1;
	s19 =	sor.u32 $0x1C02, s19  }
0xb: {  	s9 =	smul.u32 $0x500, s9;
	s8 =	sadd.s32 s10, s8;
	s31 =	sshrl.u32 s30, $0x2  }
0xc: {  	s14 =	ssub.s32 s7, s12;
	s8 =	sshrl.u32 s8, $0x3;
	s7 =	sadd.s32 s31, s1  }
0xd: {  	s11 =	sadd.s32 s9, s5;
	s13 =	sadd.s32 s8, s5;
	s5 =	sadd.s32 s6, s9  }
0xe: {  	s8 =	sadd.s32 $0x4000, s7;
	s9 =	sadd.s32 $0x8000, s7;
	s10 =	sadd.s32 $0xC000, s7  }
0xf: {  	s20 =	sshrl.u32 s7, $0x3;
	s6 =	sadd.s32 $0x5000, s11;
	s11 =	sadd.s32 $0x10000, s7  }
0x10: {  	v0 =	vimm.f32 $0.0e+00;
	s12 =	sadd.s32 $0x5D400, s13;
	s13 =	smax.u32 s14, $0x1;
	s14 =	simm.s32 $0x2  }
.LBB2_1:
0x11: {  	[tilespmem:s3], [sflag:$0x2] =	stream.linear.gather [hbm4b:s5+s3], $0x2780, $0x38;
	[tilespmem:$0x1D000] =	vst v63  }
0x12: {  	_ =	swait.ge [sflag:s14], $0x2780  }
0x13: {  	[sflag:s14] =	ssyncset.done $0x0  }
0x14: {  	[sflag:s14] =	ssyncadd.s32 $0xFFFFD880  }
0x15: {  	[tilespmem:s15], [sflag:$0x2] =	stream.linear.gather [hbm4b:s6+s3], $0x2780, $0x38;
	[tilespmem:$0x1D000] =	vst v63  }
0x16: {  	_ =	swait.ge [sflag:s14], $0x2780  }
0x17: {  	[sflag:s14] =	ssyncset.done $0x0  }
0x18: {  	s22 =	simm.s32 $0x0;
	s23 =	simm.s32 $0x200;
	[sflag:s14] =	ssyncadd.s32 $0xFFFFD880  }
.LBB2_2:
0x19: {  	p0 =	sne.s32 s23, $0xFE00;
	[tilespmem:s22+$0x5070] =	vst v0  }
0x1a: {  	[tilespmem:s22+$0x5000] =	vst v0  }
0x1b: {  	[tilespmem:s22+$0x5010] =	vst v0  }
.Ltmp0:
0x1c: {  	[tilespmem:s22+$0x5020] =	vst v0;
	(pc) =	sbr.rel @p0 .LBB2_2-.Ltmp0, $4  }
0x1d: {  	[tilespmem:s22+$0x5030] =	vst v0  }
0x1e: {  	[tilespmem:s22+$0x5040] =	vst v0  }
0x1f: {  	[tilespmem:s22+$0x5050] =	vst v0  }
0x20: {  	[tilespmem:s22+$0x5060] =	vst v0;
	s22 =	sshra.s32 s23, $0x2;
	s23 =	sadd.s32 $0x200, s23  }
0x21: {  	[tilespmem:s22+$0x5070] =	vst v0  }
0x22: {  	[tilespmem:s22+$0x5000] =	vst v0  }
0x23: {  	[tilespmem:s22+$0x5010] =	vst v0  }
0x24: {  	[tilespmem:s22+$0x5020] =	vst v0  }
0x25: {  	[tilespmem:s22+$0x5030] =	vst v0  }
0x26: {  	[tilespmem:s22+$0x5040] =	vst v0  }
0x27: {  	[tilespmem:s22+$0x5050] =	vst v0  }
0x28: {  	[tilespmem:s22+$0x5060] =	vst v0  }
0x29: {  	[spmem:s7] =	stream.linear.scatter [tilespmem:s16], [sflag:$0x2], $0x4000, $0x38;
	[tilespmem:$0x1D000] =	vst v63  }
0x2a: {  	_ =	swait.ge [sflag:s14], $0x4000  }
0x2b: {  	[sflag:s14] =	ssyncset.done $0x0  }
0x2c: {  	[sflag:s14] =	ssyncadd.s32 $0xFFFFC000  }
0x2d: {  	[spmem:s8] =	stream.linear.scatter [tilespmem:s16], [sflag:$0x2], $0x4000, $0x38;
	[tilespmem:$0x1D000] =	vst v63  }
0x2e: {  	_ =	swait.ge [sflag:s14], $0x4000  }
0x2f: {  	[sflag:s14] =	ssyncset.done $0x0  }
0x30: {  	[sflag:s14] =	ssyncadd.s32 $0xFFFFC000  }
0x31: {  	[spmem:s9] =	stream.linear.scatter [tilespmem:s16], [sflag:$0x2], $0x4000, $0x38;
	[tilespmem:$0x1D000] =	vst v63  }
0x32: {  	_ =	swait.ge [sflag:s14], $0x4000  }
0x33: {  	[sflag:s14] =	ssyncset.done $0x0  }
0x34: {  	[sflag:s14] =	ssyncadd.s32 $0xFFFFC000  }
0x35: {  	[spmem:s10] =	stream.linear.scatter [tilespmem:s16], [sflag:$0x2], $0x4000, $0x38;
	[tilespmem:$0x1D000] =	vst v63  }
0x36: {  	_ =	swait.ge [sflag:s14], $0x4000  }
0x37: {  	[sflag:s14] =	ssyncset.done $0x0  }
0x38: {  	[sflag:s14] =	ssyncadd.s32 $0xFFFFC000  }
0x39: {  	[spmem:s11] =	stream.linear.scatter [tilespmem:s16], [sflag:$0x2], $0x4000, $0x38;
	[tilespmem:$0x1D000] =	vst v63  }
0x3a: {  	_ =	swait.ge [sflag:s14], $0x4000  }
0x3b: {  	[sflag:s14] =	ssyncset.done $0x0  }
0x3c: {  	[sflag:s14] =	ssyncadd.s32 $0xFFFFC000  }
0x3d: {  	s30 =	simm.s32 $0x0;
	[bflag:$0x0] =	sbarrier.arrive $0xFFFF  }
0x3e: {  	[tilespmem:s16], [sflag:$0x1] =	stream.indirect.gather [hbm4b:s4+s17], $0x80, s30, s17, $0xb8;
	[tilespmem:$0x1D000] =	vst v63  }
0x3f: {  	_ =	swait.ge [sflag:s18], $0x4000  }
0x40: {  	[sflag:s18] =	ssyncset.done $0x0  }
0x41: {  	s31 =	simm.s32 $0x2800;
	[sflag:s18] =	ssyncadd.s32 $0xFFFFC000  }
0x42: {  	[spmem:s1] =	stream.indirect.scatter.add.f32 [tilespmem:s16], [sflag:$0x2], $0x80, s31, s17, $0xb8;
	[tilespmem:$0x1D000] =	vst v63  }
0x43: {  	_ =	swait.ge [sflag:s14], $0x4000  }
0x44: {  	s22 =	simm.s32 $0x200;
	s23 =	simm.s32 $0x400;
	[sflag:s14] =	ssyncset.done $0x0  }
.LBB2_4:
0x45: {  	s24 =	sshra.s32 s22, $0x2  }
0x46: {  	[sflag:s14] =	ssyncadd.s32 $0xFFFFC000;
	s22 =	smov.u32 s23;
	s25 =	sadd.s32 $0x200, s23  }
0x47: {  	[tilespmem:s16], [sflag:$0x1] =	stream.indirect.gather [hbm4b:s4+s17], $0x80, s24, s17, $0xb8;
	[tilespmem:$0x1D000] =	vst v63  }
0x48: {  	p0 =	sne.s32 s23, $0x9C00;
	_ =	swait.ge [sflag:s18], $0x4000  }
.Ltmp1:
0x49: {  	[sflag:s18] =	ssyncset.done $0x0;
	(pc) =	sbr.rel @p0 .LBB2_4-.Ltmp1, $4  }
0x4a: {  	s23 =	sadd.s32 $0x2800, s24;
	[sflag:s18] =	ssyncadd.s32 $0xFFFFC000  }
0x4b: {  	[spmem:s1] =	stream.indirect.scatter.add.f32 [tilespmem:s16], [sflag:$0x2], $0x80, s23, s17, $0xb8;
	[tilespmem:$0x1D000] =	vst v63  }
0x4c: {  	_ =	swait.ge [sflag:s14], $0x4000  }
0x4d: {  	s23 =	smov.u32 s25;
	[sflag:s14] =	ssyncset.done $0x0  }
0x4e: {  	s22 =	sshra.s32 s22, $0x2;
	[sflag:s14] =	ssyncadd.s32 $0xFFFFC000  }
0x4f: {  	[tilespmem:s16], [sflag:$0x1] =	stream.indirect.gather [hbm4b:s4+s17], $0x80, s22, s17, $0xb8;
	[tilespmem:$0x1D000] =	vst v63  }
0x50: {  	_ =	swait.ge [sflag:s18], $0x4000  }
0x51: {  	[sflag:s18] =	ssyncset.done $0x0  }
0x52: {  	s22 =	sadd.s32 $0x2800, s22;
	[sflag:s18] =	ssyncadd.s32 $0xFFFFC000  }
0x53: {  	[spmem:s1] =	stream.indirect.scatter.add.f32 [tilespmem:s16], [sflag:$0x2], $0x80, s22, s17, $0xb8;
	[tilespmem:$0x1D000] =	vst v63  }
0x54: {  	_ =	swait.ge [sflag:s14], $0x4000  }
0x55: {  	s21 =	sadd.s32 $0x1, s21;
	[sflag:s14] =	ssyncset.done $0x0  }
0x56: {  	p0 =	sne.s32 s21, s13;
	[sflag:s14] =	ssyncadd.s32 $0xFFFFC000  }
.Ltmp2:
0x57: {  	[bflag:$0x0] =	sbarrier.arrive $0xFFFF;
	(pc) =	sbr.rel @p0 .LBB2_1-.Ltmp2, $4  }
0x58: {  	[hbm:s12], [sflag:s19] =	dma.local [spmem:s20], $0x2800  }
0x59: {  	_ =	swait.ge [sflag:s14], $0x2800  }
0x5a: {  	[sflag:s14] =	ssyncset.done $0x0  }
0x5b: {  	[sflag:s14] =	ssyncadd.s32 $0xFFFFD800  }
0x5c: {  	_ =	sfence.sel $0x180000  }
0x5d: {  	[bflag:$0x0] =	sbarrier.arrive $0xFFFF  }
0x5e: {  	p0 =	sne.s32 s2, $0x0;
	_ =	strace $0x90000050  }
0x5f: {  	s0 =	sadd.s32 @!p0 $0x100000, s0;
	[bflag:$0x2] =	sbarrier.arrive $0xFFFF  }
0x60: {  	[sflag:s0] =	ssyncadd.tile.s32 @!p0 $0x1;
	_ =	shalt  }
.Lfunc_end2:
_tile_overlayer_lowered:
.L_overlay_start_2:
0x61: {  	(tag) =	ssettag $0x2  }
0x62: {  	s0 =	rddreg [dreg:$0x0];
	s2 =	stileid.u32  }
0x63: {  	s1 =	rddreg [dreg:$0x1];
	p0 =	sne.s32 s2, $0x0  }
0x64: {  	s3 =	rddreg [dreg:$0x2];
	[bflag:$0x3] =	sbarrier.arrive $0xFFFF;
	s2 =	simm.s32 @!p0 $0x1C02  }
0x65: {  	[timem:s3], [sflag:s2] =	dma.local @!p0 [hbm:s0], s1  }
0x66: {  	s0 =	simm.s32 @!p0 $0x2  }
0x67: {  	_ =	swait.ge @!p0 [sflag:s0], s1  }
0x68: {  	s1 =	ssub.s32 @!p0 $0x0, s1;
	[sflag:s0] =	ssyncset.done @!p0 $0x0  }
0x69: {  	[sflag:s0] =	ssyncadd.s32 @!p0 s1  }
0x6a: {  	[bflag:$0x3] =	sbarrier.arrive $0xFFFF  }
0x6b: {  	_ =	shalt  }

</sc_bundles>
